<compile_context>
chip_gen: v7x
topology: tpu7x:2x2x1
jax: 0.10.2.dev20260603
libtpu: 0.0.44.dev20260713+nightly
codegen_flags: <defaults>
</compile_context>

<pallas_src>
import jax
import jax.numpy as jnp
from jax import lax
from jax.experimental import pallas as pl
from jax.experimental.pallas import tpu as pltpu
from jax.experimental.pallas import tpu_sc as plsc

B = 16384
L = 20
D = 16
NC, NS = 2, 16
NW = NC * NS
BPW = B // NW
IDXW = 128
IPW = BPW * L // IDXW
GROUPS = 16
IPG = IPW // GROUPS
RPG = IPG * IDXW
BRPG = RPG // L


def _body(uid_hbm, mid_hbm, utab_hbm, mtab_hbm, par_hbm, out_hbm,
          uidx_v, midx_v, ur0_v, ur1_v, mr0_v, mr1_v, par_v, out_v,
          sem_u0, sem_u1, sem_m0, sem_m1):
    cid = lax.axis_index("c")
    sid = lax.axis_index("s")
    wid = sid * NC + cid

    pltpu.sync_copy(uid_hbm.at[pl.ds(wid * IPW, IPW)], uidx_v)
    pltpu.sync_copy(mid_hbm.at[pl.ds(wid * IPW, IPW)], midx_v)
    pltpu.sync_copy(par_hbm, par_v)
    w16 = par_v[pl.ds(0, D)]
    bias = par_v[pl.ds(D, D)]
    lane = lax.iota(jnp.int32, D)

    urs = (ur0_v, ur1_v)
    mrs = (mr0_v, mr1_v)
    usem = (sem_u0, sem_u1)
    msem = (sem_m0, sem_m1)

    def fire(g, b):
        for j in range(IPG):
            pltpu.async_copy(utab_hbm.at[uidx_v.at[g * IPG + j]],
                             urs[b].at[pl.ds(j * IDXW, IDXW)], usem[b])
            pltpu.async_copy(mtab_hbm.at[midx_v.at[g * IPG + j]],
                             mrs[b].at[pl.ds(j * IDXW, IDXW)], msem[b])

    def drain(b):
        pltpu.make_async_copy(
            utab_hbm.at[pl.ds(0, RPG)], urs[b], usem[b]).wait()
        pltpu.make_async_copy(
            mtab_hbm.at[pl.ds(0, RPG)], mrs[b], msem[b]).wait()

    def compute(g, b):
        for h in range(BRPG // D):
            def row(i, res):
                o = (h * D + i) * L
                acc = urs[b][o] * mrs[b][o]
                for l in range(1, L):
                    acc = acc + urs[b][o + l] * mrs[b][o + l]
                s = jnp.sum(acc * w16)
                return jnp.where(lane == i, s, res)
            res = lax.fori_loop(0, D, row, jnp.zeros((D,), jnp.float32))
            out_v[pl.ds(g * BRPG + h * D, D)] = res + bias

    fire(0, 0)
    fire(1, 1)

    def pair(p, carry):
        for b in range(2):
            g = p * 2 + b
            drain(b)
            compute(g, b)

            @pl.when(g + 2 < GROUPS)
            def _():
                fire(g + 2, b)
        return carry

    lax.fori_loop(0, GROUPS // 2, pair, 0)
    pltpu.sync_copy(out_v, out_hbm.at[pl.ds(wid * BPW, BPW)])


@jax.jit
def _sc_call(uid2d, mid2d, utab, mtab, par):
    mesh = plsc.VectorSubcoreMesh(core_axis_name="c", subcore_axis_name="s")
    return pl.kernel(
        _body,
        out_type=jax.ShapeDtypeStruct((B,), jnp.float32),
        mesh=mesh,
        compiler_params=pltpu.CompilerParams(
            needs_layout_passes=False, use_tc_tiling_on_sc=False),
        scratch_types=[
            pltpu.VMEM((IPW, IDXW), jnp.int32),
            pltpu.VMEM((IPW, IDXW), jnp.int32),
            pltpu.VMEM((RPG, D), jnp.float32),
            pltpu.VMEM((RPG, D), jnp.float32),
            pltpu.VMEM((RPG, D), jnp.float32),
            pltpu.VMEM((RPG, D), jnp.float32),
            pltpu.VMEM((32,), jnp.float32),
            pltpu.VMEM((BPW,), jnp.float32),
            pltpu.SemaphoreType.DMA,
            pltpu.SemaphoreType.DMA,
            pltpu.SemaphoreType.DMA,
            pltpu.SemaphoreType.DMA,
        ],
    )(uid2d, mid2d, utab, mtab, par)


def kernel(user_id, movie_id, user_table, movie_table, fc_w, fc_b):
    uid2d = user_id.reshape(B * L // IDXW, IDXW)
    mid2d = movie_id.reshape(B * L // IDXW, IDXW)
    par = jnp.concatenate([fc_w[0], jnp.full((D,), fc_b[0], jnp.float32)])
    return _sc_call(uid2d, mid2d, user_table, movie_table, par)

# --- scband reference (transcript-rebuilt; emitter-appended) ---
"""Pipeline reference for scband-recommender-model-59734405153527 (READ-ONLY COPY).

The authoritative reference and input builder live on the scoring server;
editing this copy changes nothing except your own understanding.
"""

import jax, jax.numpy as jnp
import numpy as np

NUM_USERS = 1000000
NUM_MOVIES = 1000000
EMBED_DIM = 16
BATCH = 16384
HIST = 20


def setup_inputs(seed: int = 0) -> dict:
    key = jax.random.key(seed)
    k1, k2, k3, k4, k5, k6 = jax.random.split(key, 6)
    user_id = jax.random.randint(k1, (BATCH, HIST), 0, NUM_USERS, dtype=jnp.int64 if jax.config.jax_enable_x64 else jnp.int32)
    movie_id = jax.random.randint(k2, (BATCH, HIST), 0, NUM_MOVIES, dtype=jnp.int64 if jax.config.jax_enable_x64 else jnp.int32)
    user_table = jax.random.normal(k3, (NUM_USERS, EMBED_DIM), dtype=jnp.float32) * 0.01
    movie_table = jax.random.normal(k4, (NUM_MOVIES, EMBED_DIM), dtype=jnp.float32) * 0.01
    fc_w = jax.random.normal(k5, (1, EMBED_DIM), dtype=jnp.float32) * (1.0 / np.sqrt(EMBED_DIM))
    fc_b = jax.random.normal(k6, (1,), dtype=jnp.float32) * 0.01
    return {
        "user_id": user_id,
        "movie_id": movie_id,
        "user_table": user_table,
        "movie_table": movie_table,
        "fc_w": fc_w,
        "fc_b": fc_b,
    }


def reference(user_id, movie_id, user_table, movie_table, fc_w, fc_b):
    # user_vec = self.user_embedding(user_id) -> [B, L, D]
    user_vec = jnp.take(user_table, user_id, axis=0)
    # movie_vec = self.movie_embedding(movie_id) -> [B, L, D]
    movie_vec = jnp.take(movie_table, movie_id, axis=0)
    # interaction = user_vec * movie_vec -> [B, L, D]
    interaction = user_vec * movie_vec
    # interaction.sum(dim=1) -> [B, D]
    summed = interaction.sum(axis=1)
    # prediction = self.fc(...) -> [B, 1]
    prediction = summed @ fc_w.T + fc_b
    # .squeeze() -> [B]
    return jnp.squeeze(prediction)

if __name__ == "__main__":
    import jax
    _d = setup_inputs()
    print(jax.jit(kernel)(*tuple(_d.values())))

</pallas_src>

<mosaic_0001>
#map = affine_map<(d0, d1) -> (0, 0)>
#map1 = affine_map<(d0, d1) -> (0)>
module attributes {stable_mosaic.version = 14 : i64} {
  func.func @_body(%arg0: i32, %arg1: i32, %arg2: memref<2560x128xi32, #tpu.memory_space<hbm>>, %arg3: memref<2560x128xi32, #tpu.memory_space<hbm>>, %arg4: memref<1000000x16xf32, #tpu.memory_space<hbm>>, %arg5: memref<1000000x16xf32, #tpu.memory_space<hbm>>, %arg6: memref<32xf32, #tpu.memory_space<hbm>>, %arg7: memref<16384xf32, #tpu.memory_space<hbm>>, %arg8: memref<80x128xi32, #tpu.memory_space<vmem>>, %arg9: memref<80x128xi32, #tpu.memory_space<vmem>>, %arg10: memref<640x16xf32, #tpu.memory_space<vmem>>, %arg11: memref<640x16xf32, #tpu.memory_space<vmem>>, %arg12: memref<640x16xf32, #tpu.memory_space<vmem>>, %arg13: memref<640x16xf32, #tpu.memory_space<vmem>>, %arg14: memref<32xf32, #tpu.memory_space<vmem>>, %arg15: memref<512xf32, #tpu.memory_space<vmem>>, %arg16: memref<!tpu.dma_semaphore, #tpu.memory_space<semaphore_mem>>, %arg17: memref<!tpu.dma_semaphore, #tpu.memory_space<semaphore_mem>>, %arg18: memref<!tpu.dma_semaphore, #tpu.memory_space<semaphore_mem>>, %arg19: memref<!tpu.dma_semaphore, #tpu.memory_space<semaphore_mem>>) attributes {dimension_semantics = [#tpu.dimension_semantics<core_parallel>, #tpu.dimension_semantics<subcore_parallel>], iteration_bounds = array<i64: 2, 16>, scalar_prefetch = 0 : i64, scratch_operands = 12 : i64, tpu.core_type = #tpu.core_type<sc_vector_subcore>, window_params = [{transform_indices = #map}, {transform_indices = #map}, {transform_indices = #map}, {transform_indices = #map}, {transform_indices = #map1}, {transform_indices = #map1}]} {
    %mul3A = arith.constant 2 : i32
    %mul3A_0 = arith.muli %arg1, %mul3A : i32
    %add3A = arith.addi %mul3A_0, %arg0 : i32
    %mul3A_1 = arith.constant 80 : i32
    %mul3A_2 = arith.muli %add3A, %mul3A_1 : i32
    "tpu.region"() ({
      %run_scoped3A = tpu.sem_alloc : memref<!tpu.dma_semaphore, #tpu.memory_space<semaphore_mem>>
      %dma_start3A_214 = arith.constant 0 : i32
      %dma_start3A_215 = tpu.memref_slice %arg2[%mul3A_2, %dma_start3A_214] : memref<2560x128xi32, #tpu.memory_space<hbm>> -> memref<80x128xi32, #tpu.memory_space<hbm>>
      %dma_start3A_216 = arith.constant 0 : i32
      %dma_start3A_217 = tpu.memref_slice %arg2[%mul3A_2, %dma_start3A_216] : memref<2560x128xi32, #tpu.memory_space<hbm>> -> memref<80x128xi32, #tpu.memory_space<hbm>>
      tpu.enqueue_dma source(%dma_start3A_217 : memref<80x128xi32, #tpu.memory_space<hbm>>) target(%arg8 : memref<80x128xi32, #tpu.memory_space<vmem>>) target_semaphore(%run_scoped3A : memref<!tpu.dma_semaphore, #tpu.memory_space<semaphore_mem>>)
      %dma_wait3A = arith.constant 0 : i32
      %dma_wait3A_218 = tpu.memref_slice %arg2[%mul3A_2, %dma_wait3A] : memref<2560x128xi32, #tpu.memory_space<hbm>> -> memref<80x128xi32, #tpu.memory_space<hbm>>
      %dma_wait3A_219 = arith.constant 0 : i32
      %dma_wait3A_220 = tpu.memref_slice %arg2[%mul3A_2, %dma_wait3A_219] : memref<2560x128xi32, #tpu.memory_space<hbm>> -> memref<80x128xi32, #tpu.memory_space<hbm>>
      tpu.wait_dma2 semaphore(%run_scoped3A : memref<!tpu.dma_semaphore, #tpu.memory_space<semaphore_mem>>) src(%dma_wait3A_220 : memref<80x128xi32, #tpu.memory_space<hbm>>) dst(%arg8 : memref<80x128xi32, #tpu.memory_space<vmem>>)
      tpu.yield
    }) : () -> ()
    %mul3A_3 = arith.constant 80 : i32
    %mul3A_4 = arith.muli %add3A, %mul3A_3 : i32
    "tpu.region"() ({
      %run_scoped3A = tpu.sem_alloc : memref<!tpu.dma_semaphore, #tpu.memory_space<semaphore_mem>>
      %dma_start3A_214 = arith.constant 0 : i32
      %dma_start3A_215 = tpu.memref_slice %arg3[%mul3A_4, %dma_start3A_214] : memref<2560x128xi32, #tpu.memory_space<hbm>> -> memref<80x128xi32, #tpu.memory_space<hbm>>
      %dma_start3A_216 = arith.constant 0 : i32
      %dma_start3A_217 = tpu.memref_slice %arg3[%mul3A_4, %dma_start3A_216] : memref<2560x128xi32, #tpu.memory_space<hbm>> -> memref<80x128xi32, #tpu.memory_space<hbm>>
      tpu.enqueue_dma source(%dma_start3A_217 : memref<80x128xi32, #tpu.memory_space<hbm>>) target(%arg9 : memref<80x128xi32, #tpu.memory_space<vmem>>) target_semaphore(%run_scoped3A : memref<!tpu.dma_semaphore, #tpu.memory_space<semaphore_mem>>)
      %dma_wait3A = arith.constant 0 : i32
      %dma_wait3A_218 = tpu.memref_slice %arg3[%mul3A_4, %dma_wait3A] : memref<2560x128xi32, #tpu.memory_space<hbm>> -> memref<80x128xi32, #tpu.memory_space<hbm>>
      %dma_wait3A_219 = arith.constant 0 : i32
      %dma_wait3A_220 = tpu.memref_slice %arg3[%mul3A_4, %dma_wait3A_219] : memref<2560x128xi32, #tpu.memory_space<hbm>> -> memref<80x128xi32, #tpu.memory_space<hbm>>
      tpu.wait_dma2 semaphore(%run_scoped3A : memref<!tpu.dma_semaphore, #tpu.memory_space<semaphore_mem>>) src(%dma_wait3A_220 : memref<80x128xi32, #tpu.memory_space<hbm>>) dst(%arg9 : memref<80x128xi32, #tpu.memory_space<vmem>>)
      tpu.yield
    }) : () -> ()
    "tpu.region"() ({
      %run_scoped3A = tpu.sem_alloc : memref<!tpu.dma_semaphore, #tpu.memory_space<semaphore_mem>>
      tpu.enqueue_dma source(%arg6 : memref<32xf32, #tpu.memory_space<hbm>>) target(%arg14 : memref<32xf32, #tpu.memory_space<vmem>>) target_semaphore(%run_scoped3A : memref<!tpu.dma_semaphore, #tpu.memory_space<semaphore_mem>>)
      tpu.wait_dma2 semaphore(%run_scoped3A : memref<!tpu.dma_semaphore, #tpu.memory_space<semaphore_mem>>) src(%arg6 : memref<32xf32, #tpu.memory_space<hbm>>) dst(%arg14 : memref<32xf32, #tpu.memory_space<vmem>>)
      tpu.yield
    }) : () -> ()
    %get3A = arith.constant 0 : index
    %get3A_5 = tpu.vector_load %arg14[%get3A] {strides = array<i32>} : memref<32xf32, #tpu.memory_space<vmem>>, vector<16xf32>,
    %get3A_6 = arith.constant 16 : index
    %get3A_7 = tpu.vector_load %arg14[%get3A_6] {strides = array<i32>} : memref<32xf32, #tpu.memory_space<vmem>>, vector<16xf32>,
    %iota3A = tpu.iota {dimensions = array<i32: 0>} : vector<16xi32>
    %dma_start3A = arith.constant 0 : i32
    %dma_start3A_8 = arith.constant 0 : i32
    %dma_start3A_9 = arith.constant 0 : i32
    %dma_start3A_10 = tpu.memref_slice %arg10[%dma_start3A_8, %dma_start3A_9] : memref<640x16xf32, #tpu.memory_space<vmem>> -> memref<128x16xf32, #tpu.memory_space<vmem>>
    %dma_start3A_11 = arith.constant 0 : i32
    %dma_start3A_12 = tpu.memref_slice %arg8[%dma_start3A, %dma_start3A_11] : memref<80x128xi32, #tpu.memory_space<vmem>> -> memref<1x128xi32, #tpu.memory_space<vmem>>
    %dma_start3A_13 = tpu.memref_squeeze %dma_start3A_12 : memref<1x128xi32, #tpu.memory_space<vmem>> -> memref<128xi32, #tpu.memory_space<vmem>>
    %dma_start3A_14 = arith.constant 0 : i32
    %dma_start3A_15 = arith.constant 0 : i32
    %dma_start3A_16 = tpu.memref_slice %arg4[%dma_start3A_14, %dma_start3A_15] : memref<1000000x16xf32, #tpu.memory_space<hbm>> -> memref<1000000x16xf32, #tpu.memory_space<hbm>>
    tpu.enqueue_indirect_dma source(%dma_start3A_16 : memref<1000000x16xf32, #tpu.memory_space<hbm>>) target(%dma_start3A_10 : memref<128x16xf32, #tpu.memory_space<vmem>>) offsets(%dma_start3A_13 : memref<128xi32, #tpu.memory_space<vmem>>) semaphore(%arg16 : memref<!tpu.dma_semaphore, #tpu.memory_space<semaphore_mem>>)
    %dma_start3A_17 = arith.constant 0 : i32
    %dma_start3A_18 = arith.constant 0 : i32
    %dma_start3A_19 = arith.constant 0 : i32
    %dma_start3A_20 = tpu.memref_slice %arg12[%dma_start3A_18, %dma_start3A_19] : memref<640x16xf32, #tpu.memory_space<vmem>> -> memref<128x16xf32, #tpu.memory_space<vmem>>
    %dma_start3A_21 = arith.constant 0 : i32
    %dma_start3A_22 = tpu.memref_slice %arg9[%dma_start3A_17, %dma_start3A_21] : memref<80x128xi32, #tpu.memory_space<vmem>> -> memref<1x128xi32, #tpu.memory_space<vmem>>
    %dma_start3A_23 = tpu.memref_squeeze %dma_start3A_22 : memref<1x128xi32, #tpu.memory_space<vmem>> -> memref<128xi32, #tpu.memory_space<vmem>>
    %dma_start3A_24 = arith.constant 0 : i32
    %dma_start3A_25 = arith.constant 0 : i32
    %dma_start3A_26 = tpu.memref_slice %arg5[%dma_start3A_24, %dma_start3A_25] : memref<1000000x16xf32, #tpu.memory_space<hbm>> -> memref<1000000x16xf32, #tpu.memory_space<hbm>>
    tpu.enqueue_indirect_dma source(%dma_start3A_26 : memref<1000000x16xf32, #tpu.memory_space<hbm>>) target(%dma_start3A_20 : memref<128x16xf32, #tpu.memory_space<vmem>>) offsets(%dma_start3A_23 : memref<128xi32, #tpu.memory_space<vmem>>) semaphore(%arg18 : memref<!tpu.dma_semaphore, #tpu.memory_space<semaphore_mem>>)
    %dma_start3A_27 = arith.constant 1 : i32
    %dma_start3A_28 = arith.constant 128 : i32
    %dma_start3A_29 = arith.constant 0 : i32
    %dma_start3A_30 = tpu.memref_slice %arg10[%dma_start3A_28, %dma_start3A_29] : memref<640x16xf32, #tpu.memory_space<vmem>> -> memref<128x16xf32, #tpu.memory_space<vmem>>
    %dma_start3A_31 = arith.constant 0 : i32
    %dma_start3A_32 = tpu.memref_slice %arg8[%dma_start3A_27, %dma_start3A_31] : memref<80x128xi32, #tpu.memory_space<vmem>> -> memref<1x128xi32, #tpu.memory_space<vmem>>
    %dma_start3A_33 = tpu.memref_squeeze %dma_start3A_32 : memref<1x128xi32, #tpu.memory_space<vmem>> -> memref<128xi32, #tpu.memory_space<vmem>>
    %dma_start3A_34 = arith.constant 0 : i32
    %dma_start3A_35 = arith.constant 0 : i32
    %dma_start3A_36 = tpu.memref_slice %arg4[%dma_start3A_34, %dma_start3A_35] : memref<1000000x16xf32, #tpu.memory_space<hbm>> -> memref<1000000x16xf32, #tpu.memory_space<hbm>>
    tpu.enqueue_indirect_dma source(%dma_start3A_36 : memref<1000000x16xf32, #tpu.memory_space<hbm>>) target(%dma_start3A_30 : memref<128x16xf32, #tpu.memory_space<vmem>>) offsets(%dma_start3A_33 : memref<128xi32, #tpu.memory_space<vmem>>) semaphore(%arg16 : memref<!tpu.dma_semaphore, #tpu.memory_space<semaphore_mem>>)
    %dma_start3A_37 = arith.constant 1 : i32
    %dma_start3A_38 = arith.constant 128 : i32
    %dma_start3A_39 = arith.constant 0 : i32
    %dma_start3A_40 = tpu.memref_slice %arg12[%dma_start3A_38, %dma_start3A_39] : memref<640x16xf32, #tpu.memory_space<vmem>> -> memref<128x16xf32, #tpu.memory_space<vmem>>
    %dma_start3A_41 = arith.constant 0 : i32
    %dma_start3A_42 = tpu.memref_slice %arg9[%dma_start3A_37, %dma_start3A_41] : memref<80x128xi32, #tpu.memory_space<vmem>> -> memref<1x128xi32, #tpu.memory_space<vmem>>
    %dma_start3A_43 = tpu.memref_squeeze %dma_start3A_42 : memref<1x128xi32, #tpu.memory_space<vmem>> -> memref<128xi32, #tpu.memory_space<vmem>>
    %dma_start3A_44 = arith.constant 0 : i32
    %dma_start3A_45 = arith.constant 0 : i32
    %dma_start3A_46 = tpu.memref_slice %arg5[%dma_start3A_44, %dma_start3A_45] : memref<1000000x16xf32, #tpu.memory_space<hbm>> -> memref<1000000x16xf32, #tpu.memory_space<hbm>>
    tpu.enqueue_indirect_dma source(%dma_start3A_46 : memref<1000000x16xf32, #tpu.memory_space<hbm>>) target(%dma_start3A_40 : memref<128x16xf32, #tpu.memory_space<vmem>>) offsets(%dma_start3A_43 : memref<128xi32, #tpu.memory_space<vmem>>) semaphore(%arg18 : memref<!tpu.dma_semaphore, #tpu.memory_space<semaphore_mem>>)
    %dma_start3A_47 = arith.constant 2 : i32
    %dma_start3A_48 = arith.constant 256 : i32
    %dma_start3A_49 = arith.constant 0 : i32
    %dma_start3A_50 = tpu.memref_slice %arg10[%dma_start3A_48, %dma_start3A_49] : memref<640x16xf32, #tpu.memory_space<vmem>> -> memref<128x16xf32, #tpu.memory_space<vmem>>
    %dma_start3A_51 = arith.constant 0 : i32
    %dma_start3A_52 = tpu.memref_slice %arg8[%dma_start3A_47, %dma_start3A_51] : memref<80x128xi32, #tpu.memory_space<vmem>> -> memref<1x128xi32, #tpu.memory_space<vmem>>
    %dma_start3A_53 = tpu.memref_squeeze %dma_start3A_52 : memref<1x128xi32, #tpu.memory_space<vmem>> -> memref<128xi32, #tpu.memory_space<vmem>>
    %dma_start3A_54 = arith.constant 0 : i32
    %dma_start3A_55 = arith.constant 0 : i32
    %dma_start3A_56 = tpu.memref_slice %arg4[%dma_start3A_54, %dma_start3A_55] : memref<1000000x16xf32, #tpu.memory_space<hbm>> -> memref<1000000x16xf32, #tpu.memory_space<hbm>>
    tpu.enqueue_indirect_dma source(%dma_start3A_56 : memref<1000000x16xf32, #tpu.memory_space<hbm>>) target(%dma_start3A_50 : memref<128x16xf32, #tpu.memory_space<vmem>>) offsets(%dma_start3A_53 : memref<128xi32, #tpu.memory_space<vmem>>) semaphore(%arg16 : memref<!tpu.dma_semaphore, #tpu.memory_space<semaphore_mem>>)
    %dma_start3A_57 = arith.constant 2 : i32
    %dma_start3A_58 = arith.constant 256 : i32
    %dma_start3A_59 = arith.constant 0 : i32
    %dma_start3A_60 = tpu.memref_slice %arg12[%dma_start3A_58, %dma_start3A_59] : memref<640x16xf32, #tpu.memory_space<vmem>> -> memref<128x16xf32, #tpu.memory_space<vmem>>
    %dma_start3A_61 = arith.constant 0 : i32
    %dma_start3A_62 = tpu.memref_slice %arg9[%dma_start3A_57, %dma_start3A_61] : memref<80x128xi32, #tpu.memory_space<vmem>> -> memref<1x128xi32, #tpu.memory_space<vmem>>
    %dma_start3A_63 = tpu.memref_squeeze %dma_start3A_62 : memref<1x128xi32, #tpu.memory_space<vmem>> -> memref<128xi32, #tpu.memory_space<vmem>>
    %dma_start3A_64 = arith.constant 0 : i32
    %dma_start3A_65 = arith.constant 0 : i32
    %dma_start3A_66 = tpu.memref_slice %arg5[%dma_start3A_64, %dma_start3A_65] : memref<1000000x16xf32, #tpu.memory_space<hbm>> -> memref<1000000x16xf32, #tpu.memory_space<hbm>>
    tpu.enqueue_indirect_dma source(%dma_start3A_66 : memref<1000000x16xf32, #tpu.memory_space<hbm>>) target(%dma_start3A_60 : memref<128x16xf32, #tpu.memory_space<vmem>>) offsets(%dma_start3A_63 : memref<128xi32, #tpu.memory_space<vmem>>) semaphore(%arg18 : memref<!tpu.dma_semaphore, #tpu.memory_space<semaphore_mem>>)
    %dma_start3A_67 = arith.constant 3 : i32
    %dma_start3A_68 = arith.constant 384 : i32
    %dma_start3A_69 = arith.constant 0 : i32
    %dma_start3A_70 = tpu.memref_slice %arg10[%dma_start3A_68, %dma_start3A_69] : memref<640x16xf32, #tpu.memory_space<vmem>> -> memref<128x16xf32, #tpu.memory_space<vmem>>
    %dma_start3A_71 = arith.constant 0 : i32
    %dma_start3A_72 = tpu.memref_slice %arg8[%dma_start3A_67, %dma_start3A_71] : memref<80x128xi32, #tpu.memory_space<vmem>> -> memref<1x128xi32, #tpu.memory_space<vmem>>
    %dma_start3A_73 = tpu.memref_squeeze %dma_start3A_72 : memref<1x128xi32, #tpu.memory_space<vmem>> -> memref<128xi32, #tpu.memory_space<vmem>>
    %dma_start3A_74 = arith.constant 0 : i32
    %dma_start3A_75 = arith.constant 0 : i32
    %dma_start3A_76 = tpu.memref_slice %arg4[%dma_start3A_74, %dma_start3A_75] : memref<1000000x16xf32, #tpu.memory_space<hbm>> -> memref<1000000x16xf32, #tpu.memory_space<hbm>>
    tpu.enqueue_indirect_dma source(%dma_start3A_76 : memref<1000000x16xf32, #tpu.memory_space<hbm>>) target(%dma_start3A_70 : memref<128x16xf32, #tpu.memory_space<vmem>>) offsets(%dma_start3A_73 : memref<128xi32, #tpu.memory_space<vmem>>) semaphore(%arg16 : memref<!tpu.dma_semaphore, #tpu.memory_space<semaphore_mem>>)
    %dma_start3A_77 = arith.constant 3 : i32
    %dma_start3A_78 = arith.constant 384 : i32
    %dma_start3A_79 = arith.constant 0 : i32
    %dma_start3A_80 = tpu.memref_slice %arg12[%dma_start3A_78, %dma_start3A_79] : memref<640x16xf32, #tpu.memory_space<vmem>> -> memref<128x16xf32, #tpu.memory_space<vmem>>
    %dma_start3A_81 = arith.constant 0 : i32
    %dma_start3A_82 = tpu.memref_slice %arg9[%dma_start3A_77, %dma_start3A_81] : memref<80x128xi32, #tpu.memory_space<vmem>> -> memref<1x128xi32, #tpu.memory_space<vmem>>
    %dma_start3A_83 = tpu.memref_squeeze %dma_start3A_82 : memref<1x128xi32, #tpu.memory_space<vmem>> -> memref<128xi32, #tpu.memory_space<vmem>>
    %dma_start3A_84 = arith.constant 0 : i32
    %dma_start3A_85 = arith.constant 0 : i32
    %dma_start3A_86 = tpu.memref_slice %arg5[%dma_start3A_84, %dma_start3A_85] : memref<1000000x16xf32, #tpu.memory_space<hbm>> -> memref<1000000x16xf32, #tpu.memory_space<hbm>>
    tpu.enqueue_indirect_dma source(%dma_start3A_86 : memref<1000000x16xf32, #tpu.memory_space<hbm>>) target(%dma_start3A_80 : memref<128x16xf32, #tpu.memory_space<vmem>>) offsets(%dma_start3A_83 : memref<128xi32, #tpu.memory_space<vmem>>) semaphore(%arg18 : memref<!tpu.dma_semaphore, #tpu.memory_space<semaphore_mem>>)
    %dma_start3A_87 = arith.constant 4 : i32
    %dma_start3A_88 = arith.constant 512 : i32
    %dma_start3A_89 = arith.constant 0 : i32
    %dma_start3A_90 = tpu.memref_slice %arg10[%dma_start3A_88, %dma_start3A_89] : memref<640x16xf32, #tpu.memory_space<vmem>> -> memref<128x16xf32, #tpu.memory_space<vmem>>
    %dma_start3A_91 = arith.constant 0 : i32
    %dma_start3A_92 = tpu.memref_slice %arg8[%dma_start3A_87, %dma_start3A_91] : memref<80x128xi32, #tpu.memory_space<vmem>> -> memref<1x128xi32, #tpu.memory_space<vmem>>
    %dma_start3A_93 = tpu.memref_squeeze %dma_start3A_92 : memref<1x128xi32, #tpu.memory_space<vmem>> -> memref<128xi32, #tpu.memory_space<vmem>>
    %dma_start3A_94 = arith.constant 0 : i32
    %dma_start3A_95 = arith.constant 0 : i32
    %dma_start3A_96 = tpu.memref_slice %arg4[%dma_start3A_94, %dma_start3A_95] : memref<1000000x16xf32, #tpu.memory_space<hbm>> -> memref<1000000x16xf32, #tpu.memory_space<hbm>>
    tpu.enqueue_indirect_dma source(%dma_start3A_96 : memref<1000000x16xf32, #tpu.memory_space<hbm>>) target(%dma_start3A_90 : memref<128x16xf32, #tpu.memory_space<vmem>>) offsets(%dma_start3A_93 : memref<128xi32, #tpu.memory_space<vmem>>) semaphore(%arg16 : memref<!tpu.dma_semaphore, #tpu.memory_space<semaphore_mem>>)
    %dma_start3A_97 = arith.constant 4 : i32
    %dma_start3A_98 = arith.constant 512 : i32
    %dma_start3A_99 = arith.constant 0 : i32
    %dma_start3A_100 = tpu.memref_slice %arg12[%dma_start3A_98, %dma_start3A_99] : memref<640x16xf32, #tpu.memory_space<vmem>> -> memref<128x16xf32, #tpu.memory_space<vmem>>
    %dma_start3A_101 = arith.constant 0 : i32
    %dma_start3A_102 = tpu.memref_slice %arg9[%dma_start3A_97, %dma_start3A_101] : memref<80x128xi32, #tpu.memory_space<vmem>> -> memref<1x128xi32, #tpu.memory_space<vmem>>
    %dma_start3A_103 = tpu.memref_squeeze %dma_start3A_102 : memref<1x128xi32, #tpu.memory_space<vmem>> -> memref<128xi32, #tpu.memory_space<vmem>>
    %dma_start3A_104 = arith.constant 0 : i32
    %dma_start3A_105 = arith.constant 0 : i32
    %dma_start3A_106 = tpu.memref_slice %arg5[%dma_start3A_104, %dma_start3A_105] : memref<1000000x16xf32, #tpu.memory_space<hbm>> -> memref<1000000x16xf32, #tpu.memory_space<hbm>>
    tpu.enqueue_indirect_dma source(%dma_start3A_106 : memref<1000000x16xf32, #tpu.memory_space<hbm>>) target(%dma_start3A_100 : memref<128x16xf32, #tpu.memory_space<vmem>>) offsets(%dma_start3A_103 : memref<128xi32, #tpu.memory_space<vmem>>) semaphore(%arg18 : memref<!tpu.dma_semaphore, #tpu.memory_space<semaphore_mem>>)
    %dma_start3A_107 = arith.constant 5 : i32
    %dma_start3A_108 = arith.constant 0 : i32
    %dma_start3A_109 = arith.constant 0 : i32
    %dma_start3A_110 = tpu.memref_slice %arg11[%dma_start3A_108, %dma_start3A_109] : memref<640x16xf32, #tpu.memory_space<vmem>> -> memref<128x16xf32, #tpu.memory_space<vmem>>
    %dma_start3A_111 = arith.constant 0 : i32
    %dma_start3A_112 = tpu.memref_slice %arg8[%dma_start3A_107, %dma_start3A_111] : memref<80x128xi32, #tpu.memory_space<vmem>> -> memref<1x128xi32, #tpu.memory_space<vmem>>
    %dma_start3A_113 = tpu.memref_squeeze %dma_start3A_112 : memref<1x128xi32, #tpu.memory_space<vmem>> -> memref<128xi32, #tpu.memory_space<vmem>>
    %dma_start3A_114 = arith.constant 0 : i32
    %dma_start3A_115 = arith.constant 0 : i32
    %dma_start3A_116 = tpu.memref_slice %arg4[%dma_start3A_114, %dma_start3A_115] : memref<1000000x16xf32, #tpu.memory_space<hbm>> -> memref<1000000x16xf32, #tpu.memory_space<hbm>>
    tpu.enqueue_indirect_dma source(%dma_start3A_116 : memref<1000000x16xf32, #tpu.memory_space<hbm>>) target(%dma_start3A_110 : memref<128x16xf32, #tpu.memory_space<vmem>>) offsets(%dma_start3A_113 : memref<128xi32, #tpu.memory_space<vmem>>) semaphore(%arg17 : memref<!tpu.dma_semaphore, #tpu.memory_space<semaphore_mem>>)
    %dma_start3A_117 = arith.constant 5 : i32
    %dma_start3A_118 = arith.constant 0 : i32
    %dma_start3A_119 = arith.constant 0 : i32
    %dma_start3A_120 = tpu.memref_slice %arg13[%dma_start3A_118, %dma_start3A_119] : memref<640x16xf32, #tpu.memory_space<vmem>> -> memref<128x16xf32, #tpu.memory_space<vmem>>
    %dma_start3A_121 = arith.constant 0 : i32
    %dma_start3A_122 = tpu.memref_slice %arg9[%dma_start3A_117, %dma_start3A_121] : memref<80x128xi32, #tpu.memory_space<vmem>> -> memref<1x128xi32, #tpu.memory_space<vmem>>
    %dma_start3A_123 = tpu.memref_squeeze %dma_start3A_122 : memref<1x128xi32, #tpu.memory_space<vmem>> -> memref<128xi32, #tpu.memory_space<vmem>>
    %dma_start3A_124 = arith.constant 0 : i32
    %dma_start3A_125 = arith.constant 0 : i32
    %dma_start3A_126 = tpu.memref_slice %arg5[%dma_start3A_124, %dma_start3A_125] : memref<1000000x16xf32, #tpu.memory_space<hbm>> -> memref<1000000x16xf32, #tpu.memory_space<hbm>>
    tpu.enqueue_indirect_dma source(%dma_start3A_126 : memref<1000000x16xf32, #tpu.memory_space<hbm>>) target(%dma_start3A_120 : memref<128x16xf32, #tpu.memory_space<vmem>>) offsets(%dma_start3A_123 : memref<128xi32, #tpu.memory_space<vmem>>) semaphore(%arg19 : memref<!tpu.dma_semaphore, #tpu.memory_space<semaphore_mem>>)
    %dma_start3A_127 = arith.constant 6 : i32
    %dma_start3A_128 = arith.constant 128 : i32
    %dma_start3A_129 = arith.constant 0 : i32
    %dma_start3A_130 = tpu.memref_slice %arg11[%dma_start3A_128, %dma_start3A_129] : memref<640x16xf32, #tpu.memory_space<vmem>> -> memref<128x16xf32, #tpu.memory_space<vmem>>
    %dma_start3A_131 = arith.constant 0 : i32
    %dma_start3A_132 = tpu.memref_slice %arg8[%dma_start3A_127, %dma_start3A_131] : memref<80x128xi32, #tpu.memory_space<vmem>> -> memref<1x128xi32, #tpu.memory_space<vmem>>
    %dma_start3A_133 = tpu.memref_squeeze %dma_start3A_132 : memref<1x128xi32, #tpu.memory_space<vmem>> -> memref<128xi32, #tpu.memory_space<vmem>>
    %dma_start3A_134 = arith.constant 0 : i32
    %dma_start3A_135 = arith.constant 0 : i32
    %dma_start3A_136 = tpu.memref_slice %arg4[%dma_start3A_134, %dma_start3A_135] : memref<1000000x16xf32, #tpu.memory_space<hbm>> -> memref<1000000x16xf32, #tpu.memory_space<hbm>>
    tpu.enqueue_indirect_dma source(%dma_start3A_136 : memref<1000000x16xf32, #tpu.memory_space<hbm>>) target(%dma_start3A_130 : memref<128x16xf32, #tpu.memory_space<vmem>>) offsets(%dma_start3A_133 : memref<128xi32, #tpu.memory_space<vmem>>) semaphore(%arg17 : memref<!tpu.dma_semaphore, #tpu.memory_space<semaphore_mem>>)
    %dma_start3A_137 = arith.constant 6 : i32
    %dma_start3A_138 = arith.constant 128 : i32
    %dma_start3A_139 = arith.constant 0 : i32
    %dma_start3A_140 = tpu.memref_slice %arg13[%dma_start3A_138, %dma_start3A_139] : memref<640x16xf32, #tpu.memory_space<vmem>> -> memref<128x16xf32, #tpu.memory_space<vmem>>
    %dma_start3A_141 = arith.constant 0 : i32
    %dma_start3A_142 = tpu.memref_slice %arg9[%dma_start3A_137, %dma_start3A_141] : memref<80x128xi32, #tpu.memory_space<vmem>> -> memref<1x128xi32, #tpu.memory_space<vmem>>
    %dma_start3A_143 = tpu.memref_squeeze %dma_start3A_142 : memref<1x128xi32, #tpu.memory_space<vmem>> -> memref<128xi32, #tpu.memory_space<vmem>>
    %dma_start3A_144 = arith.constant 0 : i32
    %dma_start3A_145 = arith.constant 0 : i32
    %dma_start3A_146 = tpu.memref_slice %arg5[%dma_start3A_144, %dma_start3A_145] : memref<1000000x16xf32, #tpu.memory_space<hbm>> -> memref<1000000x16xf32, #tpu.memory_space<hbm>>
    tpu.enqueue_indirect_dma source(%dma_start3A_146 : memref<1000000x16xf32, #tpu.memory_space<hbm>>) target(%dma_start3A_140 : memref<128x16xf32, #tpu.memory_space<vmem>>) offsets(%dma_start3A_143 : memref<128xi32, #tpu.memory_space<vmem>>) semaphore(%arg19 : memref<!tpu.dma_semaphore, #tpu.memory_space<semaphore_mem>>)
    %dma_start3A_147 = arith.constant 7 : i32
    %dma_start3A_148 = arith.constant 256 : i32
    %dma_start3A_149 = arith.constant 0 : i32
    %dma_start3A_150 = tpu.memref_slice %arg11[%dma_start3A_148, %dma_start3A_149] : memref<640x16xf32, #tpu.memory_space<vmem>> -> memref<128x16xf32, #tpu.memory_space<vmem>>
    %dma_start3A_151 = arith.constant 0 : i32
    %dma_start3A_152 = tpu.memref_slice %arg8[%dma_start3A_147, %dma_start3A_151] : memref<80x128xi32, #tpu.memory_space<vmem>> -> memref<1x128xi32, #tpu.memory_space<vmem>>
    %dma_start3A_153 = tpu.memref_squeeze %dma_start3A_152 : memref<1x128xi32, #tpu.memory_space<vmem>> -> memref<128xi32, #tpu.memory_space<vmem>>
    %dma_start3A_154 = arith.constant 0 : i32
    %dma_start3A_155 = arith.constant 0 : i32
    %dma_start3A_156 = tpu.memref_slice %arg4[%dma_start3A_154, %dma_start3A_155] : memref<1000000x16xf32, #tpu.memory_space<hbm>> -> memref<1000000x16xf32, #tpu.memory_space<hbm>>
    tpu.enqueue_indirect_dma source(%dma_start3A_156 : memref<1000000x16xf32, #tpu.memory_space<hbm>>) target(%dma_start3A_150 : memref<128x16xf32, #tpu.memory_space<vmem>>) offsets(%dma_start3A_153 : memref<128xi32, #tpu.memory_space<vmem>>) semaphore(%arg17 : memref<!tpu.dma_semaphore, #tpu.memory_space<semaphore_mem>>)
    %dma_start3A_157 = arith.constant 7 : i32
    %dma_start3A_158 = arith.constant 256 : i32
    %dma_start3A_159 = arith.constant 0 : i32
    %dma_start3A_160 = tpu.memref_slice %arg13[%dma_start3A_158, %dma_start3A_159] : memref<640x16xf32, #tpu.memory_space<vmem>> -> memref<128x16xf32, #tpu.memory_space<vmem>>
    %dma_start3A_161 = arith.constant 0 : i32
    %dma_start3A_162 = tpu.memref_slice %arg9[%dma_start3A_157, %dma_start3A_161] : memref<80x128xi32, #tpu.memory_space<vmem>> -> memref<1x128xi32, #tpu.memory_space<vmem>>
    %dma_start3A_163 = tpu.memref_squeeze %dma_start3A_162 : memref<1x128xi32, #tpu.memory_space<vmem>> -> memref<128xi32, #tpu.memory_space<vmem>>
    %dma_start3A_164 = arith.constant 0 : i32
    %dma_start3A_165 = arith.constant 0 : i32
    %dma_start3A_166 = tpu.memref_slice %arg5[%dma_start3A_164, %dma_start3A_165] : memref<1000000x16xf32, #tpu.memory_space<hbm>> -> memref<1000000x16xf32, #tpu.memory_space<hbm>>
    tpu.enqueue_indirect_dma source(%dma_start3A_166 : memref<1000000x16xf32, #tpu.memory_space<hbm>>) target(%dma_start3A_160 : memref<128x16xf32, #tpu.memory_space<vmem>>) offsets(%dma_start3A_163 : memref<128xi32, #tpu.memory_space<vmem>>) semaphore(%arg19 : memref<!tpu.dma_semaphore, #tpu.memory_space<semaphore_mem>>)
    %dma_start3A_167 = arith.constant 8 : i32
    %dma_start3A_168 = arith.constant 384 : i32
    %dma_start3A_169 = arith.constant 0 : i32
    %dma_start3A_170 = tpu.memref_slice %arg11[%dma_start3A_168, %dma_start3A_169] : memref<640x16xf32, #tpu.memory_space<vmem>> -> memref<128x16xf32, #tpu.memory_space<vmem>>
    %dma_start3A_171 = arith.constant 0 : i32
    %dma_start3A_172 = tpu.memref_slice %arg8[%dma_start3A_167, %dma_start3A_171] : memref<80x128xi32, #tpu.memory_space<vmem>> -> memref<1x128xi32, #tpu.memory_space<vmem>>
    %dma_start3A_173 = tpu.memref_squeeze %dma_start3A_172 : memref<1x128xi32, #tpu.memory_space<vmem>> -> memref<128xi32, #tpu.memory_space<vmem>>
    %dma_start3A_174 = arith.constant 0 : i32
    %dma_start3A_175 = arith.constant 0 : i32
    %dma_start3A_176 = tpu.memref_slice %arg4[%dma_start3A_174, %dma_start3A_175] : memref<1000000x16xf32, #tpu.memory_space<hbm>> -> memref<1000000x16xf32, #tpu.memory_space<hbm>>
    tpu.enqueue_indirect_dma source(%dma_start3A_176 : memref<1000000x16xf32, #tpu.memory_space<hbm>>) target(%dma_start3A_170 : memref<128x16xf32, #tpu.memory_space<vmem>>) offsets(%dma_start3A_173 : memref<128xi32, #tpu.memory_space<vmem>>) semaphore(%arg17 : memref<!tpu.dma_semaphore, #tpu.memory_space<semaphore_mem>>)
    %dma_start3A_177 = arith.constant 8 : i32
    %dma_start3A_178 = arith.constant 384 : i32
    %dma_start3A_179 = arith.constant 0 : i32
    %dma_start3A_180 = tpu.memref_slice %arg13[%dma_start3A_178, %dma_start3A_179] : memref<640x16xf32, #tpu.memory_space<vmem>> -> memref<128x16xf32, #tpu.memory_space<vmem>>
    %dma_start3A_181 = arith.constant 0 : i32
    %dma_start3A_182 = tpu.memref_slice %arg9[%dma_start3A_177, %dma_start3A_181] : memref<80x128xi32, #tpu.memory_space<vmem>> -> memref<1x128xi32, #tpu.memory_space<vmem>>
    %dma_start3A_183 = tpu.memref_squeeze %dma_start3A_182 : memref<1x128xi32, #tpu.memory_space<vmem>> -> memref<128xi32, #tpu.memory_space<vmem>>
    %dma_start3A_184 = arith.constant 0 : i32
    %dma_start3A_185 = arith.constant 0 : i32
    %dma_start3A_186 = tpu.memref_slice %arg5[%dma_start3A_184, %dma_start3A_185] : memref<1000000x16xf32, #tpu.memory_space<hbm>> -> memref<1000000x16xf32, #tpu.memory_space<hbm>>
    tpu.enqueue_indirect_dma source(%dma_start3A_186 : memref<1000000x16xf32, #tpu.memory_space<hbm>>) target(%dma_start3A_180 : memref<128x16xf32, #tpu.memory_space<vmem>>) offsets(%dma_start3A_183 : memref<128xi32, #tpu.memory_space<vmem>>) semaphore(%arg19 : memref<!tpu.dma_semaphore, #tpu.memory_space<semaphore_mem>>)
    %dma_start3A_187 = arith.constant 9 : i32
    %dma_start3A_188 = arith.constant 512 : i32
    %dma_start3A_189 = arith.constant 0 : i32
    %dma_start3A_190 = tpu.memref_slice %arg11[%dma_start3A_188, %dma_start3A_189] : memref<640x16xf32, #tpu.memory_space<vmem>> -> memref<128x16xf32, #tpu.memory_space<vmem>>
    %dma_start3A_191 = arith.constant 0 : i32
    %dma_start3A_192 = tpu.memref_slice %arg8[%dma_start3A_187, %dma_start3A_191] : memref<80x128xi32, #tpu.memory_space<vmem>> -> memref<1x128xi32, #tpu.memory_space<vmem>>
    %dma_start3A_193 = tpu.memref_squeeze %dma_start3A_192 : memref<1x128xi32, #tpu.memory_space<vmem>> -> memref<128xi32, #tpu.memory_space<vmem>>
    %dma_start3A_194 = arith.constant 0 : i32
    %dma_start3A_195 = arith.constant 0 : i32
    %dma_start3A_196 = tpu.memref_slice %arg4[%dma_start3A_194, %dma_start3A_195] : memref<1000000x16xf32, #tpu.memory_space<hbm>> -> memref<1000000x16xf32, #tpu.memory_space<hbm>>
    tpu.enqueue_indirect_dma source(%dma_start3A_196 : memref<1000000x16xf32, #tpu.memory_space<hbm>>) target(%dma_start3A_190 : memref<128x16xf32, #tpu.memory_space<vmem>>) offsets(%dma_start3A_193 : memref<128xi32, #tpu.memory_space<vmem>>) semaphore(%arg17 : memref<!tpu.dma_semaphore, #tpu.memory_space<semaphore_mem>>)
    %dma_start3A_197 = arith.constant 9 : i32
    %dma_start3A_198 = arith.constant 512 : i32
    %dma_start3A_199 = arith.constant 0 : i32
    %dma_start3A_200 = tpu.memref_slice %arg13[%dma_start3A_198, %dma_start3A_199] : memref<640x16xf32, #tpu.memory_space<vmem>> -> memref<128x16xf32, #tpu.memory_space<vmem>>
    %dma_start3A_201 = arith.constant 0 : i32
    %dma_start3A_202 = tpu.memref_slice %arg9[%dma_start3A_197, %dma_start3A_201] : memref<80x128xi32, #tpu.memory_space<vmem>> -> memref<1x128xi32, #tpu.memory_space<vmem>>
    %dma_start3A_203 = tpu.memref_squeeze %dma_start3A_202 : memref<1x128xi32, #tpu.memory_space<vmem>> -> memref<128xi32, #tpu.memory_space<vmem>>
    %dma_start3A_204 = arith.constant 0 : i32
    %dma_start3A_205 = arith.constant 0 : i32
    %dma_start3A_206 = tpu.memref_slice %arg5[%dma_start3A_204, %dma_start3A_205] : memref<1000000x16xf32, #tpu.memory_space<hbm>> -> memref<1000000x16xf32, #tpu.memory_space<hbm>>
    tpu.enqueue_indirect_dma source(%dma_start3A_206 : memref<1000000x16xf32, #tpu.memory_space<hbm>>) target(%dma_start3A_200 : memref<128x16xf32, #tpu.memory_space<vmem>>) offsets(%dma_start3A_203 : memref<128xi32, #tpu.memory_space<vmem>>) semaphore(%arg19 : memref<!tpu.dma_semaphore, #tpu.memory_space<semaphore_mem>>)
    %scan3A = arith.constant 0 : i32
    %scan3A_207 = arith.constant 0 : i32
    %scan3A_208 = arith.constant 8 : i32
    %scan3A_209 = arith.addi %scan3A_207, %scan3A_208 : i32
    %scan3A_210 = arith.constant 1 : i32
    scf.for %scan3A_214 = %scan3A_207 to %scan3A_209 step %scan3A_210  : i32 {
      %mul3A_215 = arith.constant 2 : i32
      %mul3A_216 = arith.muli %scan3A_214, %mul3A_215 : i32
      %add3A_217 = arith.constant 0 : i32
      %add3A_218 = arith.addi %mul3A_216, %add3A_217 : i32
      %dma_wait3A = arith.constant 0 : i32
      %dma_wait3A_219 = arith.constant 0 : i32
      %dma_wait3A_220 = tpu.memref_slice %arg4[%dma_wait3A, %dma_wait3A_219] : memref<1000000x16xf32, #tpu.memory_space<hbm>> -> memref<640x16xf32, #tpu.memory_space<hbm>>
      %dma_wait3A_221 = arith.constant 0 : i32
      %dma_wait3A_222 = arith.constant 0 : i32
      %dma_wait3A_223 = tpu.memref_slice %arg4[%dma_wait3A_221, %dma_wait3A_222] : memref<1000000x16xf32, #tpu.memory_space<hbm>> -> memref<640x16xf32, #tpu.memory_space<hbm>>
      tpu.wait_dma2 semaphore(%arg16 : memref<!tpu.dma_semaphore, #tpu.memory_space<semaphore_mem>>) src(%dma_wait3A_223 : memref<640x16xf32, #tpu.memory_space<hbm>>) dst(%arg10 : memref<640x16xf32, #tpu.memory_space<vmem>>)
      %dma_wait3A_224 = arith.constant 0 : i32
      %dma_wait3A_225 = arith.constant 0 : i32
      %dma_wait3A_226 = tpu.memref_slice %arg5[%dma_wait3A_224, %dma_wait3A_225] : memref<1000000x16xf32, #tpu.memory_space<hbm>> -> memref<640x16xf32, #tpu.memory_space<hbm>>
      %dma_wait3A_227 = arith.constant 0 : i32
      %dma_wait3A_228 = arith.constant 0 : i32
      %dma_wait3A_229 = tpu.memref_slice %arg5[%dma_wait3A_227, %dma_wait3A_228] : memref<1000000x16xf32, #tpu.memory_space<hbm>> -> memref<640x16xf32, #tpu.memory_space<hbm>>
      tpu.wait_dma2 semaphore(%arg18 : memref<!tpu.dma_semaphore, #tpu.memory_space<semaphore_mem>>) src(%dma_wait3A_229 : memref<640x16xf32, #tpu.memory_space<hbm>>) dst(%arg12 : memref<640x16xf32, #tpu.memory_space<vmem>>)
      %broadcast_in_dim3A = arith.constant 0.000000e+00 : f32
      %broadcast_in_dim3A_230 = vector.broadcast %broadcast_in_dim3A : f32 to vector<16xf32>
      %scan3A_231 = arith.constant 0 : i32
      %scan3A_232 = arith.constant 16 : i32
      %scan3A_233 = arith.addi %scan3A_231, %scan3A_232 : i32
      %scan3A_234 = arith.constant 1 : i32
      %scan3A_235 = scf.for %scan3A_315 = %scan3A_231 to %scan3A_233 step %scan3A_234 iter_args(%scan3A_316 = %broadcast_in_dim3A_230) -> (vector<16xf32>)  : i32 {
        %add3A_317 = arith.constant 0 : i32
        %add3A_318 = arith.addi %add3A_317, %scan3A_315 : i32
        %mul3A_319 = arith.constant 20 : i32
        %mul3A_320 = arith.muli %add3A_318, %mul3A_319 : i32
        %get3A_321 = arith.index_cast %mul3A_320 : i32 to index
        %get3A_322 = arith.constant 0 : index
        %get3A_323 = tpu.vector_load %arg10[%get3A_321, %get3A_322] {strides = array<i32>} : memref<640x16xf32, #tpu.memory_space<vmem>>, vector<16xf32>,
        %get3A_324 = arith.index_cast %mul3A_320 : i32 to index
        %get3A_325 = arith.constant 0 : index
        %get3A_326 = tpu.vector_load %arg12[%get3A_324, %get3A_325] {strides = array<i32>} : memref<640x16xf32, #tpu.memory_space<vmem>>, vector<16xf32>,
        %mul3A_327 = arith.mulf %get3A_323, %get3A_326 : vector<16xf32>
        %add3A_328 = arith.constant 1 : i32
        %add3A_329 = arith.addi %mul3A_320, %add3A_328 : i32
        %get3A_330 = arith.index_cast %add3A_329 : i32 to index
        %get3A_331 = arith.constant 0 : index
        %get3A_332 = tpu.vector_load %arg10[%get3A_330, %get3A_331] {strides = array<i32>} : memref<640x16xf32, #tpu.memory_space<vmem>>, vector<16xf32>,
        %add3A_333 = arith.constant 1 : i32
        %add3A_334 = arith.addi %mul3A_320, %add3A_333 : i32
        %get3A_335 = arith.index_cast %add3A_334 : i32 to index
        %get3A_336 = arith.constant 0 : index
        %get3A_337 = tpu.vector_load %arg12[%get3A_335, %get3A_336] {strides = array<i32>} : memref<640x16xf32, #tpu.memory_space<vmem>>, vector<16xf32>,
        %mul3A_338 = arith.mulf %get3A_332, %get3A_337 : vector<16xf32>
        %add3A_339 = arith.addf %mul3A_327, %mul3A_338 : vector<16xf32>
        %add3A_340 = arith.constant 2 : i32
        %add3A_341 = arith.addi %mul3A_320, %add3A_340 : i32
        %get3A_342 = arith.index_cast %add3A_341 : i32 to index
        %get3A_343 = arith.constant 0 : index
        %get3A_344 = tpu.vector_load %arg10[%get3A_342, %get3A_343] {strides = array<i32>} : memref<640x16xf32, #tpu.memory_space<vmem>>, vector<16xf32>,
        %add3A_345 = arith.constant 2 : i32
        %add3A_346 = arith.addi %mul3A_320, %add3A_345 : i32
        %get3A_347 = arith.index_cast %add3A_346 : i32 to index
        %get3A_348 = arith.constant 0 : index
        %get3A_349 = tpu.vector_load %arg12[%get3A_347, %get3A_348] {strides = array<i32>} : memref<640x16xf32, #tpu.memory_space<vmem>>, vector<16xf32>,
        %mul3A_350 = arith.mulf %get3A_344, %get3A_349 : vector<16xf32>
        %add3A_351 = arith.addf %add3A_339, %mul3A_350 : vector<16xf32>
        %add3A_352 = arith.constant 3 : i32
        %add3A_353 = arith.addi %mul3A_320, %add3A_352 : i32
        %get3A_354 = arith.index_cast %add3A_353 : i32 to index
        %get3A_355 = arith.constant 0 : index
        %get3A_356 = tpu.vector_load %arg10[%get3A_354, %get3A_355] {strides = array<i32>} : memref<640x16xf32, #tpu.memory_space<vmem>>, vector<16xf32>,
        %add3A_357 = arith.constant 3 : i32
        %add3A_358 = arith.addi %mul3A_320, %add3A_357 : i32
        %get3A_359 = arith.index_cast %add3A_358 : i32 to index
        %get3A_360 = arith.constant 0 : index
        %get3A_361 = tpu.vector_load %arg12[%get3A_359, %get3A_360] {strides = array<i32>} : memref<640x16xf32, #tpu.memory_space<vmem>>, vector<16xf32>,
        %mul3A_362 = arith.mulf %get3A_356, %get3A_361 : vector<16xf32>
        %add3A_363 = arith.addf %add3A_351, %mul3A_362 : vector<16xf32>
        %add3A_364 = arith.constant 4 : i32
        %add3A_365 = arith.addi %mul3A_320, %add3A_364 : i32
        %get3A_366 = arith.index_cast %add3A_365 : i32 to index
        %get3A_367 = arith.constant 0 : index
        %get3A_368 = tpu.vector_load %arg10[%get3A_366, %get3A_367] {strides = array<i32>} : memref<640x16xf32, #tpu.memory_space<vmem>>, vector<16xf32>,
        %add3A_369 = arith.constant 4 : i32
        %add3A_370 = arith.addi %mul3A_320, %add3A_369 : i32
        %get3A_371 = arith.index_cast %add3A_370 : i32 to index
        %get3A_372 = arith.constant 0 : index
        %get3A_373 = tpu.vector_load %arg12[%get3A_371, %get3A_372] {strides = array<i32>} : memref<640x16xf32, #tpu.memory_space<vmem>>, vector<16xf32>,
        %mul3A_374 = arith.mulf %get3A_368, %get3A_373 : vector<16xf32>
        %add3A_375 = arith.addf %add3A_363, %mul3A_374 : vector<16xf32>
        %add3A_376 = arith.constant 5 : i32
        %add3A_377 = arith.addi %mul3A_320, %add3A_376 : i32
        %get3A_378 = arith.index_cast %add3A_377 : i32 to index
        %get3A_379 = arith.constant 0 : index
        %get3A_380 = tpu.vector_load %arg10[%get3A_378, %get3A_379] {strides = array<i32>} : memref<640x16xf32, #tpu.memory_space<vmem>>, vector<16xf32>,
        %add3A_381 = arith.constant 5 : i32
        %add3A_382 = arith.addi %mul3A_320, %add3A_381 : i32
        %get3A_383 = arith.index_cast %add3A_382 : i32 to index
        %get3A_384 = arith.constant 0 : index
        %get3A_385 = tpu.vector_load %arg12[%get3A_383, %get3A_384] {strides = array<i32>} : memref<640x16xf32, #tpu.memory_space<vmem>>, vector<16xf32>,
        %mul3A_386 = arith.mulf %get3A_380, %get3A_385 : vector<16xf32>
        %add3A_387 = arith.addf %add3A_375, %mul3A_386 : vector<16xf32>
        %add3A_388 = arith.constant 6 : i32
        %add3A_389 = arith.addi %mul3A_320, %add3A_388 : i32
        %get3A_390 = arith.index_cast %add3A_389 : i32 to index
        %get3A_391 = arith.constant 0 : index
        %get3A_392 = tpu.vector_load %arg10[%get3A_390, %get3A_391] {strides = array<i32>} : memref<640x16xf32, #tpu.memory_space<vmem>>, vector<16xf32>,
        %add3A_393 = arith.constant 6 : i32
        %add3A_394 = arith.addi %mul3A_320, %add3A_393 : i32
        %get3A_395 = arith.index_cast %add3A_394 : i32 to index
        %get3A_396 = arith.constant 0 : index
        %get3A_397 = tpu.vector_load %arg12[%get3A_395, %get3A_396] {strides = array<i32>} : memref<640x16xf32, #tpu.memory_space<vmem>>, vector<16xf32>,
        %mul3A_398 = arith.mulf %get3A_392, %get3A_397 : vector<16xf32>
        %add3A_399 = arith.addf %add3A_387, %mul3A_398 : vector<16xf32>
        %add3A_400 = arith.constant 7 : i32
        %add3A_401 = arith.addi %mul3A_320, %add3A_400 : i32
        %get3A_402 = arith.index_cast %add3A_401 : i32 to index
        %get3A_403 = arith.constant 0 : index
        %get3A_404 = tpu.vector_load %arg10[%get3A_402, %get3A_403] {strides = array<i32>} : memref<640x16xf32, #tpu.memory_space<vmem>>, vector<16xf32>,
        %add3A_405 = arith.constant 7 : i32
        %add3A_406 = arith.addi %mul3A_320, %add3A_405 : i32
        %get3A_407 = arith.index_cast %add3A_406 : i32 to index
        %get3A_408 = arith.constant 0 : index
        %get3A_409 = tpu.vector_load %arg12[%get3A_407, %get3A_408] {strides = array<i32>} : memref<640x16xf32, #tpu.memory_space<vmem>>, vector<16xf32>,
        %mul3A_410 = arith.mulf %get3A_404, %get3A_409 : vector<16xf32>
        %add3A_411 = arith.addf %add3A_399, %mul3A_410 : vector<16xf32>
        %add3A_412 = arith.constant 8 : i32
        %add3A_413 = arith.addi %mul3A_320, %add3A_412 : i32
        %get3A_414 = arith.index_cast %add3A_413 : i32 to index
        %get3A_415 = arith.constant 0 : index
        %get3A_416 = tpu.vector_load %arg10[%get3A_414, %get3A_415] {strides = array<i32>} : memref<640x16xf32, #tpu.memory_space<vmem>>, vector<16xf32>,
        %add3A_417 = arith.constant 8 : i32
        %add3A_418 = arith.addi %mul3A_320, %add3A_417 : i32
        %get3A_419 = arith.index_cast %add3A_418 : i32 to index
        %get3A_420 = arith.constant 0 : index
        %get3A_421 = tpu.vector_load %arg12[%get3A_419, %get3A_420] {strides = array<i32>} : memref<640x16xf32, #tpu.memory_space<vmem>>, vector<16xf32>,
        %mul3A_422 = arith.mulf %get3A_416, %get3A_421 : vector<16xf32>
        %add3A_423 = arith.addf %add3A_411, %mul3A_422 : vector<16xf32>
        %add3A_424 = arith.constant 9 : i32
        %add3A_425 = arith.addi %mul3A_320, %add3A_424 : i32
        %get3A_426 = arith.index_cast %add3A_425 : i32 to index
        %get3A_427 = arith.constant 0 : index
        %get3A_428 = tpu.vector_load %arg10[%get3A_426, %get3A_427] {strides = array<i32>} : memref<640x16xf32, #tpu.memory_space<vmem>>, vector<16xf32>,
        %add3A_429 = arith.constant 9 : i32
        %add3A_430 = arith.addi %mul3A_320, %add3A_429 : i32
        %get3A_431 = arith.index_cast %add3A_430 : i32 to index
        %get3A_432 = arith.constant 0 : index
        %get3A_433 = tpu.vector_load %arg12[%get3A_431, %get3A_432] {strides = array<i32>} : memref<640x16xf32, #tpu.memory_space<vmem>>, vector<16xf32>,
        %mul3A_434 = arith.mulf %get3A_428, %get3A_433 : vector<16xf32>
        %add3A_435 = arith.addf %add3A_423, %mul3A_434 : vector<16xf32>
        %add3A_436 = arith.constant 10 : i32
        %add3A_437 = arith.addi %mul3A_320, %add3A_436 : i32
        %get3A_438 = arith.index_cast %add3A_437 : i32 to index
        %get3A_439 = arith.constant 0 : index
        %get3A_440 = tpu.vector_load %arg10[%get3A_438, %get3A_439] {strides = array<i32>} : memref<640x16xf32, #tpu.memory_space<vmem>>, vector<16xf32>,
        %add3A_441 = arith.constant 10 : i32
        %add3A_442 = arith.addi %mul3A_320, %add3A_441 : i32
        %get3A_443 = arith.index_cast %add3A_442 : i32 to index
        %get3A_444 = arith.constant 0 : index
        %get3A_445 = tpu.vector_load %arg12[%get3A_443, %get3A_444] {strides = array<i32>} : memref<640x16xf32, #tpu.memory_space<vmem>>, vector<16xf32>,
        %mul3A_446 = arith.mulf %get3A_440, %get3A_445 : vector<16xf32>
        %add3A_447 = arith.addf %add3A_435, %mul3A_446 : vector<16xf32>
        %add3A_448 = arith.constant 11 : i32
        %add3A_449 = arith.addi %mul3A_320, %add3A_448 : i32
        %get3A_450 = arith.index_cast %add3A_449 : i32 to index
        %get3A_451 = arith.constant 0 : index
        %get3A_452 = tpu.vector_load %arg10[%get3A_450, %get3A_451] {strides = array<i32>} : memref<640x16xf32, #tpu.memory_space<vmem>>, vector<16xf32>,
        %add3A_453 = arith.constant 11 : i32
        %add3A_454 = arith.addi %mul3A_320, %add3A_453 : i32
        %get3A_455 = arith.index_cast %add3A_454 : i32 to index
        %get3A_456 = arith.constant 0 : index
        %get3A_457 = tpu.vector_load %arg12[%get3A_455, %get3A_456] {strides = array<i32>} : memref<640x16xf32, #tpu.memory_space<vmem>>, vector<16xf32>,
        %mul3A_458 = arith.mulf %get3A_452, %get3A_457 : vector<16xf32>
        %add3A_459 = arith.addf %add3A_447, %mul3A_458 : vector<16xf32>
        %add3A_460 = arith.constant 12 : i32
        %add3A_461 = arith.addi %mul3A_320, %add3A_460 : i32
        %get3A_462 = arith.index_cast %add3A_461 : i32 to index
        %get3A_463 = arith.constant 0 : index
        %get3A_464 = tpu.vector_load %arg10[%get3A_462, %get3A_463] {strides = array<i32>} : memref<640x16xf32, #tpu.memory_space<vmem>>, vector<16xf32>,
        %add3A_465 = arith.constant 12 : i32
        %add3A_466 = arith.addi %mul3A_320, %add3A_465 : i32
        %get3A_467 = arith.index_cast %add3A_466 : i32 to index
        %get3A_468 = arith.constant 0 : index
        %get3A_469 = tpu.vector_load %arg12[%get3A_467, %get3A_468] {strides = array<i32>} : memref<640x16xf32, #tpu.memory_space<vmem>>, vector<16xf32>,
        %mul3A_470 = arith.mulf %get3A_464, %get3A_469 : vector<16xf32>
        %add3A_471 = arith.addf %add3A_459, %mul3A_470 : vector<16xf32>
        %add3A_472 = arith.constant 13 : i32
        %add3A_473 = arith.addi %mul3A_320, %add3A_472 : i32
        %get3A_474 = arith.index_cast %add3A_473 : i32 to index
        %get3A_475 = arith.constant 0 : index
        %get3A_476 = tpu.vector_load %arg10[%get3A_474, %get3A_475] {strides = array<i32>} : memref<640x16xf32, #tpu.memory_space<vmem>>, vector<16xf32>,
        %add3A_477 = arith.constant 13 : i32
        %add3A_478 = arith.addi %mul3A_320, %add3A_477 : i32
        %get3A_479 = arith.index_cast %add3A_478 : i32 to index
        %get3A_480 = arith.constant 0 : index
        %get3A_481 = tpu.vector_load %arg12[%get3A_479, %get3A_480] {strides = array<i32>} : memref<640x16xf32, #tpu.memory_space<vmem>>, vector<16xf32>,
        %mul3A_482 = arith.mulf %get3A_476, %get3A_481 : vector<16xf32>
        %add3A_483 = arith.addf %add3A_471, %mul3A_482 : vector<16xf32>
        %add3A_484 = arith.constant 14 : i32
        %add3A_485 = arith.addi %mul3A_320, %add3A_484 : i32
        %get3A_486 = arith.index_cast %add3A_485 : i32 to index
        %get3A_487 = arith.constant 0 : index
        %get3A_488 = tpu.vector_load %arg10[%get3A_486, %get3A_487] {strides = array<i32>} : memref<640x16xf32, #tpu.memory_space<vmem>>, vector<16xf32>,
        %add3A_489 = arith.constant 14 : i32
        %add3A_490 = arith.addi %mul3A_320, %add3A_489 : i32
        %get3A_491 = arith.index_cast %add3A_490 : i32 to index
        %get3A_492 = arith.constant 0 : index
        %get3A_493 = tpu.vector_load %arg12[%get3A_491, %get3A_492] {strides = array<i32>} : memref<640x16xf32, #tpu.memory_space<vmem>>, vector<16xf32>,
        %mul3A_494 = arith.mulf %get3A_488, %get3A_493 : vector<16xf32>
        %add3A_495 = arith.addf %add3A_483, %mul3A_494 : vector<16xf32>
        %add3A_496 = arith.constant 15 : i32
        %add3A_497 = arith.addi %mul3A_320, %add3A_496 : i32
        %get3A_498 = arith.index_cast %add3A_497 : i32 to index
        %get3A_499 = arith.constant 0 : index
        %get3A_500 = tpu.vector_load %arg10[%get3A_498, %get3A_499] {strides = array<i32>} : memref<640x16xf32, #tpu.memory_space<vmem>>, vector<16xf32>,
        %add3A_501 = arith.constant 15 : i32
        %add3A_502 = arith.addi %mul3A_320, %add3A_501 : i32
        %get3A_503 = arith.index_cast %add3A_502 : i32 to index
        %get3A_504 = arith.constant 0 : index
        %get3A_505 = tpu.vector_load %arg12[%get3A_503, %get3A_504] {strides = array<i32>} : memref<640x16xf32, #tpu.memory_space<vmem>>, vector<16xf32>,
        %mul3A_506 = arith.mulf %get3A_500, %get3A_505 : vector<16xf32>
        %add3A_507 = arith.addf %add3A_495, %mul3A_506 : vector<16xf32>
        %add3A_508 = arith.constant 16 : i32
        %add3A_509 = arith.addi %mul3A_320, %add3A_508 : i32
        %get3A_510 = arith.index_cast %add3A_509 : i32 to index
        %get3A_511 = arith.constant 0 : index
        %get3A_512 = tpu.vector_load %arg10[%get3A_510, %get3A_511] {strides = array<i32>} : memref<640x16xf32, #tpu.memory_space<vmem>>, vector<16xf32>,
        %add3A_513 = arith.constant 16 : i32
        %add3A_514 = arith.addi %mul3A_320, %add3A_513 : i32
        %get3A_515 = arith.index_cast %add3A_514 : i32 to index
        %get3A_516 = arith.constant 0 : index
        %get3A_517 = tpu.vector_load %arg12[%get3A_515, %get3A_516] {strides = array<i32>} : memref<640x16xf32, #tpu.memory_space<vmem>>, vector<16xf32>,
        %mul3A_518 = arith.mulf %get3A_512, %get3A_517 : vector<16xf32>
        %add3A_519 = arith.addf %add3A_507, %mul3A_518 : vector<16xf32>
        %add3A_520 = arith.constant 17 : i32
        %add3A_521 = arith.addi %mul3A_320, %add3A_520 : i32
        %get3A_522 = arith.index_cast %add3A_521 : i32 to index
        %get3A_523 = arith.constant 0 : index
        %get3A_524 = tpu.vector_load %arg10[%get3A_522, %get3A_523] {strides = array<i32>} : memref<640x16xf32, #tpu.memory_space<vmem>>, vector<16xf32>,
        %add3A_525 = arith.constant 17 : i32
        %add3A_526 = arith.addi %mul3A_320, %add3A_525 : i32
        %get3A_527 = arith.index_cast %add3A_526 : i32 to index
        %get3A_528 = arith.constant 0 : index
        %get3A_529 = tpu.vector_load %arg12[%get3A_527, %get3A_528] {strides = array<i32>} : memref<640x16xf32, #tpu.memory_space<vmem>>, vector<16xf32>,
        %mul3A_530 = arith.mulf %get3A_524, %get3A_529 : vector<16xf32>
        %add3A_531 = arith.addf %add3A_519, %mul3A_530 : vector<16xf32>
        %add3A_532 = arith.constant 18 : i32
        %add3A_533 = arith.addi %mul3A_320, %add3A_532 : i32
        %get3A_534 = arith.index_cast %add3A_533 : i32 to index
        %get3A_535 = arith.constant 0 : index
        %get3A_536 = tpu.vector_load %arg10[%get3A_534, %get3A_535] {strides = array<i32>} : memref<640x16xf32, #tpu.memory_space<vmem>>, vector<16xf32>,
        %add3A_537 = arith.constant 18 : i32
        %add3A_538 = arith.addi %mul3A_320, %add3A_537 : i32
        %get3A_539 = arith.index_cast %add3A_538 : i32 to index
        %get3A_540 = arith.constant 0 : index
        %get3A_541 = tpu.vector_load %arg12[%get3A_539, %get3A_540] {strides = array<i32>} : memref<640x16xf32, #tpu.memory_space<vmem>>, vector<16xf32>,
        %mul3A_542 = arith.mulf %get3A_536, %get3A_541 : vector<16xf32>
        %add3A_543 = arith.addf %add3A_531, %mul3A_542 : vector<16xf32>
        %add3A_544 = arith.constant 19 : i32
        %add3A_545 = arith.addi %mul3A_320, %add3A_544 : i32
        %get3A_546 = arith.index_cast %add3A_545 : i32 to index
        %get3A_547 = arith.constant 0 : index
        %get3A_548 = tpu.vector_load %arg10[%get3A_546, %get3A_547] {strides = array<i32>} : memref<640x16xf32, #tpu.memory_space<vmem>>, vector<16xf32>,
        %add3A_549 = arith.constant 19 : i32
        %add3A_550 = arith.addi %mul3A_320, %add3A_549 : i32
        %get3A_551 = arith.index_cast %add3A_550 : i32 to index
        %get3A_552 = arith.constant 0 : index
        %get3A_553 = tpu.vector_load %arg12[%get3A_551, %get3A_552] {strides = array<i32>} : memref<640x16xf32, #tpu.memory_space<vmem>>, vector<16xf32>,
        %mul3A_554 = arith.mulf %get3A_548, %get3A_553 : vector<16xf32>
        %add3A_555 = arith.addf %add3A_543, %mul3A_554 : vector<16xf32>
        %mul3A_556 = arith.mulf %add3A_555, %get3A_5 : vector<16xf32>
        %reduce_sum3A = arith.constant true
        %reduce_sum3A_557 = vector.broadcast %reduce_sum3A : i1 to vector<16xi1>
        %reduce_sum3A_558 = tpu.scan <sum>, %mul3A_556 masked %reduce_sum3A_557 : vector<16xf32>, vector<16xi1> -> vector<16xf32>
        %reduce_sum3A_559 = vector.extract %reduce_sum3A_558[15] : f32 from vector<16xf32>
        %eq3A = vector.broadcast %scan3A_315 : i32 to vector<16xi32>
        %eq3A_560 = arith.cmpi eq, %iota3A, %eq3A : vector<16xi32>
        %broadcast_in_dim3A_561 = vector.broadcast %reduce_sum3A_559 : f32 to vector<16xf32>
        %select_n3A = arith.select %eq3A_560, %broadcast_in_dim3A_561, %scan3A_316 : vector<16xi1>, vector<16xf32>
        scf.yield %select_n3A : vector<16xf32>
      }
      %scan3A_236 = arith.constant 16 : i32
      %add3A_237 = arith.addf %scan3A_235, %get3A_7 : vector<16xf32>
      %mul3A_238 = arith.constant 32 : i32
      %mul3A_239 = arith.muli %add3A_218, %mul3A_238 : i32
      %add3A_240 = arith.constant 0 : i32
      %add3A_241 = arith.addi %mul3A_239, %add3A_240 : i32
      %swap3A = arith.index_cast %add3A_241 : i32 to index
      %swap3A_242 = tpu.vector_load %arg15[%swap3A] {strides = array<i32>} : memref<512xf32, #tpu.memory_space<vmem>>, vector<16xf32>,
      tpu.vector_store %arg15[%swap3A], %add3A_237 {strides = array<i32>} : memref<512xf32, #tpu.memory_space<vmem>>, vector<16xf32>,
      %broadcast_in_dim3A_243 = arith.constant 0.000000e+00 : f32
      %broadcast_in_dim3A_244 = vector.broadcast %broadcast_in_dim3A_243 : f32 to vector<16xf32>
      %scan3A_245 = arith.constant 0 : i32
      %scan3A_246 = arith.constant 16 : i32
      %scan3A_247 = arith.addi %scan3A_245, %scan3A_246 : i32
      %scan3A_248 = arith.constant 1 : i32
      %scan3A_249 = scf.for %scan3A_315 = %scan3A_245 to %scan3A_247 step %scan3A_248 iter_args(%scan3A_316 = %broadcast_in_dim3A_244) -> (vector<16xf32>)  : i32 {
        %add3A_317 = arith.constant 16 : i32
        %add3A_318 = arith.addi %add3A_317, %scan3A_315 : i32
        %mul3A_319 = arith.constant 20 : i32
        %mul3A_320 = arith.muli %add3A_318, %mul3A_319 : i32
        %get3A_321 = arith.index_cast %mul3A_320 : i32 to index
        %get3A_322 = arith.constant 0 : index
        %get3A_323 = tpu.vector_load %arg10[%get3A_321, %get3A_322] {strides = array<i32>} : memref<640x16xf32, #tpu.memory_space<vmem>>, vector<16xf32>,
        %get3A_324 = arith.index_cast %mul3A_320 : i32 to index
        %get3A_325 = arith.constant 0 : index
        %get3A_326 = tpu.vector_load %arg12[%get3A_324, %get3A_325] {strides = array<i32>} : memref<640x16xf32, #tpu.memory_space<vmem>>, vector<16xf32>,
        %mul3A_327 = arith.mulf %get3A_323, %get3A_326 : vector<16xf32>
        %add3A_328 = arith.constant 1 : i32
        %add3A_329 = arith.addi %mul3A_320, %add3A_328 : i32
        %get3A_330 = arith.index_cast %add3A_329 : i32 to index
        %get3A_331 = arith.constant 0 : index
        %get3A_332 = tpu.vector_load %arg10[%get3A_330, %get3A_331] {strides = array<i32>} : memref<640x16xf32, #tpu.memory_space<vmem>>, vector<16xf32>,
        %add3A_333 = arith.constant 1 : i32
        %add3A_334 = arith.addi %mul3A_320, %add3A_333 : i32
        %get3A_335 = arith.index_cast %add3A_334 : i32 to index
        %get3A_336 = arith.constant 0 : index
        %get3A_337 = tpu.vector_load %arg12[%get3A_335, %get3A_336] {strides = array<i32>} : memref<640x16xf32, #tpu.memory_space<vmem>>, vector<16xf32>,
        %mul3A_338 = arith.mulf %get3A_332, %get3A_337 : vector<16xf32>
        %add3A_339 = arith.addf %mul3A_327, %mul3A_338 : vector<16xf32>
        %add3A_340 = arith.constant 2 : i32
        %add3A_341 = arith.addi %mul3A_320, %add3A_340 : i32
        %get3A_342 = arith.index_cast %add3A_341 : i32 to index
        %get3A_343 = arith.constant 0 : index
        %get3A_344 = tpu.vector_load %arg10[%get3A_342, %get3A_343] {strides = array<i32>} : memref<640x16xf32, #tpu.memory_space<vmem>>, vector<16xf32>,
        %add3A_345 = arith.constant 2 : i32
        %add3A_346 = arith.addi %mul3A_320, %add3A_345 : i32
        %get3A_347 = arith.index_cast %add3A_346 : i32 to index
        %get3A_348 = arith.constant 0 : index
        %get3A_349 = tpu.vector_load %arg12[%get3A_347, %get3A_348] {strides = array<i32>} : memref<640x16xf32, #tpu.memory_space<vmem>>, vector<16xf32>,
        %mul3A_350 = arith.mulf %get3A_344, %get3A_349 : vector<16xf32>
        %add3A_351 = arith.addf %add3A_339, %mul3A_350 : vector<16xf32>
        %add3A_352 = arith.constant 3 : i32
        %add3A_353 = arith.addi %mul3A_320, %add3A_352 : i32
        %get3A_354 = arith.index_cast %add3A_353 : i32 to index
        %get3A_355 = arith.constant 0 : index
        %get3A_356 = tpu.vector_load %arg10[%get3A_354, %get3A_355] {strides = array<i32>} : memref<640x16xf32, #tpu.memory_space<vmem>>, vector<16xf32>,
        %add3A_357 = arith.constant 3 : i32
        %add3A_358 = arith.addi %mul3A_320, %add3A_357 : i32
        %get3A_359 = arith.index_cast %add3A_358 : i32 to index
        %get3A_360 = arith.constant 0 : index
        %get3A_361 = tpu.vector_load %arg12[%get3A_359, %get3A_360] {strides = array<i32>} : memref<640x16xf32, #tpu.memory_space<vmem>>, vector<16xf32>,
        %mul3A_362 = arith.mulf %get3A_356, %get3A_361 : vector<16xf32>
        %add3A_363 = arith.addf %add3A_351, %mul3A_362 : vector<16xf32>
        %add3A_364 = arith.constant 4 : i32
        %add3A_365 = arith.addi %mul3A_320, %add3A_364 : i32
        %get3A_366 = arith.index_cast %add3A_365 : i32 to index
        %get3A_367 = arith.constant 0 : index
        %get3A_368 = tpu.vector_load %arg10[%get3A_366, %get3A_367] {strides = array<i32>} : memref<640x16xf32, #tpu.memory_space<vmem>>, vector<16xf32>,
        %add3A_369 = arith.constant 4 : i32
        %add3A_370 = arith.addi %mul3A_320, %add3A_369 : i32
        %get3A_371 = arith.index_cast %add3A_370 : i32 to index
        %get3A_372 = arith.constant 0 : index
        %get3A_373 = tpu.vector_load %arg12[%get3A_371, %get3A_372] {strides = array<i32>} : memref<640x16xf32, #tpu.memory_space<vmem>>, vector<16xf32>,
        %mul3A_374 = arith.mulf %get3A_368, %get3A_373 : vector<16xf32>
        %add3A_375 = arith.addf %add3A_363, %mul3A_374 : vector<16xf32>
        %add3A_376 = arith.constant 5 : i32
        %add3A_377 = arith.addi %mul3A_320, %add3A_376 : i32
        %get3A_378 = arith.index_cast %add3A_377 : i32 to index
        %get3A_379 = arith.constant 0 : index
        %get3A_380 = tpu.vector_load %arg10[%get3A_378, %get3A_379] {strides = array<i32>} : memref<640x16xf32, #tpu.memory_space<vmem>>, vector<16xf32>,
        %add3A_381 = arith.constant 5 : i32
        %add3A_382 = arith.addi %mul3A_320, %add3A_381 : i32
        %get3A_383 = arith.index_cast %add3A_382 : i32 to index
        %get3A_384 = arith.constant 0 : index
        %get3A_385 = tpu.vector_load %arg12[%get3A_383, %get3A_384] {strides = array<i32>} : memref<640x16xf32, #tpu.memory_space<vmem>>, vector<16xf32>,
        %mul3A_386 = arith.mulf %get3A_380, %get3A_385 : vector<16xf32>
        %add3A_387 = arith.addf %add3A_375, %mul3A_386 : vector<16xf32>
        %add3A_388 = arith.constant 6 : i32
        %add3A_389 = arith.addi %mul3A_320, %add3A_388 : i32
        %get3A_390 = arith.index_cast %add3A_389 : i32 to index
        %get3A_391 = arith.constant 0 : index
        %get3A_392 = tpu.vector_load %arg10[%get3A_390, %get3A_391] {strides = array<i32>} : memref<640x16xf32, #tpu.memory_space<vmem>>, vector<16xf32>,
        %add3A_393 = arith.constant 6 : i32
        %add3A_394 = arith.addi %mul3A_320, %add3A_393 : i32
        %get3A_395 = arith.index_cast %add3A_394 : i32 to index
        %get3A_396 = arith.constant 0 : index
        %get3A_397 = tpu.vector_load %arg12[%get3A_395, %get3A_396] {strides = array<i32>} : memref<640x16xf32, #tpu.memory_space<vmem>>, vector<16xf32>,
        %mul3A_398 = arith.mulf %get3A_392, %get3A_397 : vector<16xf32>
        %add3A_399 = arith.addf %add3A_387, %mul3A_398 : vector<16xf32>
        %add3A_400 = arith.constant 7 : i32
        %add3A_401 = arith.addi %mul3A_320, %add3A_400 : i32
        %get3A_402 = arith.index_cast %add3A_401 : i32 to index
        %get3A_403 = arith.constant 0 : index
        %get3A_404 = tpu.vector_load %arg10[%get3A_402, %get3A_403] {strides = array<i32>} : memref<640x16xf32, #tpu.memory_space<vmem>>, vector<16xf32>,
        %add3A_405 = arith.constant 7 : i32
        %add3A_406 = arith.addi %mul3A_320, %add3A_405 : i32
        %get3A_407 = arith.index_cast %add3A_406 : i32 to index
        %get3A_408 = arith.constant 0 : index
        %get3A_409 = tpu.vector_load %arg12[%get3A_407, %get3A_408] {strides = array<i32>} : memref<640x16xf32, #tpu.memory_space<vmem>>, vector<16xf32>,
        %mul3A_410 = arith.mulf %get3A_404, %get3A_409 : vector<16xf32>
        %add3A_411 = arith.addf %add3A_399, %mul3A_410 : vector<16xf32>
        %add3A_412 = arith.constant 8 : i32
        %add3A_413 = arith.addi %mul3A_320, %add3A_412 : i32
        %get3A_414 = arith.index_cast %add3A_413 : i32 to index
        %get3A_415 = arith.constant 0 : index
        %get3A_416 = tpu.vector_load %arg10[%get3A_414, %get3A_415] {strides = array<i32>} : memref<640x16xf32, #tpu.memory_space<vmem>>, vector<16xf32>,
        %add3A_417 = arith.constant 8 : i32
        %add3A_418 = arith.addi %mul3A_320, %add3A_417 : i32
        %get3A_419 = arith.index_cast %add3A_418 : i32 to index
        %get3A_420 = arith.constant 0 : index
        %get3A_421 = tpu.vector_load %arg12[%get3A_419, %get3A_420] {strides = array<i32>} : memref<640x16xf32, #tpu.memory_space<vmem>>, vector<16xf32>,
        %mul3A_422 = arith.mulf %get3A_416, %get3A_421 : vector<16xf32>
        %add3A_423 = arith.addf %add3A_411, %mul3A_422 : vector<16xf32>
        %add3A_424 = arith.constant 9 : i32
        %add3A_425 = arith.addi %mul3A_320, %add3A_424 : i32
        %get3A_426 = arith.index_cast %add3A_425 : i32 to index
        %get3A_427 = arith.constant 0 : index
        %get3A_428 = tpu.vector_load %arg10[%get3A_426, %get3A_427] {strides = array<i32>} : memref<640x16xf32, #tpu.memory_space<vmem>>, vector<16xf32>,
        %add3A_429 = arith.constant 9 : i32
        %add3A_430 = arith.addi %mul3A_320, %add3A_429 : i32
        %get3A_431 = arith.index_cast %add3A_430 : i32 to index
        %get3A_432 = arith.constant 0 : index
        %get3A_433 = tpu.vector_load %arg12[%get3A_431, %get3A_432] {strides = array<i32>} : memref<640x16xf32, #tpu.memory_space<vmem>>, vector<16xf32>,
        %mul3A_434 = arith.mulf %get3A_428, %get3A_433 : vector<16xf32>
        %add3A_435 = arith.addf %add3A_423, %mul3A_434 : vector<16xf32>
        %add3A_436 = arith.constant 10 : i32
        %add3A_437 = arith.addi %mul3A_320, %add3A_436 : i32
        %get3A_438 = arith.index_cast %add3A_437 : i32 to index
        %get3A_439 = arith.constant 0 : index
        %get3A_440 = tpu.vector_load %arg10[%get3A_438, %get3A_439] {strides = array<i32>} : memref<640x16xf32, #tpu.memory_space<vmem>>, vector<16xf32>,
        %add3A_441 = arith.constant 10 : i32
        %add3A_442 = arith.addi %mul3A_320, %add3A_441 : i32
        %get3A_443 = arith.index_cast %add3A_442 : i32 to index
        %get3A_444 = arith.constant 0 : index
        %get3A_445 = tpu.vector_load %arg12[%get3A_443, %get3A_444] {strides = array<i32>} : memref<640x16xf32, #tpu.memory_space<vmem>>, vector<16xf32>,
        %mul3A_446 = arith.mulf %get3A_440, %get3A_445 : vector<16xf32>
        %add3A_447 = arith.addf %add3A_435, %mul3A_446 : vector<16xf32>
        %add3A_448 = arith.constant 11 : i32
        %add3A_449 = arith.addi %mul3A_320, %add3A_448 : i32
        %get3A_450 = arith.index_cast %add3A_449 : i32 to index
        %get3A_451 = arith.constant 0 : index
        %get3A_452 = tpu.vector_load %arg10[%get3A_450, %get3A_451] {strides = array<i32>} : memref<640x16xf32, #tpu.memory_space<vmem>>, vector<16xf32>,
        %add3A_453 = arith.constant 11 : i32
        %add3A_454 = arith.addi %mul3A_320, %add3A_453 : i32
        %get3A_455 = arith.index_cast %add3A_454 : i32 to index
        %get3A_456 = arith.constant 0 : index
        %get3A_457 = tpu.vector_load %arg12[%get3A_455, %get3A_456] {strides = array<i32>} : memref<640x16xf32, #tpu.memory_space<vmem>>, vector<16xf32>,
        %mul3A_458 = arith.mulf %get3A_452, %get3A_457 : vector<16xf32>
        %add3A_459 = arith.addf %add3A_447, %mul3A_458 : vector<16xf32>
        %add3A_460 = arith.constant 12 : i32
        %add3A_461 = arith.addi %mul3A_320, %add3A_460 : i32
        %get3A_462 = arith.index_cast %add3A_461 : i32 to index
        %get3A_463 = arith.constant 0 : index
        %get3A_464 = tpu.vector_load %arg10[%get3A_462, %get3A_463] {strides = array<i32>} : memref<640x16xf32, #tpu.memory_space<vmem>>, vector<16xf32>,
        %add3A_465 = arith.constant 12 : i32
        %add3A_466 = arith.addi %mul3A_320, %add3A_465 : i32
        %get3A_467 = arith.index_cast %add3A_466 : i32 to index
        %get3A_468 = arith.constant 0 : index
        %get3A_469 = tpu.vector_load %arg12[%get3A_467, %get3A_468] {strides = array<i32>} : memref<640x16xf32, #tpu.memory_space<vmem>>, vector<16xf32>,
        %mul3A_470 = arith.mulf %get3A_464, %get3A_469 : vector<16xf32>
        %add3A_471 = arith.addf %add3A_459, %mul3A_470 : vector<16xf32>
        %add3A_472 = arith.constant 13 : i32
        %add3A_473 = arith.addi %mul3A_320, %add3A_472 : i32
        %get3A_474 = arith.index_cast %add3A_473 : i32 to index
        %get3A_475 = arith.constant 0 : index
        %get3A_476 = tpu.vector_load %arg10[%get3A_474, %get3A_475] {strides = array<i32>} : memref<640x16xf32, #tpu.memory_space<vmem>>, vector<16xf32>,
        %add3A_477 = arith.constant 13 : i32
        %add3A_478 = arith.addi %mul3A_320, %add3A_477 : i32
        %get3A_479 = arith.index_cast %add3A_478 : i32 to index
        %get3A_480 = arith.constant 0 : index
        %get3A_481 = tpu.vector_load %arg12[%get3A_479, %get3A_480] {strides = array<i32>} : memref<640x16xf32, #tpu.memory_space<vmem>>, vector<16xf32>,
        %mul3A_482 = arith.mulf %get3A_476, %get3A_481 : vector<16xf32>
        %add3A_483 = arith.addf %add3A_471, %mul3A_482 : vector<16xf32>
        %add3A_484 = arith.constant 14 : i32
        %add3A_485 = arith.addi %mul3A_320, %add3A_484 : i32
        %get3A_486 = arith.index_cast %add3A_485 : i32 to index
        %get3A_487 = arith.constant 0 : index
        %get3A_488 = tpu.vector_load %arg10[%get3A_486, %get3A_487] {strides = array<i32>} : memref<640x16xf32, #tpu.memory_space<vmem>>, vector<16xf32>,
        %add3A_489 = arith.constant 14 : i32
        %add3A_490 = arith.addi %mul3A_320, %add3A_489 : i32
        %get3A_491 = arith.index_cast %add3A_490 : i32 to index
        %get3A_492 = arith.constant 0 : index
        %get3A_493 = tpu.vector_load %arg12[%get3A_491, %get3A_492] {strides = array<i32>} : memref<640x16xf32, #tpu.memory_space<vmem>>, vector<16xf32>,
        %mul3A_494 = arith.mulf %get3A_488, %get3A_493 : vector<16xf32>
        %add3A_495 = arith.addf %add3A_483, %mul3A_494 : vector<16xf32>
        %add3A_496 = arith.constant 15 : i32
        %add3A_497 = arith.addi %mul3A_320, %add3A_496 : i32
        %get3A_498 = arith.index_cast %add3A_497 : i32 to index
        %get3A_499 = arith.constant 0 : index
        %get3A_500 = tpu.vector_load %arg10[%get3A_498, %get3A_499] {strides = array<i32>} : memref<640x16xf32, #tpu.memory_space<vmem>>, vector<16xf32>,
        %add3A_501 = arith.constant 15 : i32
        %add3A_502 = arith.addi %mul3A_320, %add3A_501 : i32
        %get3A_503 = arith.index_cast %add3A_502 : i32 to index
        %get3A_504 = arith.constant 0 : index
        %get3A_505 = tpu.vector_load %arg12[%get3A_503, %get3A_504] {strides = array<i32>} : memref<640x16xf32, #tpu.memory_space<vmem>>, vector<16xf32>,
        %mul3A_506 = arith.mulf %get3A_500, %get3A_505 : vector<16xf32>
        %add3A_507 = arith.addf %add3A_495, %mul3A_506 : vector<16xf32>
        %add3A_508 = arith.constant 16 : i32
        %add3A_509 = arith.addi %mul3A_320, %add3A_508 : i32
        %get3A_510 = arith.index_cast %add3A_509 : i32 to index
        %get3A_511 = arith.constant 0 : index
        %get3A_512 = tpu.vector_load %arg10[%get3A_510, %get3A_511] {strides = array<i32>} : memref<640x16xf32, #tpu.memory_space<vmem>>, vector<16xf32>,
        %add3A_513 = arith.constant 16 : i32
        %add3A_514 = arith.addi %mul3A_320, %add3A_513 : i32
        %get3A_515 = arith.index_cast %add3A_514 : i32 to index
        %get3A_516 = arith.constant 0 : index
        %get3A_517 = tpu.vector_load %arg12[%get3A_515, %get3A_516] {strides = array<i32>} : memref<640x16xf32, #tpu.memory_space<vmem>>, vector<16xf32>,
        %mul3A_518 = arith.mulf %get3A_512, %get3A_517 : vector<16xf32>
        %add3A_519 = arith.addf %add3A_507, %mul3A_518 : vector<16xf32>
        %add3A_520 = arith.constant 17 : i32
        %add3A_521 = arith.addi %mul3A_320, %add3A_520 : i32
        %get3A_522 = arith.index_cast %add3A_521 : i32 to index
        %get3A_523 = arith.constant 0 : index
        %get3A_524 = tpu.vector_load %arg10[%get3A_522, %get3A_523] {strides = array<i32>} : memref<640x16xf32, #tpu.memory_space<vmem>>, vector<16xf32>,
        %add3A_525 = arith.constant 17 : i32
        %add3A_526 = arith.addi %mul3A_320, %add3A_525 : i32
        %get3A_527 = arith.index_cast %add3A_526 : i32 to index
        %get3A_528 = arith.constant 0 : index
        %get3A_529 = tpu.vector_load %arg12[%get3A_527, %get3A_528] {strides = array<i32>} : memref<640x16xf32, #tpu.memory_space<vmem>>, vector<16xf32>,
        %mul3A_530 = arith.mulf %get3A_524, %get3A_529 : vector<16xf32>
        %add3A_531 = arith.addf %add3A_519, %mul3A_530 : vector<16xf32>
        %add3A_532 = arith.constant 18 : i32
        %add3A_533 = arith.addi %mul3A_320, %add3A_532 : i32
        %get3A_534 = arith.index_cast %add3A_533 : i32 to index
        %get3A_535 = arith.constant 0 : index
        %get3A_536 = tpu.vector_load %arg10[%get3A_534, %get3A_535] {strides = array<i32>} : memref<640x16xf32, #tpu.memory_space<vmem>>, vector<16xf32>,
        %add3A_537 = arith.constant 18 : i32
        %add3A_538 = arith.addi %mul3A_320, %add3A_537 : i32
        %get3A_539 = arith.index_cast %add3A_538 : i32 to index
        %get3A_540 = arith.constant 0 : index
        %get3A_541 = tpu.vector_load %arg12[%get3A_539, %get3A_540] {strides = array<i32>} : memref<640x16xf32, #tpu.memory_space<vmem>>, vector<16xf32>,
        %mul3A_542 = arith.mulf %get3A_536, %get3A_541 : vector<16xf32>
        %add3A_543 = arith.addf %add3A_531, %mul3A_542 : vector<16xf32>
        %add3A_544 = arith.constant 19 : i32
        %add3A_545 = arith.addi %mul3A_320, %add3A_544 : i32
        %get3A_546 = arith.index_cast %add3A_545 : i32 to index
        %get3A_547 = arith.constant 0 : index
        %get3A_548 = tpu.vector_load %arg10[%get3A_546, %get3A_547] {strides = array<i32>} : memref<640x16xf32, #tpu.memory_space<vmem>>, vector<16xf32>,
        %add3A_549 = arith.constant 19 : i32
        %add3A_550 = arith.addi %mul3A_320, %add3A_549 : i32
        %get3A_551 = arith.index_cast %add3A_550 : i32 to index
        %get3A_552 = arith.constant 0 : index
        %get3A_553 = tpu.vector_load %arg12[%get3A_551, %get3A_552] {strides = array<i32>} : memref<640x16xf32, #tpu.memory_space<vmem>>, vector<16xf32>,
        %mul3A_554 = arith.mulf %get3A_548, %get3A_553 : vector<16xf32>
        %add3A_555 = arith.addf %add3A_543, %mul3A_554 : vector<16xf32>
        %mul3A_556 = arith.mulf %add3A_555, %get3A_5 : vector<16xf32>
        %reduce_sum3A = arith.constant true
        %reduce_sum3A_557 = vector.broadcast %reduce_sum3A : i1 to vector<16xi1>
        %reduce_sum3A_558 = tpu.scan <sum>, %mul3A_556 masked %reduce_sum3A_557 : vector<16xf32>, vector<16xi1> -> vector<16xf32>
        %reduce_sum3A_559 = vector.extract %reduce_sum3A_558[15] : f32 from vector<16xf32>
        %eq3A = vector.broadcast %scan3A_315 : i32 to vector<16xi32>
        %eq3A_560 = arith.cmpi eq, %iota3A, %eq3A : vector<16xi32>
        %broadcast_in_dim3A_561 = vector.broadcast %reduce_sum3A_559 : f32 to vector<16xf32>
        %select_n3A = arith.select %eq3A_560, %broadcast_in_dim3A_561, %scan3A_316 : vector<16xi1>, vector<16xf32>
        scf.yield %select_n3A : vector<16xf32>
      }
      %scan3A_250 = arith.constant 16 : i32
      %add3A_251 = arith.addf %scan3A_249, %get3A_7 : vector<16xf32>
      %mul3A_252 = arith.constant 32 : i32
      %mul3A_253 = arith.muli %add3A_218, %mul3A_252 : i32
      %add3A_254 = arith.constant 16 : i32
      %add3A_255 = arith.addi %mul3A_253, %add3A_254 : i32
      %swap3A_256 = arith.index_cast %add3A_255 : i32 to index
      %swap3A_257 = tpu.vector_load %arg15[%swap3A_256] {strides = array<i32>} : memref<512xf32, #tpu.memory_space<vmem>>, vector<16xf32>,
      tpu.vector_store %arg15[%swap3A_256], %add3A_251 {strides = array<i32>} : memref<512xf32, #tpu.memory_space<vmem>>, vector<16xf32>,
      %add3A_258 = arith.constant 2 : i32
      %add3A_259 = arith.addi %add3A_218, %add3A_258 : i32
      %lt3A = arith.constant 16 : i32
      %lt3A_260 = arith.cmpi slt, %add3A_259, %lt3A : i32
      %convert_element_type3A = arith.extui %lt3A_260 : i1 to i32
      %cond3A = arith.constant 0 : i32
      %cond3A_261 = arith.cmpi ne, %convert_element_type3A, %cond3A : i32
      scf.if %cond3A_261 {
        %add3A_315 = arith.constant 2 : i32
        %add3A_316 = arith.addi %add3A_218, %add3A_315 : i32
        %mul3A_317 = arith.constant 5 : i32
        %mul3A_318 = arith.muli %add3A_316, %mul3A_317 : i32
        %add3A_319 = arith.constant 0 : i32
        %add3A_320 = arith.addi %mul3A_318, %add3A_319 : i32
        %dma_start3A_321 = arith.constant 0 : i32
        %dma_start3A_322 = arith.constant 0 : i32
        %dma_start3A_323 = tpu.memref_slice %arg10[%dma_start3A_321, %dma_start3A_322] : memref<640x16xf32, #tpu.memory_space<vmem>> -> memref<128x16xf32, #tpu.memory_space<vmem>>
        %dma_start3A_324 = arith.constant 0 : i32
        %dma_start3A_325 = tpu.memref_slice %arg8[%add3A_320, %dma_start3A_324] : memref<80x128xi32, #tpu.memory_space<vmem>> -> memref<1x128xi32, #tpu.memory_space<vmem>>
        %dma_start3A_326 = tpu.memref_squeeze %dma_start3A_325 : memref<1x128xi32, #tpu.memory_space<vmem>> -> memref<128xi32, #tpu.memory_space<vmem>>
        %dma_start3A_327 = arith.constant 0 : i32
        %dma_start3A_328 = arith.constant 0 : i32
        %dma_start3A_329 = tpu.memref_slice %arg4[%dma_start3A_327, %dma_start3A_328] : memref<1000000x16xf32, #tpu.memory_space<hbm>> -> memref<1000000x16xf32, #tpu.memory_space<hbm>>
        tpu.enqueue_indirect_dma source(%dma_start3A_329 : memref<1000000x16xf32, #tpu.memory_space<hbm>>) target(%dma_start3A_323 : memref<128x16xf32, #tpu.memory_space<vmem>>) offsets(%dma_start3A_326 : memref<128xi32, #tpu.memory_space<vmem>>) semaphore(%arg16 : memref<!tpu.dma_semaphore, #tpu.memory_space<semaphore_mem>>)
        %mul3A_330 = arith.constant 5 : i32
        %mul3A_331 = arith.muli %add3A_316, %mul3A_330 : i32
        %add3A_332 = arith.constant 0 : i32
        %add3A_333 = arith.addi %mul3A_331, %add3A_332 : i32
        %dma_start3A_334 = arith.constant 0 : i32
        %dma_start3A_335 = arith.constant 0 : i32
        %dma_start3A_336 = tpu.memref_slice %arg12[%dma_start3A_334, %dma_start3A_335] : memref<640x16xf32, #tpu.memory_space<vmem>> -> memref<128x16xf32, #tpu.memory_space<vmem>>
        %dma_start3A_337 = arith.constant 0 : i32
        %dma_start3A_338 = tpu.memref_slice %arg9[%add3A_333, %dma_start3A_337] : memref<80x128xi32, #tpu.memory_space<vmem>> -> memref<1x128xi32, #tpu.memory_space<vmem>>
        %dma_start3A_339 = tpu.memref_squeeze %dma_start3A_338 : memref<1x128xi32, #tpu.memory_space<vmem>> -> memref<128xi32, #tpu.memory_space<vmem>>
        %dma_start3A_340 = arith.constant 0 : i32
        %dma_start3A_341 = arith.constant 0 : i32
        %dma_start3A_342 = tpu.memref_slice %arg5[%dma_start3A_340, %dma_start3A_341] : memref<1000000x16xf32, #tpu.memory_space<hbm>> -> memref<1000000x16xf32, #tpu.memory_space<hbm>>
        tpu.enqueue_indirect_dma source(%dma_start3A_342 : memref<1000000x16xf32, #tpu.memory_space<hbm>>) target(%dma_start3A_336 : memref<128x16xf32, #tpu.memory_space<vmem>>) offsets(%dma_start3A_339 : memref<128xi32, #tpu.memory_space<vmem>>) semaphore(%arg18 : memref<!tpu.dma_semaphore, #tpu.memory_space<semaphore_mem>>)
        %mul3A_343 = arith.constant 5 : i32
        %mul3A_344 = arith.muli %add3A_316, %mul3A_343 : i32
        %add3A_345 = arith.constant 1 : i32
        %add3A_346 = arith.addi %mul3A_344, %add3A_345 : i32
        %dma_start3A_347 = arith.constant 128 : i32
        %dma_start3A_348 = arith.constant 0 : i32
        %dma_start3A_349 = tpu.memref_slice %arg10[%dma_start3A_347, %dma_start3A_348] : memref<640x16xf32, #tpu.memory_space<vmem>> -> memref<128x16xf32, #tpu.memory_space<vmem>>
        %dma_start3A_350 = arith.constant 0 : i32
        %dma_start3A_351 = tpu.memref_slice %arg8[%add3A_346, %dma_start3A_350] : memref<80x128xi32, #tpu.memory_space<vmem>> -> memref<1x128xi32, #tpu.memory_space<vmem>>
        %dma_start3A_352 = tpu.memref_squeeze %dma_start3A_351 : memref<1x128xi32, #tpu.memory_space<vmem>> -> memref<128xi32, #tpu.memory_space<vmem>>
        %dma_start3A_353 = arith.constant 0 : i32
        %dma_start3A_354 = arith.constant 0 : i32
        %dma_start3A_355 = tpu.memref_slice %arg4[%dma_start3A_353, %dma_start3A_354] : memref<1000000x16xf32, #tpu.memory_space<hbm>> -> memref<1000000x16xf32, #tpu.memory_space<hbm>>
        tpu.enqueue_indirect_dma source(%dma_start3A_355 : memref<1000000x16xf32, #tpu.memory_space<hbm>>) target(%dma_start3A_349 : memref<128x16xf32, #tpu.memory_space<vmem>>) offsets(%dma_start3A_352 : memref<128xi32, #tpu.memory_space<vmem>>) semaphore(%arg16 : memref<!tpu.dma_semaphore, #tpu.memory_space<semaphore_mem>>)
        %mul3A_356 = arith.constant 5 : i32
        %mul3A_357 = arith.muli %add3A_316, %mul3A_356 : i32
        %add3A_358 = arith.constant 1 : i32
        %add3A_359 = arith.addi %mul3A_357, %add3A_358 : i32
        %dma_start3A_360 = arith.constant 128 : i32
        %dma_start3A_361 = arith.constant 0 : i32
        %dma_start3A_362 = tpu.memref_slice %arg12[%dma_start3A_360, %dma_start3A_361] : memref<640x16xf32, #tpu.memory_space<vmem>> -> memref<128x16xf32, #tpu.memory_space<vmem>>
        %dma_start3A_363 = arith.constant 0 : i32
        %dma_start3A_364 = tpu.memref_slice %arg9[%add3A_359, %dma_start3A_363] : memref<80x128xi32, #tpu.memory_space<vmem>> -> memref<1x128xi32, #tpu.memory_space<vmem>>
        %dma_start3A_365 = tpu.memref_squeeze %dma_start3A_364 : memref<1x128xi32, #tpu.memory_space<vmem>> -> memref<128xi32, #tpu.memory_space<vmem>>
        %dma_start3A_366 = arith.constant 0 : i32
        %dma_start3A_367 = arith.constant 0 : i32
        %dma_start3A_368 = tpu.memref_slice %arg5[%dma_start3A_366, %dma_start3A_367] : memref<1000000x16xf32, #tpu.memory_space<hbm>> -> memref<1000000x16xf32, #tpu.memory_space<hbm>>
        tpu.enqueue_indirect_dma source(%dma_start3A_368 : memref<1000000x16xf32, #tpu.memory_space<hbm>>) target(%dma_start3A_362 : memref<128x16xf32, #tpu.memory_space<vmem>>) offsets(%dma_start3A_365 : memref<128xi32, #tpu.memory_space<vmem>>) semaphore(%arg18 : memref<!tpu.dma_semaphore, #tpu.memory_space<semaphore_mem>>)
        %mul3A_369 = arith.constant 5 : i32
        %mul3A_370 = arith.muli %add3A_316, %mul3A_369 : i32
        %add3A_371 = arith.constant 2 : i32
        %add3A_372 = arith.addi %mul3A_370, %add3A_371 : i32
        %dma_start3A_373 = arith.constant 256 : i32
        %dma_start3A_374 = arith.constant 0 : i32
        %dma_start3A_375 = tpu.memref_slice %arg10[%dma_start3A_373, %dma_start3A_374] : memref<640x16xf32, #tpu.memory_space<vmem>> -> memref<128x16xf32, #tpu.memory_space<vmem>>
        %dma_start3A_376 = arith.constant 0 : i32
        %dma_start3A_377 = tpu.memref_slice %arg8[%add3A_372, %dma_start3A_376] : memref<80x128xi32, #tpu.memory_space<vmem>> -> memref<1x128xi32, #tpu.memory_space<vmem>>
        %dma_start3A_378 = tpu.memref_squeeze %dma_start3A_377 : memref<1x128xi32, #tpu.memory_space<vmem>> -> memref<128xi32, #tpu.memory_space<vmem>>
        %dma_start3A_379 = arith.constant 0 : i32
        %dma_start3A_380 = arith.constant 0 : i32
        %dma_start3A_381 = tpu.memref_slice %arg4[%dma_start3A_379, %dma_start3A_380] : memref<1000000x16xf32, #tpu.memory_space<hbm>> -> memref<1000000x16xf32, #tpu.memory_space<hbm>>
        tpu.enqueue_indirect_dma source(%dma_start3A_381 : memref<1000000x16xf32, #tpu.memory_space<hbm>>) target(%dma_start3A_375 : memref<128x16xf32, #tpu.memory_space<vmem>>) offsets(%dma_start3A_378 : memref<128xi32, #tpu.memory_space<vmem>>) semaphore(%arg16 : memref<!tpu.dma_semaphore, #tpu.memory_space<semaphore_mem>>)
        %mul3A_382 = arith.constant 5 : i32
        %mul3A_383 = arith.muli %add3A_316, %mul3A_382 : i32
        %add3A_384 = arith.constant 2 : i32
        %add3A_385 = arith.addi %mul3A_383, %add3A_384 : i32
        %dma_start3A_386 = arith.constant 256 : i32
        %dma_start3A_387 = arith.constant 0 : i32
        %dma_start3A_388 = tpu.memref_slice %arg12[%dma_start3A_386, %dma_start3A_387] : memref<640x16xf32, #tpu.memory_space<vmem>> -> memref<128x16xf32, #tpu.memory_space<vmem>>
        %dma_start3A_389 = arith.constant 0 : i32
        %dma_start3A_390 = tpu.memref_slice %arg9[%add3A_385, %dma_start3A_389] : memref<80x128xi32, #tpu.memory_space<vmem>> -> memref<1x128xi32, #tpu.memory_space<vmem>>
        %dma_start3A_391 = tpu.memref_squeeze %dma_start3A_390 : memref<1x128xi32, #tpu.memory_space<vmem>> -> memref<128xi32, #tpu.memory_space<vmem>>
        %dma_start3A_392 = arith.constant 0 : i32
        %dma_start3A_393 = arith.constant 0 : i32
        %dma_start3A_394 = tpu.memref_slice %arg5[%dma_start3A_392, %dma_start3A_393] : memref<1000000x16xf32, #tpu.memory_space<hbm>> -> memref<1000000x16xf32, #tpu.memory_space<hbm>>
        tpu.enqueue_indirect_dma source(%dma_start3A_394 : memref<1000000x16xf32, #tpu.memory_space<hbm>>) target(%dma_start3A_388 : memref<128x16xf32, #tpu.memory_space<vmem>>) offsets(%dma_start3A_391 : memref<128xi32, #tpu.memory_space<vmem>>) semaphore(%arg18 : memref<!tpu.dma_semaphore, #tpu.memory_space<semaphore_mem>>)
        %mul3A_395 = arith.constant 5 : i32
        %mul3A_396 = arith.muli %add3A_316, %mul3A_395 : i32
        %add3A_397 = arith.constant 3 : i32
        %add3A_398 = arith.addi %mul3A_396, %add3A_397 : i32
        %dma_start3A_399 = arith.constant 384 : i32
        %dma_start3A_400 = arith.constant 0 : i32
        %dma_start3A_401 = tpu.memref_slice %arg10[%dma_start3A_399, %dma_start3A_400] : memref<640x16xf32, #tpu.memory_space<vmem>> -> memref<128x16xf32, #tpu.memory_space<vmem>>
        %dma_start3A_402 = arith.constant 0 : i32
        %dma_start3A_403 = tpu.memref_slice %arg8[%add3A_398, %dma_start3A_402] : memref<80x128xi32, #tpu.memory_space<vmem>> -> memref<1x128xi32, #tpu.memory_space<vmem>>
        %dma_start3A_404 = tpu.memref_squeeze %dma_start3A_403 : memref<1x128xi32, #tpu.memory_space<vmem>> -> memref<128xi32, #tpu.memory_space<vmem>>
        %dma_start3A_405 = arith.constant 0 : i32
        %dma_start3A_406 = arith.constant 0 : i32
        %dma_start3A_407 = tpu.memref_slice %arg4[%dma_start3A_405, %dma_start3A_406] : memref<1000000x16xf32, #tpu.memory_space<hbm>> -> memref<1000000x16xf32, #tpu.memory_space<hbm>>
        tpu.enqueue_indirect_dma source(%dma_start3A_407 : memref<1000000x16xf32, #tpu.memory_space<hbm>>) target(%dma_start3A_401 : memref<128x16xf32, #tpu.memory_space<vmem>>) offsets(%dma_start3A_404 : memref<128xi32, #tpu.memory_space<vmem>>) semaphore(%arg16 : memref<!tpu.dma_semaphore, #tpu.memory_space<semaphore_mem>>)
        %mul3A_408 = arith.constant 5 : i32
        %mul3A_409 = arith.muli %add3A_316, %mul3A_408 : i32
        %add3A_410 = arith.constant 3 : i32
        %add3A_411 = arith.addi %mul3A_409, %add3A_410 : i32
        %dma_start3A_412 = arith.constant 384 : i32
        %dma_start3A_413 = arith.constant 0 : i32
        %dma_start3A_414 = tpu.memref_slice %arg12[%dma_start3A_412, %dma_start3A_413] : memref<640x16xf32, #tpu.memory_space<vmem>> -> memref<128x16xf32, #tpu.memory_space<vmem>>
        %dma_start3A_415 = arith.constant 0 : i32
        %dma_start3A_416 = tpu.memref_slice %arg9[%add3A_411, %dma_start3A_415] : memref<80x128xi32, #tpu.memory_space<vmem>> -> memref<1x128xi32, #tpu.memory_space<vmem>>
        %dma_start3A_417 = tpu.memref_squeeze %dma_start3A_416 : memref<1x128xi32, #tpu.memory_space<vmem>> -> memref<128xi32, #tpu.memory_space<vmem>>
        %dma_start3A_418 = arith.constant 0 : i32
        %dma_start3A_419 = arith.constant 0 : i32
        %dma_start3A_420 = tpu.memref_slice %arg5[%dma_start3A_418, %dma_start3A_419] : memref<1000000x16xf32, #tpu.memory_space<hbm>> -> memref<1000000x16xf32, #tpu.memory_space<hbm>>
        tpu.enqueue_indirect_dma source(%dma_start3A_420 : memref<1000000x16xf32, #tpu.memory_space<hbm>>) target(%dma_start3A_414 : memref<128x16xf32, #tpu.memory_space<vmem>>) offsets(%dma_start3A_417 : memref<128xi32, #tpu.memory_space<vmem>>) semaphore(%arg18 : memref<!tpu.dma_semaphore, #tpu.memory_space<semaphore_mem>>)
        %mul3A_421 = arith.constant 5 : i32
        %mul3A_422 = arith.muli %add3A_316, %mul3A_421 : i32
        %add3A_423 = arith.constant 4 : i32
        %add3A_424 = arith.addi %mul3A_422, %add3A_423 : i32
        %dma_start3A_425 = arith.constant 512 : i32
        %dma_start3A_426 = arith.constant 0 : i32
        %dma_start3A_427 = tpu.memref_slice %arg10[%dma_start3A_425, %dma_start3A_426] : memref<640x16xf32, #tpu.memory_space<vmem>> -> memref<128x16xf32, #tpu.memory_space<vmem>>
        %dma_start3A_428 = arith.constant 0 : i32
        %dma_start3A_429 = tpu.memref_slice %arg8[%add3A_424, %dma_start3A_428] : memref<80x128xi32, #tpu.memory_space<vmem>> -> memref<1x128xi32, #tpu.memory_space<vmem>>
        %dma_start3A_430 = tpu.memref_squeeze %dma_start3A_429 : memref<1x128xi32, #tpu.memory_space<vmem>> -> memref<128xi32, #tpu.memory_space<vmem>>
        %dma_start3A_431 = arith.constant 0 : i32
        %dma_start3A_432 = arith.constant 0 : i32
        %dma_start3A_433 = tpu.memref_slice %arg4[%dma_start3A_431, %dma_start3A_432] : memref<1000000x16xf32, #tpu.memory_space<hbm>> -> memref<1000000x16xf32, #tpu.memory_space<hbm>>
        tpu.enqueue_indirect_dma source(%dma_start3A_433 : memref<1000000x16xf32, #tpu.memory_space<hbm>>) target(%dma_start3A_427 : memref<128x16xf32, #tpu.memory_space<vmem>>) offsets(%dma_start3A_430 : memref<128xi32, #tpu.memory_space<vmem>>) semaphore(%arg16 : memref<!tpu.dma_semaphore, #tpu.memory_space<semaphore_mem>>)
        %mul3A_434 = arith.constant 5 : i32
        %mul3A_435 = arith.muli %add3A_316, %mul3A_434 : i32
        %add3A_436 = arith.constant 4 : i32
        %add3A_437 = arith.addi %mul3A_435, %add3A_436 : i32
        %dma_start3A_438 = arith.constant 512 : i32
        %dma_start3A_439 = arith.constant 0 : i32
        %dma_start3A_440 = tpu.memref_slice %arg12[%dma_start3A_438, %dma_start3A_439] : memref<640x16xf32, #tpu.memory_space<vmem>> -> memref<128x16xf32, #tpu.memory_space<vmem>>
        %dma_start3A_441 = arith.constant 0 : i32
        %dma_start3A_442 = tpu.memref_slice %arg9[%add3A_437, %dma_start3A_441] : memref<80x128xi32, #tpu.memory_space<vmem>> -> memref<1x128xi32, #tpu.memory_space<vmem>>
        %dma_start3A_443 = tpu.memref_squeeze %dma_start3A_442 : memref<1x128xi32, #tpu.memory_space<vmem>> -> memref<128xi32, #tpu.memory_space<vmem>>
        %dma_start3A_444 = arith.constant 0 : i32
        %dma_start3A_445 = arith.constant 0 : i32
        %dma_start3A_446 = tpu.memref_slice %arg5[%dma_start3A_444, %dma_start3A_445] : memref<1000000x16xf32, #tpu.memory_space<hbm>> -> memref<1000000x16xf32, #tpu.memory_space<hbm>>
        tpu.enqueue_indirect_dma source(%dma_start3A_446 : memref<1000000x16xf32, #tpu.memory_space<hbm>>) target(%dma_start3A_440 : memref<128x16xf32, #tpu.memory_space<vmem>>) offsets(%dma_start3A_443 : memref<128xi32, #tpu.memory_space<vmem>>) semaphore(%arg18 : memref<!tpu.dma_semaphore, #tpu.memory_space<semaphore_mem>>)
      } else {
      }
      %mul3A_262 = arith.constant 2 : i32
      %mul3A_263 = arith.muli %scan3A_214, %mul3A_262 : i32
      %add3A_264 = arith.constant 1 : i32
      %add3A_265 = arith.addi %mul3A_263, %add3A_264 : i32
      %dma_wait3A_266 = arith.constant 0 : i32
      %dma_wait3A_267 = arith.constant 0 : i32
      %dma_wait3A_268 = tpu.memref_slice %arg4[%dma_wait3A_266, %dma_wait3A_267] : memref<1000000x16xf32, #tpu.memory_space<hbm>> -> memref<640x16xf32, #tpu.memory_space<hbm>>
      %dma_wait3A_269 = arith.constant 0 : i32
      %dma_wait3A_270 = arith.constant 0 : i32
      %dma_wait3A_271 = tpu.memref_slice %arg4[%dma_wait3A_269, %dma_wait3A_270] : memref<1000000x16xf32, #tpu.memory_space<hbm>> -> memref<640x16xf32, #tpu.memory_space<hbm>>
      tpu.wait_dma2 semaphore(%arg17 : memref<!tpu.dma_semaphore, #tpu.memory_space<semaphore_mem>>) src(%dma_wait3A_271 : memref<640x16xf32, #tpu.memory_space<hbm>>) dst(%arg11 : memref<640x16xf32, #tpu.memory_space<vmem>>)
      %dma_wait3A_272 = arith.constant 0 : i32
      %dma_wait3A_273 = arith.constant 0 : i32
      %dma_wait3A_274 = tpu.memref_slice %arg5[%dma_wait3A_272, %dma_wait3A_273] : memref<1000000x16xf32, #tpu.memory_space<hbm>> -> memref<640x16xf32, #tpu.memory_space<hbm>>
      %dma_wait3A_275 = arith.constant 0 : i32
      %dma_wait3A_276 = arith.constant 0 : i32
      %dma_wait3A_277 = tpu.memref_slice %arg5[%dma_wait3A_275, %dma_wait3A_276] : memref<1000000x16xf32, #tpu.memory_space<hbm>> -> memref<640x16xf32, #tpu.memory_space<hbm>>
      tpu.wait_dma2 semaphore(%arg19 : memref<!tpu.dma_semaphore, #tpu.memory_space<semaphore_mem>>) src(%dma_wait3A_277 : memref<640x16xf32, #tpu.memory_space<hbm>>) dst(%arg13 : memref<640x16xf32, #tpu.memory_space<vmem>>)
      %broadcast_in_dim3A_278 = arith.constant 0.000000e+00 : f32
      %broadcast_in_dim3A_279 = vector.broadcast %broadcast_in_dim3A_278 : f32 to vector<16xf32>
      %scan3A_280 = arith.constant 0 : i32
      %scan3A_281 = arith.constant 16 : i32
      %scan3A_282 = arith.addi %scan3A_280, %scan3A_281 : i32
      %scan3A_283 = arith.constant 1 : i32
      %scan3A_284 = scf.for %scan3A_315 = %scan3A_280 to %scan3A_282 step %scan3A_283 iter_args(%scan3A_316 = %broadcast_in_dim3A_279) -> (vector<16xf32>)  : i32 {
        %add3A_317 = arith.constant 0 : i32
        %add3A_318 = arith.addi %add3A_317, %scan3A_315 : i32
        %mul3A_319 = arith.constant 20 : i32
        %mul3A_320 = arith.muli %add3A_318, %mul3A_319 : i32
        %get3A_321 = arith.index_cast %mul3A_320 : i32 to index
        %get3A_322 = arith.constant 0 : index
        %get3A_323 = tpu.vector_load %arg11[%get3A_321, %get3A_322] {strides = array<i32>} : memref<640x16xf32, #tpu.memory_space<vmem>>, vector<16xf32>,
        %get3A_324 = arith.index_cast %mul3A_320 : i32 to index
        %get3A_325 = arith.constant 0 : index
        %get3A_326 = tpu.vector_load %arg13[%get3A_324, %get3A_325] {strides = array<i32>} : memref<640x16xf32, #tpu.memory_space<vmem>>, vector<16xf32>,
        %mul3A_327 = arith.mulf %get3A_323, %get3A_326 : vector<16xf32>
        %add3A_328 = arith.constant 1 : i32
        %add3A_329 = arith.addi %mul3A_320, %add3A_328 : i32
        %get3A_330 = arith.index_cast %add3A_329 : i32 to index
        %get3A_331 = arith.constant 0 : index
        %get3A_332 = tpu.vector_load %arg11[%get3A_330, %get3A_331] {strides = array<i32>} : memref<640x16xf32, #tpu.memory_space<vmem>>, vector<16xf32>,
        %add3A_333 = arith.constant 1 : i32
        %add3A_334 = arith.addi %mul3A_320, %add3A_333 : i32
        %get3A_335 = arith.index_cast %add3A_334 : i32 to index
        %get3A_336 = arith.constant 0 : index
        %get3A_337 = tpu.vector_load %arg13[%get3A_335, %get3A_336] {strides = array<i32>} : memref<640x16xf32, #tpu.memory_space<vmem>>, vector<16xf32>,
        %mul3A_338 = arith.mulf %get3A_332, %get3A_337 : vector<16xf32>
        %add3A_339 = arith.addf %mul3A_327, %mul3A_338 : vector<16xf32>
        %add3A_340 = arith.constant 2 : i32
        %add3A_341 = arith.addi %mul3A_320, %add3A_340 : i32
        %get3A_342 = arith.index_cast %add3A_341 : i32 to index
        %get3A_343 = arith.constant 0 : index
        %get3A_344 = tpu.vector_load %arg11[%get3A_342, %get3A_343] {strides = array<i32>} : memref<640x16xf32, #tpu.memory_space<vmem>>, vector<16xf32>,
        %add3A_345 = arith.constant 2 : i32
        %add3A_346 = arith.addi %mul3A_320, %add3A_345 : i32
        %get3A_347 = arith.index_cast %add3A_346 : i32 to index
        %get3A_348 = arith.constant 0 : index
        %get3A_349 = tpu.vector_load %arg13[%get3A_347, %get3A_348] {strides = array<i32>} : memref<640x16xf32, #tpu.memory_space<vmem>>, vector<16xf32>,
        %mul3A_350 = arith.mulf %get3A_344, %get3A_349 : vector<16xf32>
        %add3A_351 = arith.addf %add3A_339, %mul3A_350 : vector<16xf32>
        %add3A_352 = arith.constant 3 : i32
        %add3A_353 = arith.addi %mul3A_320, %add3A_352 : i32
        %get3A_354 = arith.index_cast %add3A_353 : i32 to index
        %get3A_355 = arith.constant 0 : index
        %get3A_356 = tpu.vector_load %arg11[%get3A_354, %get3A_355] {strides = array<i32>} : memref<640x16xf32, #tpu.memory_space<vmem>>, vector<16xf32>,
        %add3A_357 = arith.constant 3 : i32
        %add3A_358 = arith.addi %mul3A_320, %add3A_357 : i32
        %get3A_359 = arith.index_cast %add3A_358 : i32 to index
        %get3A_360 = arith.constant 0 : index
        %get3A_361 = tpu.vector_load %arg13[%get3A_359, %get3A_360] {strides = array<i32>} : memref<640x16xf32, #tpu.memory_space<vmem>>, vector<16xf32>,
        %mul3A_362 = arith.mulf %get3A_356, %get3A_361 : vector<16xf32>
        %add3A_363 = arith.addf %add3A_351, %mul3A_362 : vector<16xf32>
        %add3A_364 = arith.constant 4 : i32
        %add3A_365 = arith.addi %mul3A_320, %add3A_364 : i32
        %get3A_366 = arith.index_cast %add3A_365 : i32 to index
        %get3A_367 = arith.constant 0 : index
        %get3A_368 = tpu.vector_load %arg11[%get3A_366, %get3A_367] {strides = array<i32>} : memref<640x16xf32, #tpu.memory_space<vmem>>, vector<16xf32>,
        %add3A_369 = arith.constant 4 : i32
        %add3A_370 = arith.addi %mul3A_320, %add3A_369 : i32
        %get3A_371 = arith.index_cast %add3A_370 : i32 to index
        %get3A_372 = arith.constant 0 : index
        %get3A_373 = tpu.vector_load %arg13[%get3A_371, %get3A_372] {strides = array<i32>} : memref<640x16xf32, #tpu.memory_space<vmem>>, vector<16xf32>,
        %mul3A_374 = arith.mulf %get3A_368, %get3A_373 : vector<16xf32>
        %add3A_375 = arith.addf %add3A_363, %mul3A_374 : vector<16xf32>
        %add3A_376 = arith.constant 5 : i32
        %add3A_377 = arith.addi %mul3A_320, %add3A_376 : i32
        %get3A_378 = arith.index_cast %add3A_377 : i32 to index
        %get3A_379 = arith.constant 0 : index
        %get3A_380 = tpu.vector_load %arg11[%get3A_378, %get3A_379] {strides = array<i32>} : memref<640x16xf32, #tpu.memory_space<vmem>>, vector<16xf32>,
        %add3A_381 = arith.constant 5 : i32
        %add3A_382 = arith.addi %mul3A_320, %add3A_381 : i32
        %get3A_383 = arith.index_cast %add3A_382 : i32 to index
        %get3A_384 = arith.constant 0 : index
        %get3A_385 = tpu.vector_load %arg13[%get3A_383, %get3A_384] {strides = array<i32>} : memref<640x16xf32, #tpu.memory_space<vmem>>, vector<16xf32>,
        %mul3A_386 = arith.mulf %get3A_380, %get3A_385 : vector<16xf32>
        %add3A_387 = arith.addf %add3A_375, %mul3A_386 : vector<16xf32>
        %add3A_388 = arith.constant 6 : i32
        %add3A_389 = arith.addi %mul3A_320, %add3A_388 : i32
        %get3A_390 = arith.index_cast %add3A_389 : i32 to index
        %get3A_391 = arith.constant 0 : index
        %get3A_392 = tpu.vector_load %arg11[%get3A_390, %get3A_391] {strides = array<i32>} : memref<640x16xf32, #tpu.memory_space<vmem>>, vector<16xf32>,
        %add3A_393 = arith.constant 6 : i32
        %add3A_394 = arith.addi %mul3A_320, %add3A_393 : i32
        %get3A_395 = arith.index_cast %add3A_394 : i32 to index
        %get3A_396 = arith.constant 0 : index
        %get3A_397 = tpu.vector_load %arg13[%get3A_395, %get3A_396] {strides = array<i32>} : memref<640x16xf32, #tpu.memory_space<vmem>>, vector<16xf32>,
        %mul3A_398 = arith.mulf %get3A_392, %get3A_397 : vector<16xf32>
        %add3A_399 = arith.addf %add3A_387, %mul3A_398 : vector<16xf32>
        %add3A_400 = arith.constant 7 : i32
        %add3A_401 = arith.addi %mul3A_320, %add3A_400 : i32
        %get3A_402 = arith.index_cast %add3A_401 : i32 to index
        %get3A_403 = arith.constant 0 : index
        %get3A_404 = tpu.vector_load %arg11[%get3A_402, %get3A_403] {strides = array<i32>} : memref<640x16xf32, #tpu.memory_space<vmem>>, vector<16xf32>,
        %add3A_405 = arith.constant 7 : i32
        %add3A_406 = arith.addi %mul3A_320, %add3A_405 : i32
        %get3A_407 = arith.index_cast %add3A_406 : i32 to index
        %get3A_408 = arith.constant 0 : index
        %get3A_409 = tpu.vector_load %arg13[%get3A_407, %get3A_408] {strides = array<i32>} : memref<640x16xf32, #tpu.memory_space<vmem>>, vector<16xf32>,
        %mul3A_410 = arith.mulf %get3A_404, %get3A_409 : vector<16xf32>
        %add3A_411 = arith.addf %add3A_399, %mul3A_410 : vector<16xf32>
        %add3A_412 = arith.constant 8 : i32
        %add3A_413 = arith.addi %mul3A_320, %add3A_412 : i32
        %get3A_414 = arith.index_cast %add3A_413 : i32 to index
        %get3A_415 = arith.constant 0 : index
        %get3A_416 = tpu.vector_load %arg11[%get3A_414, %get3A_415] {strides = array<i32>} : memref<640x16xf32, #tpu.memory_space<vmem>>, vector<16xf32>,
        %add3A_417 = arith.constant 8 : i32
        %add3A_418 = arith.addi %mul3A_320, %add3A_417 : i32
        %get3A_419 = arith.index_cast %add3A_418 : i32 to index
        %get3A_420 = arith.constant 0 : index
        %get3A_421 = tpu.vector_load %arg13[%get3A_419, %get3A_420] {strides = array<i32>} : memref<640x16xf32, #tpu.memory_space<vmem>>, vector<16xf32>,
        %mul3A_422 = arith.mulf %get3A_416, %get3A_421 : vector<16xf32>
        %add3A_423 = arith.addf %add3A_411, %mul3A_422 : vector<16xf32>
        %add3A_424 = arith.constant 9 : i32
        %add3A_425 = arith.addi %mul3A_320, %add3A_424 : i32
        %get3A_426 = arith.index_cast %add3A_425 : i32 to index
        %get3A_427 = arith.constant 0 : index
        %get3A_428 = tpu.vector_load %arg11[%get3A_426, %get3A_427] {strides = array<i32>} : memref<640x16xf32, #tpu.memory_space<vmem>>, vector<16xf32>,
        %add3A_429 = arith.constant 9 : i32
        %add3A_430 = arith.addi %mul3A_320, %add3A_429 : i32
        %get3A_431 = arith.index_cast %add3A_430 : i32 to index
        %get3A_432 = arith.constant 0 : index
        %get3A_433 = tpu.vector_load %arg13[%get3A_431, %get3A_432] {strides = array<i32>} : memref<640x16xf32, #tpu.memory_space<vmem>>, vector<16xf32>,
        %mul3A_434 = arith.mulf %get3A_428, %get3A_433 : vector<16xf32>
        %add3A_435 = arith.addf %add3A_423, %mul3A_434 : vector<16xf32>
        %add3A_436 = arith.constant 10 : i32
        %add3A_437 = arith.addi %mul3A_320, %add3A_436 : i32
        %get3A_438 = arith.index_cast %add3A_437 : i32 to index
        %get3A_439 = arith.constant 0 : index
        %get3A_440 = tpu.vector_load %arg11[%get3A_438, %get3A_439] {strides = array<i32>} : memref<640x16xf32, #tpu.memory_space<vmem>>, vector<16xf32>,
        %add3A_441 = arith.constant 10 : i32
        %add3A_442 = arith.addi %mul3A_320, %add3A_441 : i32
        %get3A_443 = arith.index_cast %add3A_442 : i32 to index
        %get3A_444 = arith.constant 0 : index
        %get3A_445 = tpu.vector_load %arg13[%get3A_443, %get3A_444] {strides = array<i32>} : memref<640x16xf32, #tpu.memory_space<vmem>>, vector<16xf32>,
        %mul3A_446 = arith.mulf %get3A_440, %get3A_445 : vector<16xf32>
        %add3A_447 = arith.addf %add3A_435, %mul3A_446 : vector<16xf32>
        %add3A_448 = arith.constant 11 : i32
        %add3A_449 = arith.addi %mul3A_320, %add3A_448 : i32
        %get3A_450 = arith.index_cast %add3A_449 : i32 to index
        %get3A_451 = arith.constant 0 : index
        %get3A_452 = tpu.vector_load %arg11[%get3A_450, %get3A_451] {strides = array<i32>} : memref<640x16xf32, #tpu.memory_space<vmem>>, vector<16xf32>,
        %add3A_453 = arith.constant 11 : i32
        %add3A_454 = arith.addi %mul3A_320, %add3A_453 : i32
        %get3A_455 = arith.index_cast %add3A_454 : i32 to index
        %get3A_456 = arith.constant 0 : index
        %get3A_457 = tpu.vector_load %arg13[%get3A_455, %get3A_456] {strides = array<i32>} : memref<640x16xf32, #tpu.memory_space<vmem>>, vector<16xf32>,
        %mul3A_458 = arith.mulf %get3A_452, %get3A_457 : vector<16xf32>
        %add3A_459 = arith.addf %add3A_447, %mul3A_458 : vector<16xf32>
        %add3A_460 = arith.constant 12 : i32
        %add3A_461 = arith.addi %mul3A_320, %add3A_460 : i32
        %get3A_462 = arith.index_cast %add3A_461 : i32 to index
        %get3A_463 = arith.constant 0 : index
        %get3A_464 = tpu.vector_load %arg11[%get3A_462, %get3A_463] {strides = array<i32>} : memref<640x16xf32, #tpu.memory_space<vmem>>, vector<16xf32>,
        %add3A_465 = arith.constant 12 : i32
        %add3A_466 = arith.addi %mul3A_320, %add3A_465 : i32
        %get3A_467 = arith.index_cast %add3A_466 : i32 to index
        %get3A_468 = arith.constant 0 : index
        %get3A_469 = tpu.vector_load %arg13[%get3A_467, %get3A_468] {strides = array<i32>} : memref<640x16xf32, #tpu.memory_space<vmem>>, vector<16xf32>,
        %mul3A_470 = arith.mulf %get3A_464, %get3A_469 : vector<16xf32>
        %add3A_471 = arith.addf %add3A_459, %mul3A_470 : vector<16xf32>
        %add3A_472 = arith.constant 13 : i32
        %add3A_473 = arith.addi %mul3A_320, %add3A_472 : i32
        %get3A_474 = arith.index_cast %add3A_473 : i32 to index
        %get3A_475 = arith.constant 0 : index
        %get3A_476 = tpu.vector_load %arg11[%get3A_474, %get3A_475] {strides = array<i32>} : memref<640x16xf32, #tpu.memory_space<vmem>>, vector<16xf32>,
        %add3A_477 = arith.constant 13 : i32
        %add3A_478 = arith.addi %mul3A_320, %add3A_477 : i32
        %get3A_479 = arith.index_cast %add3A_478 : i32 to index
        %get3A_480 = arith.constant 0 : index
        %get3A_481 = tpu.vector_load %arg13[%get3A_479, %get3A_480] {strides = array<i32>} : memref<640x16xf32, #tpu.memory_space<vmem>>, vector<16xf32>,
        %mul3A_482 = arith.mulf %get3A_476, %get3A_481 : vector<16xf32>
        %add3A_483 = arith.addf %add3A_471, %mul3A_482 : vector<16xf32>
        %add3A_484 = arith.constant 14 : i32
        %add3A_485 = arith.addi %mul3A_320, %add3A_484 : i32
        %get3A_486 = arith.index_cast %add3A_485 : i32 to index
        %get3A_487 = arith.constant 0 : index
        %get3A_488 = tpu.vector_load %arg11[%get3A_486, %get3A_487] {strides = array<i32>} : memref<640x16xf32, #tpu.memory_space<vmem>>, vector<16xf32>,
        %add3A_489 = arith.constant 14 : i32
        %add3A_490 = arith.addi %mul3A_320, %add3A_489 : i32
        %get3A_491 = arith.index_cast %add3A_490 : i32 to index
        %get3A_492 = arith.constant 0 : index
        %get3A_493 = tpu.vector_load %arg13[%get3A_491, %get3A_492] {strides = array<i32>} : memref<640x16xf32, #tpu.memory_space<vmem>>, vector<16xf32>,
        %mul3A_494 = arith.mulf %get3A_488, %get3A_493 : vector<16xf32>
        %add3A_495 = arith.addf %add3A_483, %mul3A_494 : vector<16xf32>
        %add3A_496 = arith.constant 15 : i32
        %add3A_497 = arith.addi %mul3A_320, %add3A_496 : i32
        %get3A_498 = arith.index_cast %add3A_497 : i32 to index
        %get3A_499 = arith.constant 0 : index
        %get3A_500 = tpu.vector_load %arg11[%get3A_498, %get3A_499] {strides = array<i32>} : memref<640x16xf32, #tpu.memory_space<vmem>>, vector<16xf32>,
        %add3A_501 = arith.constant 15 : i32
        %add3A_502 = arith.addi %mul3A_320, %add3A_501 : i32
        %get3A_503 = arith.index_cast %add3A_502 : i32 to index
        %get3A_504 = arith.constant 0 : index
        %get3A_505 = tpu.vector_load %arg13[%get3A_503, %get3A_504] {strides = array<i32>} : memref<640x16xf32, #tpu.memory_space<vmem>>, vector<16xf32>,
        %mul3A_506 = arith.mulf %get3A_500, %get3A_505 : vector<16xf32>
        %add3A_507 = arith.addf %add3A_495, %mul3A_506 : vector<16xf32>
        %add3A_508 = arith.constant 16 : i32
        %add3A_509 = arith.addi %mul3A_320, %add3A_508 : i32
        %get3A_510 = arith.index_cast %add3A_509 : i32 to index
        %get3A_511 = arith.constant 0 : index
        %get3A_512 = tpu.vector_load %arg11[%get3A_510, %get3A_511] {strides = array<i32>} : memref<640x16xf32, #tpu.memory_space<vmem>>, vector<16xf32>,
        %add3A_513 = arith.constant 16 : i32
        %add3A_514 = arith.addi %mul3A_320, %add3A_513 : i32
        %get3A_515 = arith.index_cast %add3A_514 : i32 to index
        %get3A_516 = arith.constant 0 : index
        %get3A_517 = tpu.vector_load %arg13[%get3A_515, %get3A_516] {strides = array<i32>} : memref<640x16xf32, #tpu.memory_space<vmem>>, vector<16xf32>,
        %mul3A_518 = arith.mulf %get3A_512, %get3A_517 : vector<16xf32>
        %add3A_519 = arith.addf %add3A_507, %mul3A_518 : vector<16xf32>
        %add3A_520 = arith.constant 17 : i32
        %add3A_521 = arith.addi %mul3A_320, %add3A_520 : i32
        %get3A_522 = arith.index_cast %add3A_521 : i32 to index
        %get3A_523 = arith.constant 0 : index
        %get3A_524 = tpu.vector_load %arg11[%get3A_522, %get3A_523] {strides = array<i32>} : memref<640x16xf32, #tpu.memory_space<vmem>>, vector<16xf32>,
        %add3A_525 = arith.constant 17 : i32
        %add3A_526 = arith.addi %mul3A_320, %add3A_525 : i32
        %get3A_527 = arith.index_cast %add3A_526 : i32 to index
        %get3A_528 = arith.constant 0 : index
        %get3A_529 = tpu.vector_load %arg13[%get3A_527, %get3A_528] {strides = array<i32>} : memref<640x16xf32, #tpu.memory_space<vmem>>, vector<16xf32>,
        %mul3A_530 = arith.mulf %get3A_524, %get3A_529 : vector<16xf32>
        %add3A_531 = arith.addf %add3A_519, %mul3A_530 : vector<16xf32>
        %add3A_532 = arith.constant 18 : i32
        %add3A_533 = arith.addi %mul3A_320, %add3A_532 : i32
        %get3A_534 = arith.index_cast %add3A_533 : i32 to index
        %get3A_535 = arith.constant 0 : index
        %get3A_536 = tpu.vector_load %arg11[%get3A_534, %get3A_535] {strides = array<i32>} : memref<640x16xf32, #tpu.memory_space<vmem>>, vector<16xf32>,
        %add3A_537 = arith.constant 18 : i32
        %add3A_538 = arith.addi %mul3A_320, %add3A_537 : i32
        %get3A_539 = arith.index_cast %add3A_538 : i32 to index
        %get3A_540 = arith.constant 0 : index
        %get3A_541 = tpu.vector_load %arg13[%get3A_539, %get3A_540] {strides = array<i32>} : memref<640x16xf32, #tpu.memory_space<vmem>>, vector<16xf32>,
        %mul3A_542 = arith.mulf %get3A_536, %get3A_541 : vector<16xf32>
        %add3A_543 = arith.addf %add3A_531, %mul3A_542 : vector<16xf32>
        %add3A_544 = arith.constant 19 : i32
        %add3A_545 = arith.addi %mul3A_320, %add3A_544 : i32
        %get3A_546 = arith.index_cast %add3A_545 : i32 to index
        %get3A_547 = arith.constant 0 : index
        %get3A_548 = tpu.vector_load %arg11[%get3A_546, %get3A_547] {strides = array<i32>} : memref<640x16xf32, #tpu.memory_space<vmem>>, vector<16xf32>,
        %add3A_549 = arith.constant 19 : i32
        %add3A_550 = arith.addi %mul3A_320, %add3A_549 : i32
        %get3A_551 = arith.index_cast %add3A_550 : i32 to index
        %get3A_552 = arith.constant 0 : index
        %get3A_553 = tpu.vector_load %arg13[%get3A_551, %get3A_552] {strides = array<i32>} : memref<640x16xf32, #tpu.memory_space<vmem>>, vector<16xf32>,
        %mul3A_554 = arith.mulf %get3A_548, %get3A_553 : vector<16xf32>
        %add3A_555 = arith.addf %add3A_543, %mul3A_554 : vector<16xf32>
        %mul3A_556 = arith.mulf %add3A_555, %get3A_5 : vector<16xf32>
        %reduce_sum3A = arith.constant true
        %reduce_sum3A_557 = vector.broadcast %reduce_sum3A : i1 to vector<16xi1>
        %reduce_sum3A_558 = tpu.scan <sum>, %mul3A_556 masked %reduce_sum3A_557 : vector<16xf32>, vector<16xi1> -> vector<16xf32>
        %reduce_sum3A_559 = vector.extract %reduce_sum3A_558[15] : f32 from vector<16xf32>
        %eq3A = vector.broadcast %scan3A_315 : i32 to vector<16xi32>
        %eq3A_560 = arith.cmpi eq, %iota3A, %eq3A : vector<16xi32>
        %broadcast_in_dim3A_561 = vector.broadcast %reduce_sum3A_559 : f32 to vector<16xf32>
        %select_n3A = arith.select %eq3A_560, %broadcast_in_dim3A_561, %scan3A_316 : vector<16xi1>, vector<16xf32>
        scf.yield %select_n3A : vector<16xf32>
      }
      %scan3A_285 = arith.constant 16 : i32
      %add3A_286 = arith.addf %scan3A_284, %get3A_7 : vector<16xf32>
      %mul3A_287 = arith.constant 32 : i32
      %mul3A_288 = arith.muli %add3A_265, %mul3A_287 : i32
      %add3A_289 = arith.constant 0 : i32
      %add3A_290 = arith.addi %mul3A_288, %add3A_289 : i32
      %swap3A_291 = arith.index_cast %add3A_290 : i32 to index
      %swap3A_292 = tpu.vector_load %arg15[%swap3A_291] {strides = array<i32>} : memref<512xf32, #tpu.memory_space<vmem>>, vector<16xf32>,
      tpu.vector_store %arg15[%swap3A_291], %add3A_286 {strides = array<i32>} : memref<512xf32, #tpu.memory_space<vmem>>, vector<16xf32>,
      %broadcast_in_dim3A_293 = arith.constant 0.000000e+00 : f32
      %broadcast_in_dim3A_294 = vector.broadcast %broadcast_in_dim3A_293 : f32 to vector<16xf32>
      %scan3A_295 = arith.constant 0 : i32
      %scan3A_296 = arith.constant 16 : i32
      %scan3A_297 = arith.addi %scan3A_295, %scan3A_296 : i32
      %scan3A_298 = arith.constant 1 : i32
      %scan3A_299 = scf.for %scan3A_315 = %scan3A_295 to %scan3A_297 step %scan3A_298 iter_args(%scan3A_316 = %broadcast_in_dim3A_294) -> (vector<16xf32>)  : i32 {
        %add3A_317 = arith.constant 16 : i32
        %add3A_318 = arith.addi %add3A_317, %scan3A_315 : i32
        %mul3A_319 = arith.constant 20 : i32
        %mul3A_320 = arith.muli %add3A_318, %mul3A_319 : i32
        %get3A_321 = arith.index_cast %mul3A_320 : i32 to index
        %get3A_322 = arith.constant 0 : index
        %get3A_323 = tpu.vector_load %arg11[%get3A_321, %get3A_322] {strides = array<i32>} : memref<640x16xf32, #tpu.memory_space<vmem>>, vector<16xf32>,
        %get3A_324 = arith.index_cast %mul3A_320 : i32 to index
        %get3A_325 = arith.constant 0 : index
        %get3A_326 = tpu.vector_load %arg13[%get3A_324, %get3A_325] {strides = array<i32>} : memref<640x16xf32, #tpu.memory_space<vmem>>, vector<16xf32>,
        %mul3A_327 = arith.mulf %get3A_323, %get3A_326 : vector<16xf32>
        %add3A_328 = arith.constant 1 : i32
        %add3A_329 = arith.addi %mul3A_320, %add3A_328 : i32
        %get3A_330 = arith.index_cast %add3A_329 : i32 to index
        %get3A_331 = arith.constant 0 : index
        %get3A_332 = tpu.vector_load %arg11[%get3A_330, %get3A_331] {strides = array<i32>} : memref<640x16xf32, #tpu.memory_space<vmem>>, vector<16xf32>,
        %add3A_333 = arith.constant 1 : i32
        %add3A_334 = arith.addi %mul3A_320, %add3A_333 : i32
        %get3A_335 = arith.index_cast %add3A_334 : i32 to index
        %get3A_336 = arith.constant 0 : index
        %get3A_337 = tpu.vector_load %arg13[%get3A_335, %get3A_336] {strides = array<i32>} : memref<640x16xf32, #tpu.memory_space<vmem>>, vector<16xf32>,
        %mul3A_338 = arith.mulf %get3A_332, %get3A_337 : vector<16xf32>
        %add3A_339 = arith.addf %mul3A_327, %mul3A_338 : vector<16xf32>
        %add3A_340 = arith.constant 2 : i32
        %add3A_341 = arith.addi %mul3A_320, %add3A_340 : i32
        %get3A_342 = arith.index_cast %add3A_341 : i32 to index
        %get3A_343 = arith.constant 0 : index
        %get3A_344 = tpu.vector_load %arg11[%get3A_342, %get3A_343] {strides = array<i32>} : memref<640x16xf32, #tpu.memory_space<vmem>>, vector<16xf32>,
        %add3A_345 = arith.constant 2 : i32
        %add3A_346 = arith.addi %mul3A_320, %add3A_345 : i32
        %get3A_347 = arith.index_cast %add3A_346 : i32 to index
        %get3A_348 = arith.constant 0 : index
        %get3A_349 = tpu.vector_load %arg13[%get3A_347, %get3A_348] {strides = array<i32>} : memref<640x16xf32, #tpu.memory_space<vmem>>, vector<16xf32>,
        %mul3A_350 = arith.mulf %get3A_344, %get3A_349 : vector<16xf32>
        %add3A_351 = arith.addf %add3A_339, %mul3A_350 : vector<16xf32>
        %add3A_352 = arith.constant 3 : i32
        %add3A_353 = arith.addi %mul3A_320, %add3A_352 : i32
        %get3A_354 = arith.index_cast %add3A_353 : i32 to index
        %get3A_355 = arith.constant 0 : index
        %get3A_356 = tpu.vector_load %arg11[%get3A_354, %get3A_355] {strides = array<i32>} : memref<640x16xf32, #tpu.memory_space<vmem>>, vector<16xf32>,
        %add3A_357 = arith.constant 3 : i32
        %add3A_358 = arith.addi %mul3A_320, %add3A_357 : i32
        %get3A_359 = arith.index_cast %add3A_358 : i32 to index
        %get3A_360 = arith.constant 0 : index
        %get3A_361 = tpu.vector_load %arg13[%get3A_359, %get3A_360] {strides = array<i32>} : memref<640x16xf32, #tpu.memory_space<vmem>>, vector<16xf32>,
        %mul3A_362 = arith.mulf %get3A_356, %get3A_361 : vector<16xf32>
        %add3A_363 = arith.addf %add3A_351, %mul3A_362 : vector<16xf32>
        %add3A_364 = arith.constant 4 : i32
        %add3A_365 = arith.addi %mul3A_320, %add3A_364 : i32
        %get3A_366 = arith.index_cast %add3A_365 : i32 to index
        %get3A_367 = arith.constant 0 : index
        %get3A_368 = tpu.vector_load %arg11[%get3A_366, %get3A_367] {strides = array<i32>} : memref<640x16xf32, #tpu.memory_space<vmem>>, vector<16xf32>,
        %add3A_369 = arith.constant 4 : i32
        %add3A_370 = arith.addi %mul3A_320, %add3A_369 : i32
        %get3A_371 = arith.index_cast %add3A_370 : i32 to index
        %get3A_372 = arith.constant 0 : index
        %get3A_373 = tpu.vector_load %arg13[%get3A_371, %get3A_372] {strides = array<i32>} : memref<640x16xf32, #tpu.memory_space<vmem>>, vector<16xf32>,
        %mul3A_374 = arith.mulf %get3A_368, %get3A_373 : vector<16xf32>
        %add3A_375 = arith.addf %add3A_363, %mul3A_374 : vector<16xf32>
        %add3A_376 = arith.constant 5 : i32
        %add3A_377 = arith.addi %mul3A_320, %add3A_376 : i32
        %get3A_378 = arith.index_cast %add3A_377 : i32 to index
        %get3A_379 = arith.constant 0 : index
        %get3A_380 = tpu.vector_load %arg11[%get3A_378, %get3A_379] {strides = array<i32>} : memref<640x16xf32, #tpu.memory_space<vmem>>, vector<16xf32>,
        %add3A_381 = arith.constant 5 : i32
        %add3A_382 = arith.addi %mul3A_320, %add3A_381 : i32
        %get3A_383 = arith.index_cast %add3A_382 : i32 to index
        %get3A_384 = arith.constant 0 : index
        %get3A_385 = tpu.vector_load %arg13[%get3A_383, %get3A_384] {strides = array<i32>} : memref<640x16xf32, #tpu.memory_space<vmem>>, vector<16xf32>,
        %mul3A_386 = arith.mulf %get3A_380, %get3A_385 : vector<16xf32>
        %add3A_387 = arith.addf %add3A_375, %mul3A_386 : vector<16xf32>
        %add3A_388 = arith.constant 6 : i32
        %add3A_389 = arith.addi %mul3A_320, %add3A_388 : i32
        %get3A_390 = arith.index_cast %add3A_389 : i32 to index
        %get3A_391 = arith.constant 0 : index
        %get3A_392 = tpu.vector_load %arg11[%get3A_390, %get3A_391] {strides = array<i32>} : memref<640x16xf32, #tpu.memory_space<vmem>>, vector<16xf32>,
        %add3A_393 = arith.constant 6 : i32
        %add3A_394 = arith.addi %mul3A_320, %add3A_393 : i32
        %get3A_395 = arith.index_cast %add3A_394 : i32 to index
        %get3A_396 = arith.constant 0 : index
        %get3A_397 = tpu.vector_load %arg13[%get3A_395, %get3A_396] {strides = array<i32>} : memref<640x16xf32, #tpu.memory_space<vmem>>, vector<16xf32>,
        %mul3A_398 = arith.mulf %get3A_392, %get3A_397 : vector<16xf32>
        %add3A_399 = arith.addf %add3A_387, %mul3A_398 : vector<16xf32>
        %add3A_400 = arith.constant 7 : i32
        %add3A_401 = arith.addi %mul3A_320, %add3A_400 : i32
        %get3A_402 = arith.index_cast %add3A_401 : i32 to index
        %get3A_403 = arith.constant 0 : index
        %get3A_404 = tpu.vector_load %arg11[%get3A_402, %get3A_403] {strides = array<i32>} : memref<640x16xf32, #tpu.memory_space<vmem>>, vector<16xf32>,
        %add3A_405 = arith.constant 7 : i32
        %add3A_406 = arith.addi %mul3A_320, %add3A_405 : i32
        %get3A_407 = arith.index_cast %add3A_406 : i32 to index
        %get3A_408 = arith.constant 0 : index
        %get3A_409 = tpu.vector_load %arg13[%get3A_407, %get3A_408] {strides = array<i32>} : memref<640x16xf32, #tpu.memory_space<vmem>>, vector<16xf32>,
        %mul3A_410 = arith.mulf %get3A_404, %get3A_409 : vector<16xf32>
        %add3A_411 = arith.addf %add3A_399, %mul3A_410 : vector<16xf32>
        %add3A_412 = arith.constant 8 : i32
        %add3A_413 = arith.addi %mul3A_320, %add3A_412 : i32
        %get3A_414 = arith.index_cast %add3A_413 : i32 to index
        %get3A_415 = arith.constant 0 : index
        %get3A_416 = tpu.vector_load %arg11[%get3A_414, %get3A_415] {strides = array<i32>} : memref<640x16xf32, #tpu.memory_space<vmem>>, vector<16xf32>,
        %add3A_417 = arith.constant 8 : i32
        %add3A_418 = arith.addi %mul3A_320, %add3A_417 : i32
        %get3A_419 = arith.index_cast %add3A_418 : i32 to index
        %get3A_420 = arith.constant 0 : index
        %get3A_421 = tpu.vector_load %arg13[%get3A_419, %get3A_420] {strides = array<i32>} : memref<640x16xf32, #tpu.memory_space<vmem>>, vector<16xf32>,
        %mul3A_422 = arith.mulf %get3A_416, %get3A_421 : vector<16xf32>
        %add3A_423 = arith.addf %add3A_411, %mul3A_422 : vector<16xf32>
        %add3A_424 = arith.constant 9 : i32
        %add3A_425 = arith.addi %mul3A_320, %add3A_424 : i32
        %get3A_426 = arith.index_cast %add3A_425 : i32 to index
        %get3A_427 = arith.constant 0 : index
        %get3A_428 = tpu.vector_load %arg11[%get3A_426, %get3A_427] {strides = array<i32>} : memref<640x16xf32, #tpu.memory_space<vmem>>, vector<16xf32>,
        %add3A_429 = arith.constant 9 : i32
        %add3A_430 = arith.addi %mul3A_320, %add3A_429 : i32
        %get3A_431 = arith.index_cast %add3A_430 : i32 to index
        %get3A_432 = arith.constant 0 : index
        %get3A_433 = tpu.vector_load %arg13[%get3A_431, %get3A_432] {strides = array<i32>} : memref<640x16xf32, #tpu.memory_space<vmem>>, vector<16xf32>,
        %mul3A_434 = arith.mulf %get3A_428, %get3A_433 : vector<16xf32>
        %add3A_435 = arith.addf %add3A_423, %mul3A_434 : vector<16xf32>
        %add3A_436 = arith.constant 10 : i32
        %add3A_437 = arith.addi %mul3A_320, %add3A_436 : i32
        %get3A_438 = arith.index_cast %add3A_437 : i32 to index
        %get3A_439 = arith.constant 0 : index
        %get3A_440 = tpu.vector_load %arg11[%get3A_438, %get3A_439] {strides = array<i32>} : memref<640x16xf32, #tpu.memory_space<vmem>>, vector<16xf32>,
        %add3A_441 = arith.constant 10 : i32
        %add3A_442 = arith.addi %mul3A_320, %add3A_441 : i32
        %get3A_443 = arith.index_cast %add3A_442 : i32 to index
        %get3A_444 = arith.constant 0 : index
        %get3A_445 = tpu.vector_load %arg13[%get3A_443, %get3A_444] {strides = array<i32>} : memref<640x16xf32, #tpu.memory_space<vmem>>, vector<16xf32>,
        %mul3A_446 = arith.mulf %get3A_440, %get3A_445 : vector<16xf32>
        %add3A_447 = arith.addf %add3A_435, %mul3A_446 : vector<16xf32>
        %add3A_448 = arith.constant 11 : i32
        %add3A_449 = arith.addi %mul3A_320, %add3A_448 : i32
        %get3A_450 = arith.index_cast %add3A_449 : i32 to index
        %get3A_451 = arith.constant 0 : index
        %get3A_452 = tpu.vector_load %arg11[%get3A_450, %get3A_451] {strides = array<i32>} : memref<640x16xf32, #tpu.memory_space<vmem>>, vector<16xf32>,
        %add3A_453 = arith.constant 11 : i32
        %add3A_454 = arith.addi %mul3A_320, %add3A_453 : i32
        %get3A_455 = arith.index_cast %add3A_454 : i32 to index
        %get3A_456 = arith.constant 0 : index
        %get3A_457 = tpu.vector_load %arg13[%get3A_455, %get3A_456] {strides = array<i32>} : memref<640x16xf32, #tpu.memory_space<vmem>>, vector<16xf32>,
        %mul3A_458 = arith.mulf %get3A_452, %get3A_457 : vector<16xf32>
        %add3A_459 = arith.addf %add3A_447, %mul3A_458 : vector<16xf32>
        %add3A_460 = arith.constant 12 : i32
        %add3A_461 = arith.addi %mul3A_320, %add3A_460 : i32
        %get3A_462 = arith.index_cast %add3A_461 : i32 to index
        %get3A_463 = arith.constant 0 : index
        %get3A_464 = tpu.vector_load %arg11[%get3A_462, %get3A_463] {strides = array<i32>} : memref<640x16xf32, #tpu.memory_space<vmem>>, vector<16xf32>,
        %add3A_465 = arith.constant 12 : i32
        %add3A_466 = arith.addi %mul3A_320, %add3A_465 : i32
        %get3A_467 = arith.index_cast %add3A_466 : i32 to index
        %get3A_468 = arith.constant 0 : index
        %get3A_469 = tpu.vector_load %arg13[%get3A_467, %get3A_468] {strides = array<i32>} : memref<640x16xf32, #tpu.memory_space<vmem>>, vector<16xf32>,
        %mul3A_470 = arith.mulf %get3A_464, %get3A_469 : vector<16xf32>
        %add3A_471 = arith.addf %add3A_459, %mul3A_470 : vector<16xf32>
        %add3A_472 = arith.constant 13 : i32
        %add3A_473 = arith.addi %mul3A_320, %add3A_472 : i32
        %get3A_474 = arith.index_cast %add3A_473 : i32 to index
        %get3A_475 = arith.constant 0 : index
        %get3A_476 = tpu.vector_load %arg11[%get3A_474, %get3A_475] {strides = array<i32>} : memref<640x16xf32, #tpu.memory_space<vmem>>, vector<16xf32>,
        %add3A_477 = arith.constant 13 : i32
        %add3A_478 = arith.addi %mul3A_320, %add3A_477 : i32
        %get3A_479 = arith.index_cast %add3A_478 : i32 to index
        %get3A_480 = arith.constant 0 : index
        %get3A_481 = tpu.vector_load %arg13[%get3A_479, %get3A_480] {strides = array<i32>} : memref<640x16xf32, #tpu.memory_space<vmem>>, vector<16xf32>,
        %mul3A_482 = arith.mulf %get3A_476, %get3A_481 : vector<16xf32>
        %add3A_483 = arith.addf %add3A_471, %mul3A_482 : vector<16xf32>
        %add3A_484 = arith.constant 14 : i32
        %add3A_485 = arith.addi %mul3A_320, %add3A_484 : i32
        %get3A_486 = arith.index_cast %add3A_485 : i32 to index
        %get3A_487 = arith.constant 0 : index
        %get3A_488 = tpu.vector_load %arg11[%get3A_486, %get3A_487] {strides = array<i32>} : memref<640x16xf32, #tpu.memory_space<vmem>>, vector<16xf32>,
        %add3A_489 = arith.constant 14 : i32
        %add3A_490 = arith.addi %mul3A_320, %add3A_489 : i32
        %get3A_491 = arith.index_cast %add3A_490 : i32 to index
        %get3A_492 = arith.constant 0 : index
        %get3A_493 = tpu.vector_load %arg13[%get3A_491, %get3A_492] {strides = array<i32>} : memref<640x16xf32, #tpu.memory_space<vmem>>, vector<16xf32>,
        %mul3A_494 = arith.mulf %get3A_488, %get3A_493 : vector<16xf32>
        %add3A_495 = arith.addf %add3A_483, %mul3A_494 : vector<16xf32>
        %add3A_496 = arith.constant 15 : i32
        %add3A_497 = arith.addi %mul3A_320, %add3A_496 : i32
        %get3A_498 = arith.index_cast %add3A_497 : i32 to index
        %get3A_499 = arith.constant 0 : index
        %get3A_500 = tpu.vector_load %arg11[%get3A_498, %get3A_499] {strides = array<i32>} : memref<640x16xf32, #tpu.memory_space<vmem>>, vector<16xf32>,
        %add3A_501 = arith.constant 15 : i32
        %add3A_502 = arith.addi %mul3A_320, %add3A_501 : i32
        %get3A_503 = arith.index_cast %add3A_502 : i32 to index
        %get3A_504 = arith.constant 0 : index
        %get3A_505 = tpu.vector_load %arg13[%get3A_503, %get3A_504] {strides = array<i32>} : memref<640x16xf32, #tpu.memory_space<vmem>>, vector<16xf32>,
        %mul3A_506 = arith.mulf %get3A_500, %get3A_505 : vector<16xf32>
        %add3A_507 = arith.addf %add3A_495, %mul3A_506 : vector<16xf32>
        %add3A_508 = arith.constant 16 : i32
        %add3A_509 = arith.addi %mul3A_320, %add3A_508 : i32
        %get3A_510 = arith.index_cast %add3A_509 : i32 to index
        %get3A_511 = arith.constant 0 : index
        %get3A_512 = tpu.vector_load %arg11[%get3A_510, %get3A_511] {strides = array<i32>} : memref<640x16xf32, #tpu.memory_space<vmem>>, vector<16xf32>,
        %add3A_513 = arith.constant 16 : i32
        %add3A_514 = arith.addi %mul3A_320, %add3A_513 : i32
        %get3A_515 = arith.index_cast %add3A_514 : i32 to index
        %get3A_516 = arith.constant 0 : index
        %get3A_517 = tpu.vector_load %arg13[%get3A_515, %get3A_516] {strides = array<i32>} : memref<640x16xf32, #tpu.memory_space<vmem>>, vector<16xf32>,
        %mul3A_518 = arith.mulf %get3A_512, %get3A_517 : vector<16xf32>
        %add3A_519 = arith.addf %add3A_507, %mul3A_518 : vector<16xf32>
        %add3A_520 = arith.constant 17 : i32
        %add3A_521 = arith.addi %mul3A_320, %add3A_520 : i32
        %get3A_522 = arith.index_cast %add3A_521 : i32 to index
        %get3A_523 = arith.constant 0 : index
        %get3A_524 = tpu.vector_load %arg11[%get3A_522, %get3A_523] {strides = array<i32>} : memref<640x16xf32, #tpu.memory_space<vmem>>, vector<16xf32>,
        %add3A_525 = arith.constant 17 : i32
        %add3A_526 = arith.addi %mul3A_320, %add3A_525 : i32
        %get3A_527 = arith.index_cast %add3A_526 : i32 to index
        %get3A_528 = arith.constant 0 : index
        %get3A_529 = tpu.vector_load %arg13[%get3A_527, %get3A_528] {strides = array<i32>} : memref<640x16xf32, #tpu.memory_space<vmem>>, vector<16xf32>,
        %mul3A_530 = arith.mulf %get3A_524, %get3A_529 : vector<16xf32>
        %add3A_531 = arith.addf %add3A_519, %mul3A_530 : vector<16xf32>
        %add3A_532 = arith.constant 18 : i32
        %add3A_533 = arith.addi %mul3A_320, %add3A_532 : i32
        %get3A_534 = arith.index_cast %add3A_533 : i32 to index
        %get3A_535 = arith.constant 0 : index
        %get3A_536 = tpu.vector_load %arg11[%get3A_534, %get3A_535] {strides = array<i32>} : memref<640x16xf32, #tpu.memory_space<vmem>>, vector<16xf32>,
        %add3A_537 = arith.constant 18 : i32
        %add3A_538 = arith.addi %mul3A_320, %add3A_537 : i32
        %get3A_539 = arith.index_cast %add3A_538 : i32 to index
        %get3A_540 = arith.constant 0 : index
        %get3A_541 = tpu.vector_load %arg13[%get3A_539, %get3A_540] {strides = array<i32>} : memref<640x16xf32, #tpu.memory_space<vmem>>, vector<16xf32>,
        %mul3A_542 = arith.mulf %get3A_536, %get3A_541 : vector<16xf32>
        %add3A_543 = arith.addf %add3A_531, %mul3A_542 : vector<16xf32>
        %add3A_544 = arith.constant 19 : i32
        %add3A_545 = arith.addi %mul3A_320, %add3A_544 : i32
        %get3A_546 = arith.index_cast %add3A_545 : i32 to index
        %get3A_547 = arith.constant 0 : index
        %get3A_548 = tpu.vector_load %arg11[%get3A_546, %get3A_547] {strides = array<i32>} : memref<640x16xf32, #tpu.memory_space<vmem>>, vector<16xf32>,
        %add3A_549 = arith.constant 19 : i32
        %add3A_550 = arith.addi %mul3A_320, %add3A_549 : i32
        %get3A_551 = arith.index_cast %add3A_550 : i32 to index
        %get3A_552 = arith.constant 0 : index
        %get3A_553 = tpu.vector_load %arg13[%get3A_551, %get3A_552] {strides = array<i32>} : memref<640x16xf32, #tpu.memory_space<vmem>>, vector<16xf32>,
        %mul3A_554 = arith.mulf %get3A_548, %get3A_553 : vector<16xf32>
        %add3A_555 = arith.addf %add3A_543, %mul3A_554 : vector<16xf32>
        %mul3A_556 = arith.mulf %add3A_555, %get3A_5 : vector<16xf32>
        %reduce_sum3A = arith.constant true
        %reduce_sum3A_557 = vector.broadcast %reduce_sum3A : i1 to vector<16xi1>
        %reduce_sum3A_558 = tpu.scan <sum>, %mul3A_556 masked %reduce_sum3A_557 : vector<16xf32>, vector<16xi1> -> vector<16xf32>
        %reduce_sum3A_559 = vector.extract %reduce_sum3A_558[15] : f32 from vector<16xf32>
        %eq3A = vector.broadcast %scan3A_315 : i32 to vector<16xi32>
        %eq3A_560 = arith.cmpi eq, %iota3A, %eq3A : vector<16xi32>
        %broadcast_in_dim3A_561 = vector.broadcast %reduce_sum3A_559 : f32 to vector<16xf32>
        %select_n3A = arith.select %eq3A_560, %broadcast_in_dim3A_561, %scan3A_316 : vector<16xi1>, vector<16xf32>
        scf.yield %select_n3A : vector<16xf32>
      }
      %scan3A_300 = arith.constant 16 : i32
      %add3A_301 = arith.addf %scan3A_299, %get3A_7 : vector<16xf32>
      %mul3A_302 = arith.constant 32 : i32
      %mul3A_303 = arith.muli %add3A_265, %mul3A_302 : i32
      %add3A_304 = arith.constant 16 : i32
      %add3A_305 = arith.addi %mul3A_303, %add3A_304 : i32
      %swap3A_306 = arith.index_cast %add3A_305 : i32 to index
      %swap3A_307 = tpu.vector_load %arg15[%swap3A_306] {strides = array<i32>} : memref<512xf32, #tpu.memory_space<vmem>>, vector<16xf32>,
      tpu.vector_store %arg15[%swap3A_306], %add3A_301 {strides = array<i32>} : memref<512xf32, #tpu.memory_space<vmem>>, vector<16xf32>,
      %add3A_308 = arith.constant 2 : i32
      %add3A_309 = arith.addi %add3A_265, %add3A_308 : i32
      %lt3A_310 = arith.constant 16 : i32
      %lt3A_311 = arith.cmpi slt, %add3A_309, %lt3A_310 : i32
      %convert_element_type3A_312 = arith.extui %lt3A_311 : i1 to i32
      %cond3A_313 = arith.constant 0 : i32
      %cond3A_314 = arith.cmpi ne, %convert_element_type3A_312, %cond3A_313 : i32
      scf.if %cond3A_314 {
        %add3A_315 = arith.constant 2 : i32
        %add3A_316 = arith.addi %add3A_265, %add3A_315 : i32
        %mul3A_317 = arith.constant 5 : i32
        %mul3A_318 = arith.muli %add3A_316, %mul3A_317 : i32
        %add3A_319 = arith.constant 0 : i32
        %add3A_320 = arith.addi %mul3A_318, %add3A_319 : i32
        %dma_start3A_321 = arith.constant 0 : i32
        %dma_start3A_322 = arith.constant 0 : i32
        %dma_start3A_323 = tpu.memref_slice %arg11[%dma_start3A_321, %dma_start3A_322] : memref<640x16xf32, #tpu.memory_space<vmem>> -> memref<128x16xf32, #tpu.memory_space<vmem>>
        %dma_start3A_324 = arith.constant 0 : i32
        %dma_start3A_325 = tpu.memref_slice %arg8[%add3A_320, %dma_start3A_324] : memref<80x128xi32, #tpu.memory_space<vmem>> -> memref<1x128xi32, #tpu.memory_space<vmem>>
        %dma_start3A_326 = tpu.memref_squeeze %dma_start3A_325 : memref<1x128xi32, #tpu.memory_space<vmem>> -> memref<128xi32, #tpu.memory_space<vmem>>
        %dma_start3A_327 = arith.constant 0 : i32
        %dma_start3A_328 = arith.constant 0 : i32
        %dma_start3A_329 = tpu.memref_slice %arg4[%dma_start3A_327, %dma_start3A_328] : memref<1000000x16xf32, #tpu.memory_space<hbm>> -> memref<1000000x16xf32, #tpu.memory_space<hbm>>
        tpu.enqueue_indirect_dma source(%dma_start3A_329 : memref<1000000x16xf32, #tpu.memory_space<hbm>>) target(%dma_start3A_323 : memref<128x16xf32, #tpu.memory_space<vmem>>) offsets(%dma_start3A_326 : memref<128xi32, #tpu.memory_space<vmem>>) semaphore(%arg17 : memref<!tpu.dma_semaphore, #tpu.memory_space<semaphore_mem>>)
        %mul3A_330 = arith.constant 5 : i32
        %mul3A_331 = arith.muli %add3A_316, %mul3A_330 : i32
        %add3A_332 = arith.constant 0 : i32
        %add3A_333 = arith.addi %mul3A_331, %add3A_332 : i32
        %dma_start3A_334 = arith.constant 0 : i32
        %dma_start3A_335 = arith.constant 0 : i32
        %dma_start3A_336 = tpu.memref_slice %arg13[%dma_start3A_334, %dma_start3A_335] : memref<640x16xf32, #tpu.memory_space<vmem>> -> memref<128x16xf32, #tpu.memory_space<vmem>>
        %dma_start3A_337 = arith.constant 0 : i32
        %dma_start3A_338 = tpu.memref_slice %arg9[%add3A_333, %dma_start3A_337] : memref<80x128xi32, #tpu.memory_space<vmem>> -> memref<1x128xi32, #tpu.memory_space<vmem>>
        %dma_start3A_339 = tpu.memref_squeeze %dma_start3A_338 : memref<1x128xi32, #tpu.memory_space<vmem>> -> memref<128xi32, #tpu.memory_space<vmem>>
        %dma_start3A_340 = arith.constant 0 : i32
        %dma_start3A_341 = arith.constant 0 : i32
        %dma_start3A_342 = tpu.memref_slice %arg5[%dma_start3A_340, %dma_start3A_341] : memref<1000000x16xf32, #tpu.memory_space<hbm>> -> memref<1000000x16xf32, #tpu.memory_space<hbm>>
        tpu.enqueue_indirect_dma source(%dma_start3A_342 : memref<1000000x16xf32, #tpu.memory_space<hbm>>) target(%dma_start3A_336 : memref<128x16xf32, #tpu.memory_space<vmem>>) offsets(%dma_start3A_339 : memref<128xi32, #tpu.memory_space<vmem>>) semaphore(%arg19 : memref<!tpu.dma_semaphore, #tpu.memory_space<semaphore_mem>>)
        %mul3A_343 = arith.constant 5 : i32
        %mul3A_344 = arith.muli %add3A_316, %mul3A_343 : i32
        %add3A_345 = arith.constant 1 : i32
        %add3A_346 = arith.addi %mul3A_344, %add3A_345 : i32
        %dma_start3A_347 = arith.constant 128 : i32
        %dma_start3A_348 = arith.constant 0 : i32
        %dma_start3A_349 = tpu.memref_slice %arg11[%dma_start3A_347, %dma_start3A_348] : memref<640x16xf32, #tpu.memory_space<vmem>> -> memref<128x16xf32, #tpu.memory_space<vmem>>
        %dma_start3A_350 = arith.constant 0 : i32
        %dma_start3A_351 = tpu.memref_slice %arg8[%add3A_346, %dma_start3A_350] : memref<80x128xi32, #tpu.memory_space<vmem>> -> memref<1x128xi32, #tpu.memory_space<vmem>>
        %dma_start3A_352 = tpu.memref_squeeze %dma_start3A_351 : memref<1x128xi32, #tpu.memory_space<vmem>> -> memref<128xi32, #tpu.memory_space<vmem>>
        %dma_start3A_353 = arith.constant 0 : i32
        %dma_start3A_354 = arith.constant 0 : i32
        %dma_start3A_355 = tpu.memref_slice %arg4[%dma_start3A_353, %dma_start3A_354] : memref<1000000x16xf32, #tpu.memory_space<hbm>> -> memref<1000000x16xf32, #tpu.memory_space<hbm>>
        tpu.enqueue_indirect_dma source(%dma_start3A_355 : memref<1000000x16xf32, #tpu.memory_space<hbm>>) target(%dma_start3A_349 : memref<128x16xf32, #tpu.memory_space<vmem>>) offsets(%dma_start3A_352 : memref<128xi32, #tpu.memory_space<vmem>>) semaphore(%arg17 : memref<!tpu.dma_semaphore, #tpu.memory_space<semaphore_mem>>)
        %mul3A_356 = arith.constant 5 : i32
        %mul3A_357 = arith.muli %add3A_316, %mul3A_356 : i32
        %add3A_358 = arith.constant 1 : i32
        %add3A_359 = arith.addi %mul3A_357, %add3A_358 : i32
        %dma_start3A_360 = arith.constant 128 : i32
        %dma_start3A_361 = arith.constant 0 : i32
        %dma_start3A_362 = tpu.memref_slice %arg13[%dma_start3A_360, %dma_start3A_361] : memref<640x16xf32, #tpu.memory_space<vmem>> -> memref<128x16xf32, #tpu.memory_space<vmem>>
        %dma_start3A_363 = arith.constant 0 : i32
        %dma_start3A_364 = tpu.memref_slice %arg9[%add3A_359, %dma_start3A_363] : memref<80x128xi32, #tpu.memory_space<vmem>> -> memref<1x128xi32, #tpu.memory_space<vmem>>
        %dma_start3A_365 = tpu.memref_squeeze %dma_start3A_364 : memref<1x128xi32, #tpu.memory_space<vmem>> -> memref<128xi32, #tpu.memory_space<vmem>>
        %dma_start3A_366 = arith.constant 0 : i32
        %dma_start3A_367 = arith.constant 0 : i32
        %dma_start3A_368 = tpu.memref_slice %arg5[%dma_start3A_366, %dma_start3A_367] : memref<1000000x16xf32, #tpu.memory_space<hbm>> -> memref<1000000x16xf32, #tpu.memory_space<hbm>>
        tpu.enqueue_indirect_dma source(%dma_start3A_368 : memref<1000000x16xf32, #tpu.memory_space<hbm>>) target(%dma_start3A_362 : memref<128x16xf32, #tpu.memory_space<vmem>>) offsets(%dma_start3A_365 : memref<128xi32, #tpu.memory_space<vmem>>) semaphore(%arg19 : memref<!tpu.dma_semaphore, #tpu.memory_space<semaphore_mem>>)
        %mul3A_369 = arith.constant 5 : i32
        %mul3A_370 = arith.muli %add3A_316, %mul3A_369 : i32
        %add3A_371 = arith.constant 2 : i32
        %add3A_372 = arith.addi %mul3A_370, %add3A_371 : i32
        %dma_start3A_373 = arith.constant 256 : i32
        %dma_start3A_374 = arith.constant 0 : i32
        %dma_start3A_375 = tpu.memref_slice %arg11[%dma_start3A_373, %dma_start3A_374] : memref<640x16xf32, #tpu.memory_space<vmem>> -> memref<128x16xf32, #tpu.memory_space<vmem>>
        %dma_start3A_376 = arith.constant 0 : i32
        %dma_start3A_377 = tpu.memref_slice %arg8[%add3A_372, %dma_start3A_376] : memref<80x128xi32, #tpu.memory_space<vmem>> -> memref<1x128xi32, #tpu.memory_space<vmem>>
        %dma_start3A_378 = tpu.memref_squeeze %dma_start3A_377 : memref<1x128xi32, #tpu.memory_space<vmem>> -> memref<128xi32, #tpu.memory_space<vmem>>
        %dma_start3A_379 = arith.constant 0 : i32
        %dma_start3A_380 = arith.constant 0 : i32
        %dma_start3A_381 = tpu.memref_slice %arg4[%dma_start3A_379, %dma_start3A_380] : memref<1000000x16xf32, #tpu.memory_space<hbm>> -> memref<1000000x16xf32, #tpu.memory_space<hbm>>
        tpu.enqueue_indirect_dma source(%dma_start3A_381 : memref<1000000x16xf32, #tpu.memory_space<hbm>>) target(%dma_start3A_375 : memref<128x16xf32, #tpu.memory_space<vmem>>) offsets(%dma_start3A_378 : memref<128xi32, #tpu.memory_space<vmem>>) semaphore(%arg17 : memref<!tpu.dma_semaphore, #tpu.memory_space<semaphore_mem>>)
        %mul3A_382 = arith.constant 5 : i32
        %mul3A_383 = arith.muli %add3A_316, %mul3A_382 : i32
        %add3A_384 = arith.constant 2 : i32
        %add3A_385 = arith.addi %mul3A_383, %add3A_384 : i32
        %dma_start3A_386 = arith.constant 256 : i32
        %dma_start3A_387 = arith.constant 0 : i32
        %dma_start3A_388 = tpu.memref_slice %arg13[%dma_start3A_386, %dma_start3A_387] : memref<640x16xf32, #tpu.memory_space<vmem>> -> memref<128x16xf32, #tpu.memory_space<vmem>>
        %dma_start3A_389 = arith.constant 0 : i32
        %dma_start3A_390 = tpu.memref_slice %arg9[%add3A_385, %dma_start3A_389] : memref<80x128xi32, #tpu.memory_space<vmem>> -> memref<1x128xi32, #tpu.memory_space<vmem>>
        %dma_start3A_391 = tpu.memref_squeeze %dma_start3A_390 : memref<1x128xi32, #tpu.memory_space<vmem>> -> memref<128xi32, #tpu.memory_space<vmem>>
        %dma_start3A_392 = arith.constant 0 : i32
        %dma_start3A_393 = arith.constant 0 : i32
        %dma_start3A_394 = tpu.memref_slice %arg5[%dma_start3A_392, %dma_start3A_393] : memref<1000000x16xf32, #tpu.memory_space<hbm>> -> memref<1000000x16xf32, #tpu.memory_space<hbm>>
        tpu.enqueue_indirect_dma source(%dma_start3A_394 : memref<1000000x16xf32, #tpu.memory_space<hbm>>) target(%dma_start3A_388 : memref<128x16xf32, #tpu.memory_space<vmem>>) offsets(%dma_start3A_391 : memref<128xi32, #tpu.memory_space<vmem>>) semaphore(%arg19 : memref<!tpu.dma_semaphore, #tpu.memory_space<semaphore_mem>>)
        %mul3A_395 = arith.constant 5 : i32
        %mul3A_396 = arith.muli %add3A_316, %mul3A_395 : i32
        %add3A_397 = arith.constant 3 : i32
        %add3A_398 = arith.addi %mul3A_396, %add3A_397 : i32
        %dma_start3A_399 = arith.constant 384 : i32
        %dma_start3A_400 = arith.constant 0 : i32
        %dma_start3A_401 = tpu.memref_slice %arg11[%dma_start3A_399, %dma_start3A_400] : memref<640x16xf32, #tpu.memory_space<vmem>> -> memref<128x16xf32, #tpu.memory_space<vmem>>
        %dma_start3A_402 = arith.constant 0 : i32
        %dma_start3A_403 = tpu.memref_slice %arg8[%add3A_398, %dma_start3A_402] : memref<80x128xi32, #tpu.memory_space<vmem>> -> memref<1x128xi32, #tpu.memory_space<vmem>>
        %dma_start3A_404 = tpu.memref_squeeze %dma_start3A_403 : memref<1x128xi32, #tpu.memory_space<vmem>> -> memref<128xi32, #tpu.memory_space<vmem>>
        %dma_start3A_405 = arith.constant 0 : i32
        %dma_start3A_406 = arith.constant 0 : i32
        %dma_start3A_407 = tpu.memref_slice %arg4[%dma_start3A_405, %dma_start3A_406] : memref<1000000x16xf32, #tpu.memory_space<hbm>> -> memref<1000000x16xf32, #tpu.memory_space<hbm>>
        tpu.enqueue_indirect_dma source(%dma_start3A_407 : memref<1000000x16xf32, #tpu.memory_space<hbm>>) target(%dma_start3A_401 : memref<128x16xf32, #tpu.memory_space<vmem>>) offsets(%dma_start3A_404 : memref<128xi32, #tpu.memory_space<vmem>>) semaphore(%arg17 : memref<!tpu.dma_semaphore, #tpu.memory_space<semaphore_mem>>)
        %mul3A_408 = arith.constant 5 : i32
        %mul3A_409 = arith.muli %add3A_316, %mul3A_408 : i32
        %add3A_410 = arith.constant 3 : i32
        %add3A_411 = arith.addi %mul3A_409, %add3A_410 : i32
        %dma_start3A_412 = arith.constant 384 : i32
        %dma_start3A_413 = arith.constant 0 : i32
        %dma_start3A_414 = tpu.memref_slice %arg13[%dma_start3A_412, %dma_start3A_413] : memref<640x16xf32, #tpu.memory_space<vmem>> -> memref<128x16xf32, #tpu.memory_space<vmem>>
        %dma_start3A_415 = arith.constant 0 : i32
        %dma_start3A_416 = tpu.memref_slice %arg9[%add3A_411, %dma_start3A_415] : memref<80x128xi32, #tpu.memory_space<vmem>> -> memref<1x128xi32, #tpu.memory_space<vmem>>
        %dma_start3A_417 = tpu.memref_squeeze %dma_start3A_416 : memref<1x128xi32, #tpu.memory_space<vmem>> -> memref<128xi32, #tpu.memory_space<vmem>>
        %dma_start3A_418 = arith.constant 0 : i32
        %dma_start3A_419 = arith.constant 0 : i32
        %dma_start3A_420 = tpu.memref_slice %arg5[%dma_start3A_418, %dma_start3A_419] : memref<1000000x16xf32, #tpu.memory_space<hbm>> -> memref<1000000x16xf32, #tpu.memory_space<hbm>>
        tpu.enqueue_indirect_dma source(%dma_start3A_420 : memref<1000000x16xf32, #tpu.memory_space<hbm>>) target(%dma_start3A_414 : memref<128x16xf32, #tpu.memory_space<vmem>>) offsets(%dma_start3A_417 : memref<128xi32, #tpu.memory_space<vmem>>) semaphore(%arg19 : memref<!tpu.dma_semaphore, #tpu.memory_space<semaphore_mem>>)
        %mul3A_421 = arith.constant 5 : i32
        %mul3A_422 = arith.muli %add3A_316, %mul3A_421 : i32
        %add3A_423 = arith.constant 4 : i32
        %add3A_424 = arith.addi %mul3A_422, %add3A_423 : i32
        %dma_start3A_425 = arith.constant 512 : i32
        %dma_start3A_426 = arith.constant 0 : i32
        %dma_start3A_427 = tpu.memref_slice %arg11[%dma_start3A_425, %dma_start3A_426] : memref<640x16xf32, #tpu.memory_space<vmem>> -> memref<128x16xf32, #tpu.memory_space<vmem>>
        %dma_start3A_428 = arith.constant 0 : i32
        %dma_start3A_429 = tpu.memref_slice %arg8[%add3A_424, %dma_start3A_428] : memref<80x128xi32, #tpu.memory_space<vmem>> -> memref<1x128xi32, #tpu.memory_space<vmem>>
        %dma_start3A_430 = tpu.memref_squeeze %dma_start3A_429 : memref<1x128xi32, #tpu.memory_space<vmem>> -> memref<128xi32, #tpu.memory_space<vmem>>
        %dma_start3A_431 = arith.constant 0 : i32
        %dma_start3A_432 = arith.constant 0 : i32
        %dma_start3A_433 = tpu.memref_slice %arg4[%dma_start3A_431, %dma_start3A_432] : memref<1000000x16xf32, #tpu.memory_space<hbm>> -> memref<1000000x16xf32, #tpu.memory_space<hbm>>
        tpu.enqueue_indirect_dma source(%dma_start3A_433 : memref<1000000x16xf32, #tpu.memory_space<hbm>>) target(%dma_start3A_427 : memref<128x16xf32, #tpu.memory_space<vmem>>) offsets(%dma_start3A_430 : memref<128xi32, #tpu.memory_space<vmem>>) semaphore(%arg17 : memref<!tpu.dma_semaphore, #tpu.memory_space<semaphore_mem>>)
        %mul3A_434 = arith.constant 5 : i32
        %mul3A_435 = arith.muli %add3A_316, %mul3A_434 : i32
        %add3A_436 = arith.constant 4 : i32
        %add3A_437 = arith.addi %mul3A_435, %add3A_436 : i32
        %dma_start3A_438 = arith.constant 512 : i32
        %dma_start3A_439 = arith.constant 0 : i32
        %dma_start3A_440 = tpu.memref_slice %arg13[%dma_start3A_438, %dma_start3A_439] : memref<640x16xf32, #tpu.memory_space<vmem>> -> memref<128x16xf32, #tpu.memory_space<vmem>>
        %dma_start3A_441 = arith.constant 0 : i32
        %dma_start3A_442 = tpu.memref_slice %arg9[%add3A_437, %dma_start3A_441] : memref<80x128xi32, #tpu.memory_space<vmem>> -> memref<1x128xi32, #tpu.memory_space<vmem>>
        %dma_start3A_443 = tpu.memref_squeeze %dma_start3A_442 : memref<1x128xi32, #tpu.memory_space<vmem>> -> memref<128xi32, #tpu.memory_space<vmem>>
        %dma_start3A_444 = arith.constant 0 : i32
        %dma_start3A_445 = arith.constant 0 : i32
        %dma_start3A_446 = tpu.memref_slice %arg5[%dma_start3A_444, %dma_start3A_445] : memref<1000000x16xf32, #tpu.memory_space<hbm>> -> memref<1000000x16xf32, #tpu.memory_space<hbm>>
        tpu.enqueue_indirect_dma source(%dma_start3A_446 : memref<1000000x16xf32, #tpu.memory_space<hbm>>) target(%dma_start3A_440 : memref<128x16xf32, #tpu.memory_space<vmem>>) offsets(%dma_start3A_443 : memref<128xi32, #tpu.memory_space<vmem>>) semaphore(%arg19 : memref<!tpu.dma_semaphore, #tpu.memory_space<semaphore_mem>>)
      } else {
      }
    }
    %scan3A_211 = arith.constant 8 : i32
    %mul3A_212 = arith.constant 512 : i32
    %mul3A_213 = arith.muli %add3A, %mul3A_212 : i32
    "tpu.region"() ({
      %run_scoped3A = tpu.sem_alloc : memref<!tpu.dma_semaphore, #tpu.memory_space<semaphore_mem>>
      %dma_start3A_214 = tpu.memref_slice %arg7[%mul3A_213] : memref<16384xf32, #tpu.memory_space<hbm>> -> memref<512xf32, #tpu.memory_space<hbm>>
      %dma_start3A_215 = tpu.memref_slice %arg7[%mul3A_213] : memref<16384xf32, #tpu.memory_space<hbm>> -> memref<512xf32, #tpu.memory_space<hbm>>
      tpu.enqueue_dma source(%arg15 : memref<512xf32, #tpu.memory_space<vmem>>) target(%dma_start3A_215 : memref<512xf32, #tpu.memory_space<hbm>>) target_semaphore(%run_scoped3A : memref<!tpu.dma_semaphore, #tpu.memory_space<semaphore_mem>>)
      %dma_wait3A = tpu.memref_slice %arg7[%mul3A_213] : memref<16384xf32, #tpu.memory_space<hbm>> -> memref<512xf32, #tpu.memory_space<hbm>>
      %dma_wait3A_216 = tpu.memref_slice %arg7[%mul3A_213] : memref<16384xf32, #tpu.memory_space<hbm>> -> memref<512xf32, #tpu.memory_space<hbm>>
      tpu.wait_dma2 semaphore(%run_scoped3A : memref<!tpu.dma_semaphore, #tpu.memory_space<semaphore_mem>>) src(%arg15 : memref<512xf32, #tpu.memory_space<vmem>>) dst(%dma_wait3A_216 : memref<512xf32, #tpu.memory_space<hbm>>)
      tpu.yield
    }) : () -> ()
    return
  }
}

</mosaic_0001>

<sc_bundles>
// kernel: _sc_call.3.cloned.1.call-start
scs
__scs_entry_jumppad:
0x0: {  	(pc) =	sbr.rel $0x88, $3  }
0x1: {  	(tag) =	ssettag $0x0;
	lr =	simm.s32 $0x1  }
0x2: {  	[smem:$0x3F9C] =	sst lr;
	_ =	strace $0xD0000000  }
0x3: {  	_ = 	snop  }
0x4: {  	_ = 	snop  }
0x5: {  	_ = 	snop  }
0x6: {  	_ = 	snop  }
0x7: {  	_ = 	snop  }
__scs_overlays_trampoline_lowered:
0x8: {  	[smem:$0x3FAB] =	sst s0  }
0x9: {  	[smem:$0x3FAC] =	sst s1  }
0xa: {  	[smem:$0x3FAD] =	sst s2  }
0xb: {  	[smem:$0x3FAE] =	sst s3  }
0xc: {  	[smem:$0x3FAF] =	sst s4  }
0xd: {  	[smem:$0x3FB0] =	sst s5  }
0xe: {  	[smem:$0x3FB1] =	sst s6  }
0xf: {  	[smem:$0x3FB2] =	sst s7  }
0x10: {  	[smem:$0x3FB3] =	sst s8  }
0x11: {  	[smem:$0x3FB4] =	sst s9;
	s0 =	simm.s32 @!p0 $0x0  }
0x12: {  	s1 =	sld [smem:$0x3F9A];
	s0 =	simm.s32 @p0 $0x1  }
0x13: {  	[smem:$0x3FB5] =	sst s0;
	s0 =	simm.s32 @!p1 $0x0  }
0x14: {  	s2 =	sld [smem:$0x3F99];
	s0 =	simm.s32 @p1 $0x1  }
0x15: {  	[smem:$0x3FB6] =	sst s0;
	s0 =	simm.s32 @!p2 $0x0  }
0x16: {  	s3 =	sld [smem:$0x3FDB];
	s0 =	simm.s32 @p2 $0x1  }
0x17: {  	s4 =	simm.s32 $0x1BF5;
	[smem:$0x3FB8] =	sst s0  }
0x18: {  	s0 =	sld [smem:$0x3F9B];
	_ =	swait.ge [sflag:s4], $0x0  }
0x19: {  	s7 =	sld [smem:$0x3F9C]  }
0x1a: {  	s8 =	sadd.s32 $0xFFFFE003, lr  }
0x1b: {  	s9 =	sadd.s32 $0xFFFFFEF7, lr;
	s5 =	simm.s32 $0xFFFFFFFF;
	p2 =	slt.u32 s8, $0xFFFFF086  }
0x1c: {  	p1 =	slt.u32 s9, $0xF7A;
	s5 =	simm.s32 @!p2 $0x0  }
0x1d: {  	s5 =	simm.s32 @p1 $0x1;
	p0 =	seq.s32 s7, s2  }
0x1e: {  	s7 =	smul.u32 @!p0 $0xF7A, s2;
	p2 =	seq.s32 @!p0 s5, $0x0  }
0x1f: {  	s9 =	smul.u32 $0xF7A, s1;
	s8 =	simm.s32 @!p0 $0x1BF5;
	p2 =	por !p2, p0  }
0x20: {  	[sflag:s8] =	ssyncset.s32 @!p0 $0xFFFFF086;
	s6 =	sadd.s32 @!p0 s3, s7;
	s7 =	simm.s32 @!p0 $0x108  }
0x21: {  	s3 =	sadd.s32 s3, s9;
	s6 =	sadd.s32 @!p0 $0x88, s6;
	s7 =	simm.s32 @p2 $0x1082  }
0x22: {  	[simem:s7], [sflag:s8] =	dma.local @!p0 [hbm:s6], $0xF7A  }
0x23: {  	s9 =	sor.u32 $0xD0000000, s2;
	s6 =	simm.s32 $0x108;
	_ =	swait.ge @!p0 [sflag:s8], $0x0  }
0x24: {  	s3 =	sadd.s32 $0x88, s3;
	s6 =	simm.s32 @!p1 $0x1082;
	[sflag:s4] =	ssyncset.s32 $0xFFFFF086  }
0x25: {  	[simem:s6], [sflag:s4] =	dma.local [hbm:s3], $0xF7A  }
0x26: {  	[smem:$0x3F9C] =	sst s1;
	(tag) =	ssettag s2;
	_ =	strace s9  }
0x27: {  	s1 =	sld [smem:$0x3FAC]  }
0x28: {  	s2 =	sld [smem:$0x3FAD]  }
0x29: {  	s4 =	sld [smem:$0x3FAF]  }
0x2a: {  	p0 =	seq.s32 s5, $0x0;
	s5 =	sld [smem:$0x3FB0]  }
0x2b: {  	s6 =	sld [smem:$0x3FB1]  }
0x2c: {  	s7 =	sld [smem:$0x3FB2]  }
0x2d: {  	s3 =	simm.s32 $0x108;
	s8 =	sld [smem:$0x3FB3]  }
0x2e: {  	s3 =	simm.s32 @!p0 $0x1082;
	s9 =	sld [smem:$0x3FB4]  }
0x2f: {  	lr =	sadd.s32 s0, s3;
	s0 =	sld [smem:$0x3FAB]  }
0x30: {  	s3 =	sld [smem:$0x3FAE]  }
0x31: {  	[smem:$0x3FB7] =	sst s10  }
0x32: {  	s10 =	sld [smem:$0x3FB5];
	_ =	sdelay $0x3  }
0x33: {  	p0 =	seq.s32 s10, $0x1;
	s10 =	sld [smem:$0x3FB7];
	_ =	sdelay $0x3  }
0x34: {  	[smem:$0x3FB7] =	sst s10  }
0x35: {  	s10 =	sld [smem:$0x3FB6];
	_ =	sdelay $0x3  }
0x36: {  	p1 =	seq.s32 s10, $0x1;
	s10 =	sld [smem:$0x3FB7];
	_ =	sdelay $0x3  }
0x37: {  	[smem:$0x3FB7] =	sst s10  }
0x38: {  	s10 =	sld [smem:$0x3FB8]  }
0x39: {  	_ = 	snop;
	(pc) =	sbr.ind lr, $3  }
0x3a: {  	_ = 	snop  }
0x3b: {  	_ = 	snop  }
0x3c: {  	p2 =	seq.s32 s10, $0x1;
	s10 =	sld [smem:$0x3FB7]  }
0x3d: {  	_ =	shalt  }
0x3e: {  	_ =	shalt  }
0x3f: {  	_ =	shalt  }
0x40: {  	_ =	shalt  }
0x41: {  	_ =	shalt  }
0x42: {  	_ =	shalt  }
0x43: {  	_ =	shalt  }
0x44: {  	_ =	shalt  }
0x45: {  	_ =	shalt  }
0x46: {  	_ =	shalt  }
0x47: {  	_ =	shalt  }
0x48: {  	_ =	shalt  }
0x49: {  	_ =	shalt  }
0x4a: {  	_ =	shalt  }
0x4b: {  	_ =	shalt  }
0x4c: {  	_ =	shalt  }
0x4d: {  	_ =	shalt  }
0x4e: {  	_ =	shalt  }
0x4f: {  	_ =	shalt  }
0x50: {  	_ =	shalt  }
0x51: {  	_ =	shalt  }
0x52: {  	_ =	shalt  }
0x53: {  	_ =	shalt  }
0x54: {  	_ =	shalt  }
0x55: {  	_ =	shalt  }
0x56: {  	_ =	shalt  }
0x57: {  	_ =	shalt  }
0x58: {  	_ =	shalt  }
0x59: {  	_ =	shalt  }
0x5a: {  	_ =	shalt  }
0x5b: {  	_ =	shalt  }
0x5c: {  	_ =	shalt  }
0x5d: {  	_ =	shalt  }
0x5e: {  	_ =	shalt  }
0x5f: {  	_ =	shalt  }
0x60: {  	_ =	shalt  }
0x61: {  	_ =	shalt  }
0x62: {  	_ =	shalt  }
0x63: {  	_ =	shalt  }
0x64: {  	_ =	shalt  }
0x65: {  	_ =	shalt  }
0x66: {  	_ =	shalt  }
0x67: {  	_ =	shalt  }
0x68: {  	_ =	shalt  }
0x69: {  	_ =	shalt  }
0x6a: {  	_ =	shalt  }
0x6b: {  	_ =	shalt  }
0x6c: {  	_ =	shalt  }
0x6d: {  	_ =	shalt  }
0x6e: {  	_ =	shalt  }
0x6f: {  	_ =	shalt  }
0x70: {  	_ =	shalt  }
0x71: {  	_ =	shalt  }
0x72: {  	_ =	shalt  }
0x73: {  	_ =	shalt  }
0x74: {  	_ =	shalt  }
0x75: {  	_ =	shalt  }
0x76: {  	_ =	shalt  }
0x77: {  	_ =	shalt  }
0x78: {  	_ =	shalt  }
0x79: {  	_ =	shalt  }
0x7a: {  	_ =	shalt  }
0x7b: {  	_ =	shalt  }
0x7c: {  	_ =	shalt  }
0x7d: {  	_ =	shalt  }
0x7e: {  	_ =	shalt  }
0x7f: {  	_ =	shalt  }
0x80: {  	_ =	shalt  }
0x81: {  	_ =	shalt  }
0x82: {  	_ =	shalt  }
0x83: {  	_ =	shalt  }
0x84: {  	_ =	shalt  }
0x85: {  	_ =	shalt  }
0x86: {  	_ =	shalt  }
0x87: {  	_ =	shalt  }
.Lfunc_end0:
.L_simem_size_0:
called_computation_lowered:
.L_overlay_start_0:
0x88: {  	s2 =	sld [smem:$0x3FD9]  }
0x89: {  	s3 =	sld [smem:$0x3FFE];
	_ =	sdelay $0x1  }
0x8a: {  	s1 =	srdreg.scid  }
0x8b: {  	s0 =	sand.u32 $0x1, s1  }
0x8c: {  	s17 =	sshll.u32 s0, $0xA;
	s2 =	sadd.s32 s3, s2  }
0x8d: {  	s2 =	sadd.s32 s2, s17  }
0x8e: {  	[smem:$0x3FC3] =	sst s2  }
0x8f: {  	_ = 	snop  }
0x90: {  	s2 =	sld [smem:$0x3FC9]  }
0x91: {  	s18 =	sld [smem:$0x3FC8]  }
0x92: {  	s4 =	sld [smem:$0x3FC5]  }
0x93: {  	s5 =	sld [smem:$0x3FD0];
	(tm) =	ssettm $0x1  }
0x94: {  	s6 =	sld [smem:$0x3FFB];
	_ =	sdelay $0x3  }
0x95: {  	_ =	strace s6  }
0x96: {  	s6 =	sld [smem:$0x3FFC];
	_ =	sdelay $0x3  }
0x97: {  	_ =	strace s6  }
0x98: {  	s6 =	sld [smem:$0x3FFD];
	_ =	sdelay $0x3  }
0x99: {  	_ =	strace s6  }
0x9a: {  	_ =	strace $0x8FFFFFFF  }
0x9b: {  	s19 =	sld [smem:$0x3FDB];
	_ =	sdelay $0x1  }
0x9c: {  	s7 =	simm.s32 $_scs_section_size  }
0x9d: {  	s8 =	simm.s32 $_size__tile_overlayer_lowered;
	s9 =	simm.s32 $_tile_overlayer_lowered  }
0x9e: {  	s22 =	simm.s32 $0x1BFF;
	s21 =	sshll.u32 s9, $0x1;
	s6 =	sadd.s32 s7, s19  }
0x9f: {  	s10 =	simm.s32 $0x0;
	s20 =	sshll.u32 s8, $0x1;
	s8 =	sadd.s32 s21, s6  }
0xa0: {  	[timem:s10], [sflag:s22] =	dma.local [hbm:s8], s20  }
0xa1: {  	_ =	swait.ge [sflag:s22], s20  }
0xa2: {  	s7 =	ssub.s32 $0x0, s20;
	[sflag:s22] =	ssyncset.done $0x0  }
0xa3: {  	[sflag:s22] =	ssyncadd.s32 s7;
	_ =	sdelay $0x1  }
0xa4: {  	s23 =	simm.s32 $0x1B8B  }
0xa5: {  	_ =	swait.ge [sflag:s23], $0x1  }
0xa6: {  	[sflag:s23] =	ssyncset.done $0x0  }
0xa7: {  	s25 =	simm.s32 $0x1B8E;
	s24 =	sld [smem:$0x3FFE];
	[sflag:s23] =	ssyncadd.s32 $0xFFFFFFFF  }
0xa8: {  	s26 =	simm.s32 $execute0_lowered;
	[smem:$0x3FD2] =	sst s25  }
0xa9: {  	s8 =	sshll.u32 s26, $0x1;
	_ =	strace $0x80000046;
	[dreg:$0x1] =	wrdreg $0xFFFFFFFF  }
0xaa: {  	s28 =	simm.s32 $_size_execute0_lowered;
	s6 =	sadd.s32 s6, s8;
	[dreg:$0x0] =	wrdreg $0x0  }
0xab: {  	s8 =	sshll.u32 s28, $0x1;
	[dreg:$0x2] =	wrdreg s6  }
0xac: {  	[dreg:$0x3] =	wrdreg s8  }
0xad: {  	[dreg:$0x4] =	wrdreg $0xC0  }
0xae: {  	_ =	task [dreg:s10], $0x5FFFF  }
0xaf: {  	[dreg:$0x1] =	wrdreg $0xFFFFFFFF  }
0xb0: {  	[dreg:$0x0] =	wrdreg $0x60  }
0xb1: {  	[dreg:$0x2] =	wrdreg s2  }
0xb2: {  	[dreg:$0x3] =	wrdreg s18  }
0xb3: {  	[dreg:$0x4] =	wrdreg s24  }
0xb4: {  	[dreg:$0x5] =	wrdreg s4  }
0xb5: {  	[dreg:$0x6] =	wrdreg s5  }
0xb6: {  	[dreg:$0x7] =	wrdreg $0x9  }
0xb7: {  	_ =	task.clear_ibuf [dreg:s10], $0x8FFFF;
	_ =	strace $0x90000046  }
0xb8: {  	s29 =	simm.s32 $0x9;
	_ =	strace $0x80000048  }
0xb9: {  	_ =	swait.ge [sflag:s29], $0x1  }
0xba: {  	[sflag:s29] =	ssyncadd.s32 $0xFFFFFFFF  }
0xbb: {  	_ =	strace $0x90000048  }
0xbc: {  	_ =	sfence  }
0xbd: {  	s30 =	sld [smem:$0x0];
	_ =	sdelay $0x2  }
0xbe: {  	s31 =	sshll.u32 s1, $0xD;
	s1 =	sshrl.u32 s1, $0x2  }
0xbf: {  	s3 =	sand.u32 $0x4000, s31;
	s1 =	sadd.s32 s1, s30  }
0xc0: {  	s0 =	sor.u32 s3, s0;
	s1 =	sshll.u32 s1, $0x11  }
0xc1: {  	s0 =	sor.u32 s1, s0  }
0xc2: {  	s0 =	sadd.s32 $0x8F2B, s0  }
0xc3: {  	[sflag:s0] =	ssyncadd.remote.s32 $0x1  }
0xc4: {  	_ =	sfence.sel $0xFFFF  }
0xc5: {  	[dreg:$0x0] =	wrdreg $0xFFFFFFFF;
	(pc) =	sbr.abs _section_cstart, $3  }
0xc6: {  	[dreg:$0x1] =	wrdreg $0xFFFFFFFF  }
0xc7: {  	_ =	task.clear_ibuf [dreg:s10], $0x2FFFF;
	_ =	strace $0x9FFFFFFF  }
0xc8: {  	(tm) =	ssettm $0x7FFFFFFF  }
0xc9: {  	_ =	shalt  }
tec
execute0_lowered:
.L_overlay_start_1:
0x0: {  	(tag) =	ssettag $0x1  }
0x1: {  	s0 =	rddreg [dreg:$0x0]  }
0x2: {  	s1 =	rddreg [dreg:$0x1]  }
0x3: {  	s2 =	rddreg [dreg:$0x2]  }
0x4: {  	s8 =	rddreg [dreg:$0x4];
	s3 =	simm.s32 $0x0  }
0x5: {  	s4 =	srdreg.scid;
	s5 =	stileid.u32;
	s13 =	simm.s32 $0x80  }
0x6: {  	s12 =	simm.s32 $0xC800;
	s15 =	simm.s32 $0x8000;
	s17 =	simm.s32 $0xD000  }
0x7: {  	s19 =	simm.s32 $0x8800;
	s21 =	simm.s32 $0xD800;
	s23 =	simm.s32 $0x9000  }
0x8: {  	s25 =	simm.s32 $0xE000;
	s28 =	simm.s32 $0x9800;
	s30 =	simm.s32 $0xE800  }
0x9: {  	s31 =	simm.s32 $0x1;
	s14 =	simm.s32 $0x4;
	[smem:$0x7FF] =	sst s3  }
0xa: {  	s4 =	sand.u32 $0x1, s4;
	s5 =	sshll.u32 s5, $0x1;
	_ =	strace $0x80000047  }
0xb: {  	s6 =	ssub.s32 $0x2, s4;
	s7 =	sor.u32 s4, s5;
	s4 =	sadd.s32 $0xF42800, s2  }
.Ltmp0:
0xc: {  	s18 =	simm.s32 $0x0;
	s5 =	sadd.s32 $0x112AE00, s2;
	(pc) =	sbr.rel .LBB2_1-.Ltmp0, $4  }
0xd: {  	s9 =	sshrl.u32 s6, $0x1;
	s10 =	smul.u32 $0x500, s7;
	s29 =	sshll.u32 s7, $0x6  }
0xe: {  	s2 =	simm.s32 $0x7800;
	s26 =	ssub.s32 s6, s9;
	s8 =	sadd.s32 s8, s29  }
0xf: {  	s6 =	sadd.s32 s0, s10;
	s7 =	sadd.s32 s1, s10;
	s9 =	smax.u32 s26, $0x1  }
0x10: {  	v0 =	vlaneseq.u32;
	s10 =	simm.s32 $0x5;
	s0 =	simm.s32 $0x3;
	s1 =	simm.s32 $0x2  }
.LBB2_12:
0x11: {  	s18 =	sadd.s32 $0x1, s18  }
0x12: {  	p0 =	sne.s32 s18, s9  }
.Ltmp1:
0x13: {  	s11 =	simm.s32 $0xF020;
	(pc) =	sbr.rel @!p0 .LBB2_13-.Ltmp1, $4  }
0x14: {  	[hbm4b:s8+s3] =	stream.linear.scatter [tilespmem:s11], [sflag:$0x5], $0x200, $0x38;
	[tilespmem:$0xF220] =	vst v63  }
0x15: {  	_ =	swait.ge [sflag:s10], $0x200  }
0x16: {  	[sflag:s10] =	ssyncset.done $0x0  }
0x17: {  	[sflag:s10] =	ssyncadd.s32 $0xFFFFFE00  }
.LBB2_1:
0x18: {  	[tilespmem:s3], [sflag:$0x5] =	stream.linear.gather [hbm4b:s6+s3], $0x2800, $0x38;
	[tilespmem:$0xF220] =	vst v63  }
0x19: {  	_ =	swait.ge [sflag:s10], $0x2800  }
0x1a: {  	[sflag:s10] =	ssyncset.done $0x0  }
0x1b: {  	s16 =	simm.s32 $0x2800;
	[sflag:s10] =	ssyncadd.s32 $0xFFFFD800  }
0x1c: {  	[tilespmem:s16], [sflag:$0x5] =	stream.linear.gather [hbm4b:s7+s3], $0x2800, $0x38;
	[tilespmem:$0xF220] =	vst v63  }
0x1d: {  	_ =	swait.ge [sflag:s10], $0x2800  }
0x1e: {  	[sflag:s10] =	ssyncset.done $0x0  }
0x1f: {  	[sflag:s10] =	ssyncadd.s32 $0xFFFFD800  }
0x20: {  	s20 =	simm.s32 $0xF000;
	s11 =	rddreg [dreg:$0x3]  }
0x21: {  	[tilespmem:s20], [sflag:$0x5] =	stream.linear.gather [hbm4b:s11+s3], $0x20, $0x38;
	[tilespmem:$0xF220] =	vst v63  }
0x22: {  	_ =	swait.ge [sflag:s10], $0x20  }
0x23: {  	[sflag:s10] =	ssyncset.done $0x0  }
0x24: {  	[sflag:s10] =	ssyncadd.s32 $0xFFFFFFE0  }
0x25: {  	s24 =	simm.s32 $0x5000;
	v1 =	vld [tilespmem:$0xF000]  }
0x26: {  	v2 =	vld [tilespmem:$0xF010];
	[tilespmem:s24], [sflag:$0x1] =	stream.indirect.gather [hbm4b:s4+s13], $0x10, s3, s13, $0xb8  }
0x27: {  	s26 =	simm.s32 $0xA000  }
0x28: {  	[tilespmem:s26], [sflag:$0x3] =	stream.indirect.gather [hbm4b:s5+s13], $0x10, s16, s13, $0xb8;
	[tilespmem:$0xF220] =	vst v63  }
0x29: {  	s29 =	simm.s32 $0x5800  }
0x2a: {  	[tilespmem:s29], [sflag:$0x1] =	stream.indirect.gather [hbm4b:s4+s13], $0x10, s13, s13, $0xb8;
	[tilespmem:$0xF220] =	vst v63  }
0x2b: {  	s20 =	simm.s32 $0xA800;
	s16 =	simm.s32 $0x2880  }
0x2c: {  	[tilespmem:s20], [sflag:$0x3] =	stream.indirect.gather [hbm4b:s5+s13], $0x10, s16, s13, $0xb8;
	[tilespmem:$0xF220] =	vst v63  }
0x2d: {  	s22 =	simm.s32 $0x100;
	s24 =	simm.s32 $0x6000  }
0x2e: {  	[tilespmem:s24], [sflag:$0x1] =	stream.indirect.gather [hbm4b:s4+s13], $0x10, s22, s13, $0xb8;
	[tilespmem:$0xF220] =	vst v63  }
0x2f: {  	s26 =	simm.s32 $0x2900;
	s29 =	simm.s32 $0xB000  }
0x30: {  	[tilespmem:s29], [sflag:$0x3] =	stream.indirect.gather [hbm4b:s5+s13], $0x10, s26, s13, $0xb8;
	[tilespmem:$0xF220] =	vst v63  }
0x31: {  	s16 =	simm.s32 $0x180;
	s20 =	simm.s32 $0x6800  }
0x32: {  	[tilespmem:s20], [sflag:$0x1] =	stream.indirect.gather [hbm4b:s4+s13], $0x10, s16, s13, $0xb8;
	[tilespmem:$0xF220] =	vst v63  }
0x33: {  	s22 =	simm.s32 $0x2980;
	s24 =	simm.s32 $0xB800  }
0x34: {  	[tilespmem:s24], [sflag:$0x3] =	stream.indirect.gather [hbm4b:s5+s13], $0x10, s22, s13, $0xb8;
	[tilespmem:$0xF220] =	vst v63  }
0x35: {  	s26 =	simm.s32 $0x200;
	s29 =	simm.s32 $0x7000  }
0x36: {  	[tilespmem:s29], [sflag:$0x1] =	stream.indirect.gather [hbm4b:s4+s13], $0x10, s26, s13, $0xb8;
	[tilespmem:$0xF220] =	vst v63  }
0x37: {  	s16 =	simm.s32 $0x2A00;
	s20 =	simm.s32 $0xC000  }
0x38: {  	[tilespmem:s20], [sflag:$0x3] =	stream.indirect.gather [hbm4b:s5+s13], $0x10, s16, s13, $0xb8;
	[tilespmem:$0xF220] =	vst v63  }
0x39: {  	s22 =	simm.s32 $0x280  }
0x3a: {  	[tilespmem:s2], [sflag:$0x2] =	stream.indirect.gather [hbm4b:s4+s13], $0x10, s22, s13, $0xb8;
	[tilespmem:$0xF220] =	vst v63  }
0x3b: {  	s24 =	simm.s32 $0x2A80  }
0x3c: {  	[tilespmem:s12], [sflag:$0x4] =	stream.indirect.gather [hbm4b:s5+s13], $0x10, s24, s13, $0xb8;
	[tilespmem:$0xF220] =	vst v63  }
0x3d: {  	s26 =	simm.s32 $0x300  }
0x3e: {  	[tilespmem:s15], [sflag:$0x2] =	stream.indirect.gather [hbm4b:s4+s13], $0x10, s26, s13, $0xb8;
	[tilespmem:$0xF220] =	vst v63  }
0x3f: {  	s29 =	simm.s32 $0x2B00  }
0x40: {  	[tilespmem:s17], [sflag:$0x4] =	stream.indirect.gather [hbm4b:s5+s13], $0x10, s29, s13, $0xb8;
	[tilespmem:$0xF220] =	vst v63  }
0x41: {  	s16 =	simm.s32 $0x380  }
0x42: {  	[tilespmem:s19], [sflag:$0x2] =	stream.indirect.gather [hbm4b:s4+s13], $0x10, s16, s13, $0xb8;
	[tilespmem:$0xF220] =	vst v63  }
0x43: {  	s20 =	simm.s32 $0x2B80  }
0x44: {  	[tilespmem:s21], [sflag:$0x4] =	stream.indirect.gather [hbm4b:s5+s13], $0x10, s20, s13, $0xb8;
	[tilespmem:$0xF220] =	vst v63  }
0x45: {  	s22 =	simm.s32 $0x400  }
0x46: {  	[tilespmem:s23], [sflag:$0x2] =	stream.indirect.gather [hbm4b:s4+s13], $0x10, s22, s13, $0xb8;
	[tilespmem:$0xF220] =	vst v63  }
0x47: {  	s24 =	simm.s32 $0x2C00  }
0x48: {  	[tilespmem:s25], [sflag:$0x4] =	stream.indirect.gather [hbm4b:s5+s13], $0x10, s24, s13, $0xb8;
	[tilespmem:$0xF220] =	vst v63  }
0x49: {  	s26 =	simm.s32 $0x480  }
0x4a: {  	[tilespmem:s28], [sflag:$0x2] =	stream.indirect.gather [hbm4b:s4+s13], $0x10, s26, s13, $0xb8;
	[tilespmem:$0xF220] =	vst v63  }
0x4b: {  	s29 =	simm.s32 $0x2C80;
	s20 =	simm.s32 $0x0  }
0x4c: {  	[tilespmem:s30], [sflag:$0x4] =	stream.indirect.gather [hbm4b:s5+s13], $0x10, s29, s13, $0xb8;
	[tilespmem:$0xF220] =	vst v63  }
.LBB2_2:
0x4d: {  	_ =	swait.ge [sflag:s31], $0x2800  }
0x4e: {  	[sflag:s31] =	ssyncset.done $0x0  }
0x4f: {  	[sflag:s31] =	ssyncadd.s32 $0xFFFFD800  }
0x50: {  	_ =	swait.ge [sflag:s0], $0x2800  }
0x51: {  	[sflag:s0] =	ssyncset.done $0x0  }
0x52: {  	s16 =	simm.s32 $0x50A0;
	[sflag:s0] =	ssyncadd.s32 $0xFFFFD800  }
0x53: {  	s11 =	simm.s32 $0xA0A0;
	v3 =	vld [tilespmem:s16+$0xFFFFFF60]  }
0x54: {  	v4 =	vld [tilespmem:s11+$0xFFFFFF60]  }
0x55: {  	v5 =	vld [tilespmem:s16+$0xFFFFFF70]  }
0x56: {  	v6 =	vld [tilespmem:s11+$0xFFFFFF70]  }
0x57: {  	v7 =	vld [tilespmem:s16+$0xFFFFFF80]  }
0x58: {  	v8 =	vld [tilespmem:s11+$0xFFFFFF80]  }
0x59: {  	v9 =	vld [tilespmem:s16+$0xFFFFFF90]  }
0x5a: {  	v10 =	vld [tilespmem:s11+$0xFFFFFF90]  }
0x5b: {  	v11 =	vld [tilespmem:s16+$0xFFFFFFA0];
	v3 =	vmul.f32 v4, v3;
	v4 =	vmul.f32 v6, v5  }
0x5c: {  	v5 =	vld [tilespmem:s11+$0xFFFFFFA0]  }
0x5d: {  	v6 =	vld [tilespmem:s16+$0xFFFFFFB0];
	v3 =	vadd.f32 v4, v3;
	v4 =	vmul.f32 v8, v7  }
0x5e: {  	v7 =	vld [tilespmem:s11+$0xFFFFFFB0]  }
0x5f: {  	v8 =	vld [tilespmem:s16+$0xFFFFFFC0];
	v3 =	vadd.f32 v4, v3;
	v4 =	vmul.f32 v10, v9  }
0x60: {  	v9 =	vld [tilespmem:s11+$0xFFFFFFC0]  }
0x61: {  	v10 =	vld [tilespmem:s16+$0xFFFFFFD0];
	v3 =	vadd.f32 v4, v3;
	v4 =	vmul.f32 v5, v11  }
0x62: {  	v5 =	vld [tilespmem:s11+$0xFFFFFFD0]  }
0x63: {  	v11 =	vld [tilespmem:s16+$0xFFFFFFE0];
	v3 =	vadd.f32 v4, v3;
	v4 =	vmul.f32 v7, v6  }
0x64: {  	v6 =	vld [tilespmem:s11+$0xFFFFFFE0]  }
0x65: {  	v7 =	vld [tilespmem:s16+$0xFFFFFFF0];
	v3 =	vadd.f32 v4, v3;
	v4 =	vmul.f32 v9, v8  }
0x66: {  	v8 =	vld [tilespmem:s11+$0xFFFFFFF0]  }
0x67: {  	v9 =	vld [tilespmem:s16+$0x0];
	v3 =	vadd.f32 v4, v3;
	v4 =	vmul.f32 v5, v10  }
0x68: {  	v5 =	vld [tilespmem:s11+$0x0]  }
0x69: {  	v10 =	vld [tilespmem:s16+$0x10];
	v3 =	vadd.f32 v4, v3;
	v4 =	vmul.f32 v6, v11  }
0x6a: {  	v6 =	vld [tilespmem:s11+$0x10]  }
0x6b: {  	v11 =	vld [tilespmem:s16+$0x20];
	v3 =	vadd.f32 v4, v3;
	v4 =	vmul.f32 v8, v7  }
0x6c: {  	v7 =	vld [tilespmem:s11+$0x20]  }
0x6d: {  	v8 =	vld [tilespmem:s16+$0x30];
	v3 =	vadd.f32 v4, v3;
	v4 =	vmul.f32 v5, v9  }
0x6e: {  	v5 =	vld [tilespmem:s11+$0x30]  }
0x6f: {  	v9 =	vld [tilespmem:s16+$0x40];
	v3 =	vadd.f32 v4, v3;
	v4 =	vmul.f32 v6, v10  }
0x70: {  	v6 =	vld [tilespmem:s11+$0x40]  }
0x71: {  	v10 =	vld [tilespmem:s16+$0x50];
	v3 =	vadd.f32 v4, v3;
	v4 =	vmul.f32 v7, v11  }
0x72: {  	v7 =	vld [tilespmem:s11+$0x50]  }
0x73: {  	v11 =	vld [tilespmem:s16+$0x60];
	v3 =	vadd.f32 v4, v3;
	v4 =	vmul.f32 v5, v8  }
0x74: {  	v5 =	vld [tilespmem:s11+$0x60]  }
0x75: {  	v12 =	vld [tilespmem:s16+$0x70];
	v3 =	vadd.f32 v4, v3;
	v4 =	vmul.f32 v6, v9  }
0x76: {  	v6 =	vld [tilespmem:s11+$0x70]  }
0x77: {  	v13 =	vld [tilespmem:s16+$0x80];
	v7 =	vmul.f32 v7, v10;
	v3 =	vadd.f32 v4, v3  }
0x78: {  	v14 =	vld [tilespmem:s11+$0x80]  }
0x79: {  	v4 =	vld [tilespmem:s16+$0x90];
	v3 =	vadd.f32 v7, v3;
	v7 =	vmul.f32 v5, v11  }
0x7a: {  	s26 =	simm.s32 $0x51E0;
	v5 =	vld [tilespmem:s11+$0x90]  }
0x7b: {  	v8 =	vld [tilespmem:s26+$0xFFFFFF60];
	v6 =	vmul.f32 v6, v12;
	v7 =	vadd.f32 v7, v3  }
0x7c: {  	s29 =	simm.s32 $0xA1E0;
	v9 =	vld [tilespmem:s26+$0xFFFFFF70]  }
0x7d: {  	v10 =	vld [tilespmem:s29+$0xFFFFFF60];
	v6 =	vadd.f32 v6, v7;
	v7 =	vmul.f32 v14, v13  }
0x7e: {  	s24 =	simm.s32 $0x0;
	s22 =	simm.s32 $0x1;
	s16 =	simm.s32 $0x2;
	v11 =	vld [tilespmem:s29+$0xFFFFFF70];
	v3 =	vimm.f32 $0.0e+00  }
.LBB2_3:
0x7f: {  	p0 =	sne.s32 s16, $0xF;
	v12 =	vld [tilespmem:s26+$0xFFFFFF80];
	v6 =	vadd.f32 v7, v6;
	v4 =	vmul.f32 v5, v4  }
0x80: {  	v5 =	vld [tilespmem:s29+$0xFFFFFF80]  }
0x81: {  	v7 =	vld [tilespmem:s26+$0xFFFFFF90];
	v4 =	vadd.f32 v4, v6  }
0x82: {  	v6 =	vmul.f32 v10, v8;
	v8 =	vld [tilespmem:s29+$0xFFFFFF90]  }
0x83: {  	v9 =	vmul.f32 v11, v9;
	v10 =	vld [tilespmem:s26+$0xFFFFFFA0];
	v4 =	vmul.f32 v4, v1  }
0x84: {  	v11 =	vld [tilespmem:s29+$0xFFFFFFA0]  }
0x85: {  	v6 =	vadd.f32 v9, v6;
	v5 =	vmul.f32 v5, v12;
	v9 =	vld [tilespmem:s26+$0xFFFFFFB0];
	(xrf2) =	vadd.scan.msk.f32 $0xffff, v4  }
0x86: {  	v4 =	vld [tilespmem:s29+$0xFFFFFFB0]  }
0x87: {  	v5 =	vadd.f32 v5, v6;
	v6 =	vmul.f32 v8, v7;
	v7 =	vld [tilespmem:s26+$0xFFFFFFC0]  }
0x88: {  	v8 =	vld [tilespmem:s29+$0xFFFFFFC0]  }
0x89: {  	v5 =	vadd.f32 v6, v5;
	v6 =	vmul.f32 v11, v10;
	v10 =	vld [tilespmem:s26+$0xFFFFFFD0]  }
0x8a: {  	v11 =	vld [tilespmem:s29+$0xFFFFFFD0]  }
0x8b: {  	v5 =	vadd.f32 v6, v5;
	v4 =	vmul.f32 v4, v9;
	v6 =	vld [tilespmem:s26+$0xFFFFFFE0]  }
0x8c: {  	v9 =	vld [tilespmem:s29+$0xFFFFFFE0]  }
0x8d: {  	v4 =	vadd.f32 v4, v5;
	v5 =	vmul.f32 v8, v7;
	v7 =	vld [tilespmem:s26+$0xFFFFFFF0]  }
0x8e: {  	v8 =	vld [tilespmem:s29+$0xFFFFFFF0]  }
0x8f: {  	v4 =	vadd.f32 v5, v4;
	v5 =	vmul.f32 v11, v10;
	v10 =	vld [tilespmem:s26+$0x0];
	v11, _, _ =	vpop (xrf2)  }
0x90: {  	v13 =	vmov s24;
	s24 =	smov.u32 s22;
	s22 =	smov.u32 s16;
	v12 =	vld [tilespmem:s29+$0x0];
	v11 =	vbroadcast v11, $0xF  }
0x91: {  	vm0 =	veq.s32 v13, v0;
	v4 =	vadd.f32 v5, v4;
	v5 =	vmul.f32 v9, v6;
	v6 =	vld [tilespmem:s26+$0x10]  }
0x92: {  	v9 =	vld [tilespmem:s29+$0x10];
	v3 =	vsel vm0, v11, v3  }
0x93: {  	v4 =	vadd.f32 v5, v4;
	v5 =	vmul.f32 v8, v7;
	v7 =	vld [tilespmem:s26+$0x20]  }
0x94: {  	v8 =	vld [tilespmem:s29+$0x20]  }
0x95: {  	v4 =	vadd.f32 v5, v4;
	v5 =	vmul.f32 v12, v10;
	v10 =	vld [tilespmem:s26+$0x30]  }
0x96: {  	v11 =	vld [tilespmem:s29+$0x30]  }
0x97: {  	v4 =	vadd.f32 v5, v4;
	v5 =	vmul.f32 v9, v6;
	v6 =	vld [tilespmem:s26+$0x40]  }
0x98: {  	v9 =	vld [tilespmem:s29+$0x40]  }
0x99: {  	v4 =	vadd.f32 v5, v4;
	v5 =	vmul.f32 v8, v7;
	v7 =	vld [tilespmem:s26+$0x50]  }
0x9a: {  	v8 =	vld [tilespmem:s29+$0x50]  }
0x9b: {  	v4 =	vadd.f32 v5, v4;
	v5 =	vmul.f32 v11, v10;
	v10 =	vld [tilespmem:s26+$0x60]  }
0x9c: {  	v11 =	vld [tilespmem:s29+$0x60]  }
0x9d: {  	v4 =	vadd.f32 v5, v4;
	v5 =	vmul.f32 v9, v6;
	v6 =	vld [tilespmem:s26+$0x70]  }
0x9e: {  	v9 =	vld [tilespmem:s29+$0x70]  }
0x9f: {  	v4 =	vadd.f32 v5, v4;
	v5 =	vmul.f32 v8, v7;
	v7 =	vld [tilespmem:s26+$0x80]  }
0xa0: {  	v12 =	vld [tilespmem:s29+$0x80]  }
0xa1: {  	v13 =	vadd.f32 v5, v4;
	v10 =	vmul.f32 v11, v10;
	v4 =	vld [tilespmem:s26+$0x90]  }
.Ltmp2:
0xa2: {  	s26 =	sadd.s32 $0x140, s26;
	v5 =	vld [tilespmem:s29+$0x90];
	(pc) =	sbr.rel @p0 .LBB2_3-.Ltmp2, $4  }
0xa3: {  	s29 =	sadd.s32 $0x140, s29;
	v8 =	vld [tilespmem:s26+$0xFFFFFF60];
	v11 =	vadd.f32 v10, v13;
	v6 =	vmul.f32 v9, v6  }
0xa4: {  	v10 =	vld [tilespmem:s29+$0xFFFFFF60]  }
0xa5: {  	v9 =	vld [tilespmem:s26+$0xFFFFFF70];
	v6 =	vadd.f32 v6, v11;
	v7 =	vmul.f32 v12, v7  }
0xa6: {  	s16 =	sadd.s32 $0x1, s16;
	v11 =	vld [tilespmem:s29+$0xFFFFFF70]  }
0xa7: {  	v12 =	vld [tilespmem:s26+$0xFFFFFF80]  }
0xa8: {  	v13 =	vld [tilespmem:s29+$0xFFFFFF80]  }
0xa9: {  	v14 =	vld [tilespmem:s26+$0xFFFFFF90]  }
0xaa: {  	v15 =	vld [tilespmem:s29+$0xFFFFFF90]  }
0xab: {  	v8 =	vmul.f32 v10, v8;
	v10 =	vld [tilespmem:s26+$0xFFFFFFA0];
	v9 =	vmul.f32 v11, v9  }
0xac: {  	v11 =	vld [tilespmem:s29+$0xFFFFFFA0]  }
0xad: {  	v41 =	vld [tilespmem:s26+$0xFFFFFFB0];
	v8 =	vadd.f32 v9, v8;
	v9 =	vmul.f32 v13, v12  }
0xae: {  	v42 =	vld [tilespmem:s29+$0xFFFFFFB0]  }
0xaf: {  	v43 =	vld [tilespmem:s26+$0xFFFFFFC0];
	v8 =	vadd.f32 v9, v8;
	v9 =	vmul.f32 v15, v14  }
0xb0: {  	v44 =	vld [tilespmem:s29+$0xFFFFFFC0]  }
0xb1: {  	v8 =	vadd.f32 v9, v8;
	v9 =	vmul.f32 v11, v10;
	v10 =	vld [tilespmem:s26+$0xFFFFFFD0]  }
0xb2: {  	v11 =	vld [tilespmem:s29+$0xFFFFFFD0]  }
0xb3: {  	v45 =	vld [tilespmem:s26+$0xFFFFFFE0];
	v8 =	vadd.f32 v9, v8;
	v9 =	vmul.f32 v42, v41  }
0xb4: {  	v46 =	vld [tilespmem:s29+$0xFFFFFFE0]  }
0xb5: {  	v47 =	vld [tilespmem:s26+$0xFFFFFFF0];
	v8 =	vadd.f32 v9, v8;
	v9 =	vmul.f32 v44, v43  }
0xb6: {  	v48 =	vld [tilespmem:s29+$0xFFFFFFF0]  }
0xb7: {  	v8 =	vadd.f32 v9, v8;
	v9 =	vmul.f32 v11, v10;
	v10 =	vld [tilespmem:s26+$0x0]  }
0xb8: {  	v11 =	vld [tilespmem:s29+$0x0]  }
0xb9: {  	v49 =	vld [tilespmem:s26+$0x10];
	v8 =	vadd.f32 v9, v8;
	v9 =	vmul.f32 v46, v45  }
0xba: {  	v50 =	vld [tilespmem:s29+$0x10]  }
0xbb: {  	v51 =	vld [tilespmem:s26+$0x20];
	v8 =	vadd.f32 v9, v8;
	v9 =	vmul.f32 v48, v47  }
0xbc: {  	v52 =	vld [tilespmem:s29+$0x20]  }
0xbd: {  	v8 =	vadd.f32 v9, v8;
	v9 =	vmul.f32 v11, v10;
	v10 =	vld [tilespmem:s26+$0x30]  }
0xbe: {  	v11 =	vld [tilespmem:s29+$0x30]  }
0xbf: {  	v53 =	vld [tilespmem:s26+$0x40];
	v8 =	vadd.f32 v9, v8;
	v9 =	vmul.f32 v50, v49  }
0xc0: {  	v54 =	vld [tilespmem:s29+$0x40]  }
0xc1: {  	v55 =	vld [tilespmem:s26+$0x50];
	v8 =	vadd.f32 v9, v8;
	v9 =	vmul.f32 v52, v51  }
0xc2: {  	v56 =	vld [tilespmem:s29+$0x50]  }
0xc3: {  	v8 =	vadd.f32 v9, v8;
	v9 =	vmul.f32 v11, v10;
	v10 =	vld [tilespmem:s26+$0x60]  }
0xc4: {  	v11 =	vld [tilespmem:s29+$0x60]  }
0xc5: {  	v57 =	vld [tilespmem:s26+$0x70];
	v8 =	vadd.f32 v9, v8;
	v9 =	vmul.f32 v54, v53  }
0xc6: {  	v58 =	vld [tilespmem:s29+$0x70]  }
0xc7: {  	v59 =	vld [tilespmem:s26+$0x80];
	v8 =	vadd.f32 v9, v8;
	v9 =	vmul.f32 v56, v55  }
0xc8: {  	v60 =	vld [tilespmem:s29+$0x80]  }
0xc9: {  	v8 =	vadd.f32 v9, v8;
	v9 =	vmul.f32 v11, v10;
	v10 =	vld [tilespmem:s26+$0x90]  }
0xca: {  	v11 =	vld [tilespmem:s29+$0x90]  }
0xcb: {  	v8 =	vadd.f32 v9, v8;
	v9 =	vmul.f32 v58, v57;
	_ =	sdelay $0x1  }
0xcc: {  	v8 =	vadd.f32 v9, v8;
	v9 =	vmul.f32 v60, v59  }
0xcd: {  	v6 =	vadd.f32 v7, v6;
	v4 =	vmul.f32 v5, v4  }
0xce: {  	v7 =	vmul.f32 v11, v10;
	v5 =	vadd.f32 v9, v8  }
0xcf: {  	v4 =	vadd.f32 v4, v6  }
0xd0: {  	v5 =	vadd.f32 v7, v5  }
0xd1: {  	v4 =	vmul.f32 v4, v1  }
0xd2: {  	v5 =	vmul.f32 v5, v1  }
0xd3: {  	(xrf2) =	vadd.scan.msk.f32 $0xffff, v4  }
0xd4: {  	(xrf2) =	vadd.scan.msk.f32 $0xffff, v5;
	_ =	sdelay $0x8  }
0xd5: {  	v4, _, _ =	vpop (xrf2)  }
0xd6: {  	v4 =	vbroadcast v4, $0xF;
	v5 =	vmov s24;
	v6, _, _ =	vpop (xrf2)  }
0xd7: {  	vm0 =	veq.s32 v5, v0;
	v5 =	vmov s22;
	v6 =	vbroadcast v6, $0xF  }
0xd8: {  	v3 =	vsel vm0, v4, v3;
	vm15 =	veq.s32 v5, v0  }
0xd9: {  	v3 =	vsel vm15, v6, v3  }
0xda: {  	s11 =	sshll.u32 s20, $0x6;
	v3 =	vadd.f32 v3, v2  }
0xdb: {  	s22 =	sand.u32 $0x3FFFFFC0, s11  }
0xdc: {  	s16 =	simm.s32 $0x6530;
	[tilespmem:s22+$0xF020] =	vst v3  }
0xdd: {  	s26 =	simm.s32 $0xB530;
	v3 =	vld [tilespmem:s16+$0xFFFFFED0]  }
0xde: {  	v4 =	vld [tilespmem:s26+$0xFFFFFED0]  }
0xdf: {  	v5 =	vld [tilespmem:s16+$0xFFFFFEE0]  }
0xe0: {  	v6 =	vld [tilespmem:s26+$0xFFFFFEE0]  }
0xe1: {  	v7 =	vld [tilespmem:s16+$0xFFFFFEF0]  }
0xe2: {  	v8 =	vld [tilespmem:s26+$0xFFFFFEF0]  }
0xe3: {  	v9 =	vld [tilespmem:s16+$0xFFFFFF00]  }
0xe4: {  	v10 =	vld [tilespmem:s26+$0xFFFFFF00]  }
0xe5: {  	v11 =	vld [tilespmem:s16+$0xFFFFFF10];
	v3 =	vmul.f32 v4, v3;
	v4 =	vmul.f32 v6, v5  }
0xe6: {  	v5 =	vld [tilespmem:s26+$0xFFFFFF10]  }
0xe7: {  	v6 =	vld [tilespmem:s16+$0xFFFFFF20];
	v3 =	vadd.f32 v4, v3;
	v4 =	vmul.f32 v8, v7  }
0xe8: {  	v7 =	vld [tilespmem:s26+$0xFFFFFF20]  }
0xe9: {  	v8 =	vld [tilespmem:s16+$0xFFFFFF30];
	v3 =	vadd.f32 v4, v3;
	v4 =	vmul.f32 v10, v9  }
0xea: {  	v9 =	vld [tilespmem:s26+$0xFFFFFF30]  }
0xeb: {  	v10 =	vld [tilespmem:s16+$0xFFFFFF40];
	v3 =	vadd.f32 v4, v3;
	v4 =	vmul.f32 v5, v11  }
0xec: {  	v5 =	vld [tilespmem:s26+$0xFFFFFF40]  }
0xed: {  	v11 =	vld [tilespmem:s16+$0xFFFFFF50];
	v3 =	vadd.f32 v4, v3;
	v4 =	vmul.f32 v7, v6  }
0xee: {  	v6 =	vld [tilespmem:s26+$0xFFFFFF50]  }
0xef: {  	v7 =	vld [tilespmem:s16+$0xFFFFFF60];
	v3 =	vadd.f32 v4, v3;
	v4 =	vmul.f32 v9, v8  }
0xf0: {  	v8 =	vld [tilespmem:s26+$0xFFFFFF60]  }
0xf1: {  	v9 =	vld [tilespmem:s16+$0xFFFFFF70];
	v3 =	vadd.f32 v4, v3;
	v4 =	vmul.f32 v5, v10  }
0xf2: {  	v5 =	vld [tilespmem:s26+$0xFFFFFF70]  }
0xf3: {  	v10 =	vld [tilespmem:s16+$0xFFFFFF80];
	v3 =	vadd.f32 v4, v3;
	v4 =	vmul.f32 v6, v11  }
0xf4: {  	v6 =	vld [tilespmem:s26+$0xFFFFFF80]  }
0xf5: {  	v11 =	vld [tilespmem:s16+$0xFFFFFF90];
	v3 =	vadd.f32 v4, v3;
	v4 =	vmul.f32 v8, v7  }
0xf6: {  	v7 =	vld [tilespmem:s26+$0xFFFFFF90]  }
0xf7: {  	v8 =	vld [tilespmem:s16+$0xFFFFFFA0];
	v3 =	vadd.f32 v4, v3;
	v4 =	vmul.f32 v5, v9  }
0xf8: {  	v5 =	vld [tilespmem:s26+$0xFFFFFFA0]  }
0xf9: {  	v9 =	vld [tilespmem:s16+$0xFFFFFFB0];
	v3 =	vadd.f32 v4, v3;
	v4 =	vmul.f32 v6, v10  }
0xfa: {  	v6 =	vld [tilespmem:s26+$0xFFFFFFB0]  }
0xfb: {  	v10 =	vld [tilespmem:s16+$0xFFFFFFC0];
	v3 =	vadd.f32 v4, v3;
	v4 =	vmul.f32 v7, v11  }
0xfc: {  	v7 =	vld [tilespmem:s26+$0xFFFFFFC0]  }
0xfd: {  	v11 =	vld [tilespmem:s16+$0xFFFFFFD0];
	v3 =	vadd.f32 v4, v3;
	v4 =	vmul.f32 v5, v8  }
0xfe: {  	v5 =	vld [tilespmem:s26+$0xFFFFFFD0]  }
0xff: {  	v61 =	vld [tilespmem:s16+$0xFFFFFFE0];
	v3 =	vadd.f32 v4, v3;
	v4 =	vmul.f32 v6, v9  }
0x100: {  	v6 =	vld [tilespmem:s26+$0xFFFFFFE0]  }
0x101: {  	v62 =	vld [tilespmem:s16+$0xFFFFFFF0];
	v7 =	vmul.f32 v7, v10;
	v3 =	vadd.f32 v4, v3  }
0x102: {  	v63 =	vld [tilespmem:s26+$0xFFFFFFF0]  }
0x103: {  	v4 =	vld [tilespmem:s16+$0x0];
	v3 =	vadd.f32 v7, v3;
	v7 =	vmul.f32 v5, v11  }
0x104: {  	s29 =	simm.s32 $0x6670;
	v5 =	vld [tilespmem:s26+$0x0]  }
0x105: {  	v8 =	vld [tilespmem:s29+$0xFFFFFED0];
	v6 =	vmul.f32 v6, v61;
	v7 =	vadd.f32 v7, v3  }
0x106: {  	v9 =	vld [tilespmem:s29+$0xFFFFFEE0];
	s16 =	simm.s32 $0xB670  }
0x107: {  	v10 =	vld [tilespmem:s16+$0xFFFFFED0];
	v6 =	vadd.f32 v6, v7;
	v7 =	vmul.f32 v63, v62  }
0x108: {  	s24 =	simm.s32 $0x1;
	s11 =	simm.s32 $0x2;
	s26 =	simm.s32 $0x0;
	v11 =	vld [tilespmem:s16+$0xFFFFFEE0];
	v3 =	vimm.f32 $0.0e+00  }
.LBB2_5:
0x109: {  	p0 =	sne.s32 s11, $0xF;
	v12 =	vld [tilespmem:s29+$0xFFFFFEF0];
	v6 =	vadd.f32 v7, v6;
	v4 =	vmul.f32 v5, v4  }
0x10a: {  	v5 =	vld [tilespmem:s16+$0xFFFFFEF0]  }
0x10b: {  	v7 =	vld [tilespmem:s29+$0xFFFFFF00];
	v4 =	vadd.f32 v4, v6  }
0x10c: {  	v6 =	vmul.f32 v10, v8;
	v8 =	vld [tilespmem:s16+$0xFFFFFF00]  }
0x10d: {  	v9 =	vmul.f32 v11, v9;
	v10 =	vld [tilespmem:s29+$0xFFFFFF10];
	v4 =	vmul.f32 v4, v1  }
0x10e: {  	v11 =	vld [tilespmem:s16+$0xFFFFFF10]  }
0x10f: {  	v6 =	vadd.f32 v9, v6;
	v5 =	vmul.f32 v5, v12;
	v9 =	vld [tilespmem:s29+$0xFFFFFF20];
	(xrf2) =	vadd.scan.msk.f32 $0xffff, v4  }
0x110: {  	v4 =	vld [tilespmem:s16+$0xFFFFFF20]  }
0x111: {  	v5 =	vadd.f32 v5, v6;
	v6 =	vmul.f32 v8, v7;
	v7 =	vld [tilespmem:s29+$0xFFFFFF30]  }
0x112: {  	v8 =	vld [tilespmem:s16+$0xFFFFFF30]  }
0x113: {  	v5 =	vadd.f32 v6, v5;
	v6 =	vmul.f32 v11, v10;
	v10 =	vld [tilespmem:s29+$0xFFFFFF40]  }
0x114: {  	v11 =	vld [tilespmem:s16+$0xFFFFFF40]  }
0x115: {  	v5 =	vadd.f32 v6, v5;
	v4 =	vmul.f32 v4, v9;
	v6 =	vld [tilespmem:s29+$0xFFFFFF50]  }
0x116: {  	v9 =	vld [tilespmem:s16+$0xFFFFFF50]  }
0x117: {  	v4 =	vadd.f32 v4, v5;
	v5 =	vmul.f32 v8, v7;
	v7 =	vld [tilespmem:s29+$0xFFFFFF60]  }
0x118: {  	v8 =	vld [tilespmem:s16+$0xFFFFFF60]  }
0x119: {  	v4 =	vadd.f32 v5, v4;
	v5 =	vmul.f32 v11, v10;
	v10 =	vld [tilespmem:s29+$0xFFFFFF70];
	v11, _, _ =	vpop (xrf2)  }
0x11a: {  	v13 =	vmov s26;
	s26 =	smov.u32 s24;
	s24 =	smov.u32 s11;
	v12 =	vld [tilespmem:s16+$0xFFFFFF70];
	v11 =	vbroadcast v11, $0xF  }
0x11b: {  	vm0 =	veq.s32 v13, v0;
	v4 =	vadd.f32 v5, v4;
	v5 =	vmul.f32 v9, v6;
	v6 =	vld [tilespmem:s29+$0xFFFFFF80]  }
0x11c: {  	v9 =	vld [tilespmem:s16+$0xFFFFFF80];
	v3 =	vsel vm0, v11, v3  }
0x11d: {  	v4 =	vadd.f32 v5, v4;
	v5 =	vmul.f32 v8, v7;
	v7 =	vld [tilespmem:s29+$0xFFFFFF90]  }
0x11e: {  	v8 =	vld [tilespmem:s16+$0xFFFFFF90]  }
0x11f: {  	v4 =	vadd.f32 v5, v4;
	v5 =	vmul.f32 v12, v10;
	v10 =	vld [tilespmem:s29+$0xFFFFFFA0]  }
0x120: {  	v11 =	vld [tilespmem:s16+$0xFFFFFFA0]  }
0x121: {  	v4 =	vadd.f32 v5, v4;
	v5 =	vmul.f32 v9, v6;
	v6 =	vld [tilespmem:s29+$0xFFFFFFB0]  }
0x122: {  	v9 =	vld [tilespmem:s16+$0xFFFFFFB0]  }
0x123: {  	v4 =	vadd.f32 v5, v4;
	v5 =	vmul.f32 v8, v7;
	v7 =	vld [tilespmem:s29+$0xFFFFFFC0]  }
0x124: {  	v8 =	vld [tilespmem:s16+$0xFFFFFFC0]  }
0x125: {  	v4 =	vadd.f32 v5, v4;
	v5 =	vmul.f32 v11, v10;
	v10 =	vld [tilespmem:s29+$0xFFFFFFD0]  }
0x126: {  	v11 =	vld [tilespmem:s16+$0xFFFFFFD0]  }
0x127: {  	v4 =	vadd.f32 v5, v4;
	v5 =	vmul.f32 v9, v6;
	v6 =	vld [tilespmem:s29+$0xFFFFFFE0]  }
0x128: {  	v9 =	vld [tilespmem:s16+$0xFFFFFFE0]  }
0x129: {  	v4 =	vadd.f32 v5, v4;
	v5 =	vmul.f32 v8, v7;
	v7 =	vld [tilespmem:s29+$0xFFFFFFF0]  }
0x12a: {  	v12 =	vld [tilespmem:s16+$0xFFFFFFF0]  }
0x12b: {  	v13 =	vadd.f32 v5, v4;
	v10 =	vmul.f32 v11, v10;
	v4 =	vld [tilespmem:s29+$0x0]  }
.Ltmp3:
0x12c: {  	s29 =	sadd.s32 $0x140, s29;
	v5 =	vld [tilespmem:s16+$0x0];
	(pc) =	sbr.rel @p0 .LBB2_5-.Ltmp3, $4  }
0x12d: {  	s16 =	sadd.s32 $0x140, s16;
	v8 =	vld [tilespmem:s29+$0xFFFFFED0];
	v11 =	vadd.f32 v10, v13;
	v6 =	vmul.f32 v9, v6  }
0x12e: {  	v10 =	vld [tilespmem:s16+$0xFFFFFED0]  }
0x12f: {  	v9 =	vld [tilespmem:s29+$0xFFFFFEE0];
	v6 =	vadd.f32 v6, v11;
	v7 =	vmul.f32 v12, v7  }
0x130: {  	s11 =	sadd.s32 $0x1, s11;
	v11 =	vld [tilespmem:s16+$0xFFFFFEE0]  }
0x131: {  	v12 =	vld [tilespmem:s29+$0xFFFFFEF0]  }
0x132: {  	v13 =	vld [tilespmem:s16+$0xFFFFFEF0]  }
0x133: {  	v14 =	vld [tilespmem:s29+$0xFFFFFF00]  }
0x134: {  	v15 =	vld [tilespmem:s16+$0xFFFFFF00]  }
0x135: {  	v8 =	vmul.f32 v10, v8;
	v10 =	vld [tilespmem:s29+$0xFFFFFF10];
	v9 =	vmul.f32 v11, v9  }
0x136: {  	v11 =	vld [tilespmem:s16+$0xFFFFFF10]  }
0x137: {  	v41 =	vld [tilespmem:s29+$0xFFFFFF20];
	v8 =	vadd.f32 v9, v8;
	v9 =	vmul.f32 v13, v12  }
0x138: {  	v42 =	vld [tilespmem:s16+$0xFFFFFF20]  }
0x139: {  	v43 =	vld [tilespmem:s29+$0xFFFFFF30];
	v8 =	vadd.f32 v9, v8;
	v9 =	vmul.f32 v15, v14  }
0x13a: {  	v44 =	vld [tilespmem:s16+$0xFFFFFF30]  }
0x13b: {  	v8 =	vadd.f32 v9, v8;
	v9 =	vmul.f32 v11, v10;
	v10 =	vld [tilespmem:s29+$0xFFFFFF40]  }
0x13c: {  	v11 =	vld [tilespmem:s16+$0xFFFFFF40]  }
0x13d: {  	v45 =	vld [tilespmem:s29+$0xFFFFFF50];
	v8 =	vadd.f32 v9, v8;
	v9 =	vmul.f32 v42, v41  }
0x13e: {  	v46 =	vld [tilespmem:s16+$0xFFFFFF50]  }
0x13f: {  	v47 =	vld [tilespmem:s29+$0xFFFFFF60];
	v8 =	vadd.f32 v9, v8;
	v9 =	vmul.f32 v44, v43  }
0x140: {  	v48 =	vld [tilespmem:s16+$0xFFFFFF60]  }
0x141: {  	v8 =	vadd.f32 v9, v8;
	v9 =	vmul.f32 v11, v10;
	v10 =	vld [tilespmem:s29+$0xFFFFFF70]  }
0x142: {  	v11 =	vld [tilespmem:s16+$0xFFFFFF70]  }
0x143: {  	v49 =	vld [tilespmem:s29+$0xFFFFFF80];
	v8 =	vadd.f32 v9, v8;
	v9 =	vmul.f32 v46, v45  }
0x144: {  	v50 =	vld [tilespmem:s16+$0xFFFFFF80]  }
0x145: {  	v51 =	vld [tilespmem:s29+$0xFFFFFF90];
	v8 =	vadd.f32 v9, v8;
	v9 =	vmul.f32 v48, v47  }
0x146: {  	v52 =	vld [tilespmem:s16+$0xFFFFFF90]  }
0x147: {  	v8 =	vadd.f32 v9, v8;
	v9 =	vmul.f32 v11, v10;
	v10 =	vld [tilespmem:s29+$0xFFFFFFA0]  }
0x148: {  	v11 =	vld [tilespmem:s16+$0xFFFFFFA0]  }
0x149: {  	v53 =	vld [tilespmem:s29+$0xFFFFFFB0];
	v8 =	vadd.f32 v9, v8;
	v9 =	vmul.f32 v50, v49  }
0x14a: {  	v54 =	vld [tilespmem:s16+$0xFFFFFFB0]  }
0x14b: {  	v55 =	vld [tilespmem:s29+$0xFFFFFFC0];
	v8 =	vadd.f32 v9, v8;
	v9 =	vmul.f32 v52, v51  }
0x14c: {  	v56 =	vld [tilespmem:s16+$0xFFFFFFC0]  }
0x14d: {  	v8 =	vadd.f32 v9, v8;
	v9 =	vmul.f32 v11, v10;
	v10 =	vld [tilespmem:s29+$0xFFFFFFD0]  }
0x14e: {  	v11 =	vld [tilespmem:s16+$0xFFFFFFD0]  }
0x14f: {  	v57 =	vld [tilespmem:s29+$0xFFFFFFE0];
	v8 =	vadd.f32 v9, v8;
	v9 =	vmul.f32 v54, v53  }
0x150: {  	v58 =	vld [tilespmem:s16+$0xFFFFFFE0]  }
0x151: {  	v59 =	vld [tilespmem:s29+$0xFFFFFFF0];
	v8 =	vadd.f32 v9, v8;
	v9 =	vmul.f32 v56, v55  }
0x152: {  	v60 =	vld [tilespmem:s16+$0xFFFFFFF0]  }
0x153: {  	v8 =	vadd.f32 v9, v8;
	v9 =	vmul.f32 v11, v10;
	v10 =	vld [tilespmem:s29+$0x0]  }
0x154: {  	v11 =	vld [tilespmem:s16+$0x0]  }
0x155: {  	v8 =	vadd.f32 v9, v8;
	v9 =	vmul.f32 v58, v57;
	_ =	sdelay $0x1  }
0x156: {  	v8 =	vadd.f32 v9, v8;
	v9 =	vmul.f32 v60, v59  }
0x157: {  	v6 =	vadd.f32 v7, v6;
	v4 =	vmul.f32 v5, v4  }
0x158: {  	v7 =	vmul.f32 v11, v10;
	v5 =	vadd.f32 v9, v8  }
0x159: {  	v4 =	vadd.f32 v4, v6  }
0x15a: {  	v5 =	vadd.f32 v7, v5  }
0x15b: {  	v4 =	vmul.f32 v4, v1  }
0x15c: {  	v5 =	vmul.f32 v5, v1  }
0x15d: {  	(xrf2) =	vadd.scan.msk.f32 $0xffff, v4  }
0x15e: {  	(xrf2) =	vadd.scan.msk.f32 $0xffff, v5;
	_ =	sdelay $0x8  }
0x15f: {  	v4, _, _ =	vpop (xrf2)  }
0x160: {  	v4 =	vbroadcast v4, $0xF;
	v5 =	vmov s26;
	v6, _, _ =	vpop (xrf2)  }
0x161: {  	vm0 =	veq.s32 v5, v0;
	v5 =	vmov s24;
	v6 =	vbroadcast v6, $0xF  }
0x162: {  	v3 =	vsel vm0, v4, v3;
	vm15 =	veq.s32 v5, v0  }
0x163: {  	p0 =	seq.s32 s20, $0x7;
	v3 =	vsel vm15, v6, v3  }
0x164: {  	s11 =	smul.u32 @!p0 $0x500, s20;
	v3 =	vadd.f32 v3, v2;
	_ =	sdelay $0x1  }
0x165: {  	s16 =	sadd.s32 @!p0 $0x500, s11;
	s26 =	simm.s32 @!p0 $0x5000;
	s24 =	simm.s32 @!p0 $0x80;
	[tilespmem:s22+$0xF030] =	vst v3  }
0x166: {  	[tilespmem:s26], [sflag:$0x1] =	stream.indirect.gather @!p0 [hbm4b:s4+s24], $0x10, s16, s24, $0xb8;
	[tilespmem:$0xF220] =	vst v63  }
0x167: {  	s16 =	sadd.s32 @!p0 $0x2D00, s11;
	s26 =	simm.s32 @!p0 $0xA000  }
0x168: {  	[tilespmem:s26], [sflag:$0x3] =	stream.indirect.gather @!p0 [hbm4b:s5+s24], $0x10, s16, s24, $0xb8;
	[tilespmem:$0xF220] =	vst v63  }
0x169: {  	s16 =	sadd.s32 @!p0 $0x580, s11;
	s26 =	simm.s32 @!p0 $0x5800  }
0x16a: {  	[tilespmem:s26], [sflag:$0x1] =	stream.indirect.gather @!p0 [hbm4b:s4+s24], $0x10, s16, s24, $0xb8;
	[tilespmem:$0xF220] =	vst v63  }
0x16b: {  	s16 =	sadd.s32 @!p0 $0x2D80, s11;
	s26 =	simm.s32 @!p0 $0xA800  }
0x16c: {  	[tilespmem:s26], [sflag:$0x3] =	stream.indirect.gather @!p0 [hbm4b:s5+s24], $0x10, s16, s24, $0xb8;
	[tilespmem:$0xF220] =	vst v63  }
0x16d: {  	s16 =	sadd.s32 @!p0 $0x600, s11;
	s26 =	simm.s32 @!p0 $0x6000  }
0x16e: {  	[tilespmem:s26], [sflag:$0x1] =	stream.indirect.gather @!p0 [hbm4b:s4+s24], $0x10, s16, s24, $0xb8;
	[tilespmem:$0xF220] =	vst v63  }
0x16f: {  	s16 =	sadd.s32 @!p0 $0x2E00, s11;
	s26 =	simm.s32 @!p0 $0xB000  }
0x170: {  	[tilespmem:s26], [sflag:$0x3] =	stream.indirect.gather @!p0 [hbm4b:s5+s24], $0x10, s16, s24, $0xb8;
	[tilespmem:$0xF220] =	vst v63  }
0x171: {  	s16 =	sadd.s32 @!p0 $0x680, s11;
	s26 =	simm.s32 @!p0 $0x6800  }
0x172: {  	[tilespmem:s26], [sflag:$0x1] =	stream.indirect.gather @!p0 [hbm4b:s4+s24], $0x10, s16, s24, $0xb8;
	[tilespmem:$0xF220] =	vst v63  }
0x173: {  	s16 =	sadd.s32 @!p0 $0x2E80, s11;
	s26 =	simm.s32 @!p0 $0xB800  }
0x174: {  	[tilespmem:s26], [sflag:$0x3] =	stream.indirect.gather @!p0 [hbm4b:s5+s24], $0x10, s16, s24, $0xb8;
	[tilespmem:$0xF220] =	vst v63  }
0x175: {  	s16 =	sadd.s32 @!p0 $0x700, s11;
	s26 =	simm.s32 @!p0 $0x7000  }
0x176: {  	[tilespmem:s26], [sflag:$0x1] =	stream.indirect.gather @!p0 [hbm4b:s4+s24], $0x10, s16, s24, $0xb8;
	[tilespmem:$0xF220] =	vst v63  }
0x177: {  	s11 =	sadd.s32 @!p0 $0x2F00, s11;
	s16 =	simm.s32 @!p0 $0xC000  }
0x178: {  	[tilespmem:s16], [sflag:$0x3] =	stream.indirect.gather @!p0 [hbm4b:s5+s24], $0x10, s11, s24, $0xb8;
	[tilespmem:$0xF220] =	vst v63  }
0x179: {  	_ =	swait.ge [sflag:s1], $0x2800  }
0x17a: {  	[sflag:s1] =	ssyncset.done $0x0  }
0x17b: {  	[sflag:s1] =	ssyncadd.s32 $0xFFFFD800  }
0x17c: {  	_ =	swait.ge [sflag:s14], $0x2800  }
0x17d: {  	[sflag:s14] =	ssyncset.done $0x0  }
0x17e: {  	s24 =	simm.s32 $0x78A0;
	[sflag:s14] =	ssyncadd.s32 $0xFFFFD800  }
0x17f: {  	s26 =	simm.s32 $0xC8A0;
	v3 =	vld [tilespmem:s24+$0xFFFFFF60]  }
0x180: {  	v4 =	vld [tilespmem:s26+$0xFFFFFF60]  }
0x181: {  	v5 =	vld [tilespmem:s24+$0xFFFFFF70]  }
0x182: {  	v6 =	vld [tilespmem:s26+$0xFFFFFF70]  }
0x183: {  	v7 =	vld [tilespmem:s24+$0xFFFFFF80]  }
0x184: {  	v8 =	vld [tilespmem:s26+$0xFFFFFF80]  }
0x185: {  	v9 =	vld [tilespmem:s24+$0xFFFFFF90]  }
0x186: {  	v10 =	vld [tilespmem:s26+$0xFFFFFF90]  }
0x187: {  	v11 =	vld [tilespmem:s24+$0xFFFFFFA0];
	v3 =	vmul.f32 v4, v3;
	v4 =	vmul.f32 v6, v5  }
0x188: {  	v5 =	vld [tilespmem:s26+$0xFFFFFFA0]  }
0x189: {  	v6 =	vld [tilespmem:s24+$0xFFFFFFB0];
	v3 =	vadd.f32 v4, v3;
	v4 =	vmul.f32 v8, v7  }
0x18a: {  	v7 =	vld [tilespmem:s26+$0xFFFFFFB0]  }
0x18b: {  	v8 =	vld [tilespmem:s24+$0xFFFFFFC0];
	v3 =	vadd.f32 v4, v3;
	v4 =	vmul.f32 v10, v9  }
0x18c: {  	v9 =	vld [tilespmem:s26+$0xFFFFFFC0]  }
0x18d: {  	v10 =	vld [tilespmem:s24+$0xFFFFFFD0];
	v3 =	vadd.f32 v4, v3;
	v4 =	vmul.f32 v5, v11  }
0x18e: {  	v5 =	vld [tilespmem:s26+$0xFFFFFFD0]  }
0x18f: {  	v11 =	vld [tilespmem:s24+$0xFFFFFFE0];
	v3 =	vadd.f32 v4, v3;
	v4 =	vmul.f32 v7, v6  }
0x190: {  	v6 =	vld [tilespmem:s26+$0xFFFFFFE0]  }
0x191: {  	v7 =	vld [tilespmem:s24+$0xFFFFFFF0];
	v3 =	vadd.f32 v4, v3;
	v4 =	vmul.f32 v9, v8  }
0x192: {  	v8 =	vld [tilespmem:s26+$0xFFFFFFF0]  }
0x193: {  	v9 =	vld [tilespmem:s24+$0x0];
	v3 =	vadd.f32 v4, v3;
	v4 =	vmul.f32 v5, v10  }
0x194: {  	v5 =	vld [tilespmem:s26+$0x0]  }
0x195: {  	v10 =	vld [tilespmem:s24+$0x10];
	v3 =	vadd.f32 v4, v3;
	v4 =	vmul.f32 v6, v11  }
0x196: {  	v6 =	vld [tilespmem:s26+$0x10]  }
0x197: {  	v11 =	vld [tilespmem:s24+$0x20];
	v3 =	vadd.f32 v4, v3;
	v4 =	vmul.f32 v8, v7  }
0x198: {  	v7 =	vld [tilespmem:s26+$0x20]  }
0x199: {  	v8 =	vld [tilespmem:s24+$0x30];
	v3 =	vadd.f32 v4, v3;
	v4 =	vmul.f32 v5, v9  }
0x19a: {  	v5 =	vld [tilespmem:s26+$0x30]  }
0x19b: {  	v9 =	vld [tilespmem:s24+$0x40];
	v3 =	vadd.f32 v4, v3;
	v4 =	vmul.f32 v6, v10  }
0x19c: {  	v6 =	vld [tilespmem:s26+$0x40]  }
0x19d: {  	v10 =	vld [tilespmem:s24+$0x50];
	v3 =	vadd.f32 v4, v3;
	v4 =	vmul.f32 v7, v11  }
0x19e: {  	v7 =	vld [tilespmem:s26+$0x50]  }
0x19f: {  	v11 =	vld [tilespmem:s24+$0x60];
	v3 =	vadd.f32 v4, v3;
	v4 =	vmul.f32 v5, v8  }
0x1a0: {  	v5 =	vld [tilespmem:s26+$0x60]  }
0x1a1: {  	v61 =	vld [tilespmem:s24+$0x70];
	v3 =	vadd.f32 v4, v3;
	v4 =	vmul.f32 v6, v9  }
0x1a2: {  	v6 =	vld [tilespmem:s26+$0x70]  }
0x1a3: {  	v62 =	vld [tilespmem:s24+$0x80];
	v7 =	vmul.f32 v7, v10;
	v3 =	vadd.f32 v4, v3  }
0x1a4: {  	v63 =	vld [tilespmem:s26+$0x80]  }
0x1a5: {  	v4 =	vld [tilespmem:s24+$0x90];
	v3 =	vadd.f32 v7, v3;
	v7 =	vmul.f32 v5, v11  }
0x1a6: {  	s29 =	simm.s32 $0x79E0;
	v5 =	vld [tilespmem:s26+$0x90]  }
0x1a7: {  	v8 =	vld [tilespmem:s29+$0xFFFFFF60];
	v6 =	vmul.f32 v6, v61;
	v7 =	vadd.f32 v7, v3  }
0x1a8: {  	s16 =	simm.s32 $0xC9E0;
	v9 =	vld [tilespmem:s29+$0xFFFFFF70]  }
0x1a9: {  	v10 =	vld [tilespmem:s16+$0xFFFFFF60];
	v6 =	vadd.f32 v6, v7;
	v7 =	vmul.f32 v63, v62  }
0x1aa: {  	s11 =	simm.s32 $0x2;
	s24 =	simm.s32 $0x1;
	s26 =	simm.s32 $0x0;
	v11 =	vld [tilespmem:s16+$0xFFFFFF70];
	v3 =	vimm.f32 $0.0e+00  }
.LBB2_7:
0x1ab: {  	p1 =	sne.s32 s11, $0xF;
	v12 =	vld [tilespmem:s29+$0xFFFFFF80];
	v6 =	vadd.f32 v7, v6;
	v4 =	vmul.f32 v5, v4  }
0x1ac: {  	v5 =	vld [tilespmem:s16+$0xFFFFFF80]  }
0x1ad: {  	v7 =	vld [tilespmem:s29+$0xFFFFFF90];
	v4 =	vadd.f32 v4, v6  }
0x1ae: {  	v6 =	vmul.f32 v10, v8;
	v8 =	vld [tilespmem:s16+$0xFFFFFF90]  }
0x1af: {  	v9 =	vmul.f32 v11, v9;
	v10 =	vld [tilespmem:s29+$0xFFFFFFA0];
	v4 =	vmul.f32 v4, v1  }
0x1b0: {  	v11 =	vld [tilespmem:s16+$0xFFFFFFA0]  }
0x1b1: {  	v6 =	vadd.f32 v9, v6;
	v5 =	vmul.f32 v5, v12;
	v9 =	vld [tilespmem:s29+$0xFFFFFFB0];
	(xrf2) =	vadd.scan.msk.f32 $0xffff, v4  }
0x1b2: {  	v4 =	vld [tilespmem:s16+$0xFFFFFFB0]  }
0x1b3: {  	v5 =	vadd.f32 v5, v6;
	v6 =	vmul.f32 v8, v7;
	v7 =	vld [tilespmem:s29+$0xFFFFFFC0]  }
0x1b4: {  	v8 =	vld [tilespmem:s16+$0xFFFFFFC0]  }
0x1b5: {  	v5 =	vadd.f32 v6, v5;
	v6 =	vmul.f32 v11, v10;
	v10 =	vld [tilespmem:s29+$0xFFFFFFD0]  }
0x1b6: {  	v11 =	vld [tilespmem:s16+$0xFFFFFFD0]  }
0x1b7: {  	v5 =	vadd.f32 v6, v5;
	v4 =	vmul.f32 v4, v9;
	v6 =	vld [tilespmem:s29+$0xFFFFFFE0]  }
0x1b8: {  	v9 =	vld [tilespmem:s16+$0xFFFFFFE0]  }
0x1b9: {  	v4 =	vadd.f32 v4, v5;
	v5 =	vmul.f32 v8, v7;
	v7 =	vld [tilespmem:s29+$0xFFFFFFF0]  }
0x1ba: {  	v8 =	vld [tilespmem:s16+$0xFFFFFFF0]  }
0x1bb: {  	v4 =	vadd.f32 v5, v4;
	v5 =	vmul.f32 v11, v10;
	v10 =	vld [tilespmem:s29+$0x0];
	v11, _, _ =	vpop (xrf2)  }
0x1bc: {  	v13 =	vmov s26;
	s26 =	smov.u32 s24;
	s24 =	smov.u32 s11;
	v12 =	vld [tilespmem:s16+$0x0];
	v11 =	vbroadcast v11, $0xF  }
0x1bd: {  	vm0 =	veq.s32 v13, v0;
	v4 =	vadd.f32 v5, v4;
	v5 =	vmul.f32 v9, v6;
	v6 =	vld [tilespmem:s29+$0x10]  }
0x1be: {  	v9 =	vld [tilespmem:s16+$0x10];
	v3 =	vsel vm0, v11, v3  }
0x1bf: {  	v4 =	vadd.f32 v5, v4;
	v5 =	vmul.f32 v8, v7;
	v7 =	vld [tilespmem:s29+$0x20]  }
0x1c0: {  	v8 =	vld [tilespmem:s16+$0x20]  }
0x1c1: {  	v4 =	vadd.f32 v5, v4;
	v5 =	vmul.f32 v12, v10;
	v10 =	vld [tilespmem:s29+$0x30]  }
0x1c2: {  	v11 =	vld [tilespmem:s16+$0x30]  }
0x1c3: {  	v4 =	vadd.f32 v5, v4;
	v5 =	vmul.f32 v9, v6;
	v6 =	vld [tilespmem:s29+$0x40]  }
0x1c4: {  	v9 =	vld [tilespmem:s16+$0x40]  }
0x1c5: {  	v4 =	vadd.f32 v5, v4;
	v5 =	vmul.f32 v8, v7;
	v7 =	vld [tilespmem:s29+$0x50]  }
0x1c6: {  	v8 =	vld [tilespmem:s16+$0x50]  }
0x1c7: {  	v4 =	vadd.f32 v5, v4;
	v5 =	vmul.f32 v11, v10;
	v10 =	vld [tilespmem:s29+$0x60]  }
0x1c8: {  	v11 =	vld [tilespmem:s16+$0x60]  }
0x1c9: {  	v4 =	vadd.f32 v5, v4;
	v5 =	vmul.f32 v9, v6;
	v6 =	vld [tilespmem:s29+$0x70]  }
0x1ca: {  	v9 =	vld [tilespmem:s16+$0x70]  }
0x1cb: {  	v4 =	vadd.f32 v5, v4;
	v5 =	vmul.f32 v8, v7;
	v7 =	vld [tilespmem:s29+$0x80]  }
0x1cc: {  	v12 =	vld [tilespmem:s16+$0x80]  }
0x1cd: {  	v13 =	vadd.f32 v5, v4;
	v10 =	vmul.f32 v11, v10;
	v4 =	vld [tilespmem:s29+$0x90]  }
.Ltmp4:
0x1ce: {  	s29 =	sadd.s32 $0x140, s29;
	v5 =	vld [tilespmem:s16+$0x90];
	(pc) =	sbr.rel @p1 .LBB2_7-.Ltmp4, $4  }
0x1cf: {  	s16 =	sadd.s32 $0x140, s16;
	v8 =	vld [tilespmem:s29+$0xFFFFFF60];
	v11 =	vadd.f32 v10, v13;
	v6 =	vmul.f32 v9, v6  }
0x1d0: {  	v10 =	vld [tilespmem:s16+$0xFFFFFF60]  }
0x1d1: {  	v9 =	vld [tilespmem:s29+$0xFFFFFF70];
	v6 =	vadd.f32 v6, v11;
	v7 =	vmul.f32 v12, v7  }
0x1d2: {  	s11 =	sadd.s32 $0x1, s11;
	v11 =	vld [tilespmem:s16+$0xFFFFFF70]  }
0x1d3: {  	v12 =	vld [tilespmem:s29+$0xFFFFFF80]  }
0x1d4: {  	v13 =	vld [tilespmem:s16+$0xFFFFFF80]  }
0x1d5: {  	v14 =	vld [tilespmem:s29+$0xFFFFFF90]  }
0x1d6: {  	v15 =	vld [tilespmem:s16+$0xFFFFFF90]  }
0x1d7: {  	v8 =	vmul.f32 v10, v8;
	v10 =	vld [tilespmem:s29+$0xFFFFFFA0];
	v9 =	vmul.f32 v11, v9  }
0x1d8: {  	v11 =	vld [tilespmem:s16+$0xFFFFFFA0]  }
0x1d9: {  	v41 =	vld [tilespmem:s29+$0xFFFFFFB0];
	v8 =	vadd.f32 v9, v8;
	v9 =	vmul.f32 v13, v12  }
0x1da: {  	v42 =	vld [tilespmem:s16+$0xFFFFFFB0]  }
0x1db: {  	v43 =	vld [tilespmem:s29+$0xFFFFFFC0];
	v8 =	vadd.f32 v9, v8;
	v9 =	vmul.f32 v15, v14  }
0x1dc: {  	v44 =	vld [tilespmem:s16+$0xFFFFFFC0]  }
0x1dd: {  	v8 =	vadd.f32 v9, v8;
	v9 =	vmul.f32 v11, v10;
	v10 =	vld [tilespmem:s29+$0xFFFFFFD0]  }
0x1de: {  	v11 =	vld [tilespmem:s16+$0xFFFFFFD0]  }
0x1df: {  	v45 =	vld [tilespmem:s29+$0xFFFFFFE0];
	v8 =	vadd.f32 v9, v8;
	v9 =	vmul.f32 v42, v41  }
0x1e0: {  	v46 =	vld [tilespmem:s16+$0xFFFFFFE0]  }
0x1e1: {  	v47 =	vld [tilespmem:s29+$0xFFFFFFF0];
	v8 =	vadd.f32 v9, v8;
	v9 =	vmul.f32 v44, v43  }
0x1e2: {  	v48 =	vld [tilespmem:s16+$0xFFFFFFF0]  }
0x1e3: {  	v8 =	vadd.f32 v9, v8;
	v9 =	vmul.f32 v11, v10;
	v10 =	vld [tilespmem:s29+$0x0]  }
0x1e4: {  	v11 =	vld [tilespmem:s16+$0x0]  }
0x1e5: {  	v49 =	vld [tilespmem:s29+$0x10];
	v8 =	vadd.f32 v9, v8;
	v9 =	vmul.f32 v46, v45  }
0x1e6: {  	v50 =	vld [tilespmem:s16+$0x10]  }
0x1e7: {  	v51 =	vld [tilespmem:s29+$0x20];
	v8 =	vadd.f32 v9, v8;
	v9 =	vmul.f32 v48, v47  }
0x1e8: {  	v52 =	vld [tilespmem:s16+$0x20]  }
0x1e9: {  	v8 =	vadd.f32 v9, v8;
	v9 =	vmul.f32 v11, v10;
	v10 =	vld [tilespmem:s29+$0x30]  }
0x1ea: {  	v11 =	vld [tilespmem:s16+$0x30]  }
0x1eb: {  	v53 =	vld [tilespmem:s29+$0x40];
	v8 =	vadd.f32 v9, v8;
	v9 =	vmul.f32 v50, v49  }
0x1ec: {  	v54 =	vld [tilespmem:s16+$0x40]  }
0x1ed: {  	v55 =	vld [tilespmem:s29+$0x50];
	v8 =	vadd.f32 v9, v8;
	v9 =	vmul.f32 v52, v51  }
0x1ee: {  	v56 =	vld [tilespmem:s16+$0x50]  }
0x1ef: {  	v8 =	vadd.f32 v9, v8;
	v9 =	vmul.f32 v11, v10;
	v10 =	vld [tilespmem:s29+$0x60]  }
0x1f0: {  	v11 =	vld [tilespmem:s16+$0x60]  }
0x1f1: {  	v57 =	vld [tilespmem:s29+$0x70];
	v8 =	vadd.f32 v9, v8;
	v9 =	vmul.f32 v54, v53  }
0x1f2: {  	v58 =	vld [tilespmem:s16+$0x70]  }
0x1f3: {  	v59 =	vld [tilespmem:s29+$0x80];
	v8 =	vadd.f32 v9, v8;
	v9 =	vmul.f32 v56, v55  }
0x1f4: {  	v60 =	vld [tilespmem:s16+$0x80]  }
0x1f5: {  	v8 =	vadd.f32 v9, v8;
	v9 =	vmul.f32 v11, v10;
	v10 =	vld [tilespmem:s29+$0x90]  }
0x1f6: {  	v11 =	vld [tilespmem:s16+$0x90]  }
0x1f7: {  	v8 =	vadd.f32 v9, v8;
	v9 =	vmul.f32 v58, v57;
	_ =	sdelay $0x1  }
0x1f8: {  	v8 =	vadd.f32 v9, v8;
	v9 =	vmul.f32 v60, v59  }
0x1f9: {  	v6 =	vadd.f32 v7, v6;
	v4 =	vmul.f32 v5, v4  }
0x1fa: {  	v7 =	vmul.f32 v11, v10;
	v5 =	vadd.f32 v9, v8  }
0x1fb: {  	v4 =	vadd.f32 v4, v6  }
0x1fc: {  	v5 =	vadd.f32 v7, v5  }
0x1fd: {  	v4 =	vmul.f32 v4, v1  }
0x1fe: {  	v5 =	vmul.f32 v5, v1  }
0x1ff: {  	(xrf2) =	vadd.scan.msk.f32 $0xffff, v4  }
0x200: {  	(xrf2) =	vadd.scan.msk.f32 $0xffff, v5;
	_ =	sdelay $0x8  }
0x201: {  	v4, _, _ =	vpop (xrf2)  }
0x202: {  	v4 =	vbroadcast v4, $0xF;
	v5 =	vmov s26;
	v6, _, _ =	vpop (xrf2)  }
0x203: {  	vm0 =	veq.s32 v5, v0;
	v5 =	vmov s24;
	v6 =	vbroadcast v6, $0xF  }
0x204: {  	v3 =	vsel vm0, v4, v3;
	vm15 =	veq.s32 v5, v0  }
0x205: {  	v3 =	vsel vm15, v6, v3  }
0x206: {  	v3 =	vadd.f32 v3, v2;
	_ =	sdelay $0x1  }
0x207: {  	s26 =	simm.s32 $0x8D30;
	[tilespmem:s22+$0xF040] =	vst v3  }
0x208: {  	s11 =	simm.s32 $0xDD30;
	v3 =	vld [tilespmem:s26+$0xFFFFFED0]  }
0x209: {  	v4 =	vld [tilespmem:s11+$0xFFFFFED0]  }
0x20a: {  	v5 =	vld [tilespmem:s26+$0xFFFFFEE0]  }
0x20b: {  	v6 =	vld [tilespmem:s11+$0xFFFFFEE0]  }
0x20c: {  	v7 =	vld [tilespmem:s26+$0xFFFFFEF0]  }
0x20d: {  	v8 =	vld [tilespmem:s11+$0xFFFFFEF0]  }
0x20e: {  	v9 =	vld [tilespmem:s26+$0xFFFFFF00]  }
0x20f: {  	v10 =	vld [tilespmem:s11+$0xFFFFFF00]  }
0x210: {  	v11 =	vld [tilespmem:s26+$0xFFFFFF10];
	v3 =	vmul.f32 v4, v3;
	v4 =	vmul.f32 v6, v5  }
0x211: {  	v5 =	vld [tilespmem:s11+$0xFFFFFF10]  }
0x212: {  	v6 =	vld [tilespmem:s26+$0xFFFFFF20];
	v3 =	vadd.f32 v4, v3;
	v4 =	vmul.f32 v8, v7  }
0x213: {  	v7 =	vld [tilespmem:s11+$0xFFFFFF20]  }
0x214: {  	v8 =	vld [tilespmem:s26+$0xFFFFFF30];
	v3 =	vadd.f32 v4, v3;
	v4 =	vmul.f32 v10, v9  }
0x215: {  	v9 =	vld [tilespmem:s11+$0xFFFFFF30]  }
0x216: {  	v10 =	vld [tilespmem:s26+$0xFFFFFF40];
	v3 =	vadd.f32 v4, v3;
	v4 =	vmul.f32 v5, v11  }
0x217: {  	v5 =	vld [tilespmem:s11+$0xFFFFFF40]  }
0x218: {  	v11 =	vld [tilespmem:s26+$0xFFFFFF50];
	v3 =	vadd.f32 v4, v3;
	v4 =	vmul.f32 v7, v6  }
0x219: {  	v6 =	vld [tilespmem:s11+$0xFFFFFF50]  }
0x21a: {  	v7 =	vld [tilespmem:s26+$0xFFFFFF60];
	v3 =	vadd.f32 v4, v3;
	v4 =	vmul.f32 v9, v8  }
0x21b: {  	v8 =	vld [tilespmem:s11+$0xFFFFFF60]  }
0x21c: {  	v9 =	vld [tilespmem:s26+$0xFFFFFF70];
	v3 =	vadd.f32 v4, v3;
	v4 =	vmul.f32 v5, v10  }
0x21d: {  	v5 =	vld [tilespmem:s11+$0xFFFFFF70]  }
0x21e: {  	v10 =	vld [tilespmem:s26+$0xFFFFFF80];
	v3 =	vadd.f32 v4, v3;
	v4 =	vmul.f32 v6, v11  }
0x21f: {  	v6 =	vld [tilespmem:s11+$0xFFFFFF80]  }
0x220: {  	v11 =	vld [tilespmem:s26+$0xFFFFFF90];
	v3 =	vadd.f32 v4, v3;
	v4 =	vmul.f32 v8, v7  }
0x221: {  	v7 =	vld [tilespmem:s11+$0xFFFFFF90]  }
0x222: {  	v8 =	vld [tilespmem:s26+$0xFFFFFFA0];
	v3 =	vadd.f32 v4, v3;
	v4 =	vmul.f32 v5, v9  }
0x223: {  	v5 =	vld [tilespmem:s11+$0xFFFFFFA0]  }
0x224: {  	v9 =	vld [tilespmem:s26+$0xFFFFFFB0];
	v3 =	vadd.f32 v4, v3;
	v4 =	vmul.f32 v6, v10  }
0x225: {  	v6 =	vld [tilespmem:s11+$0xFFFFFFB0]  }
0x226: {  	v10 =	vld [tilespmem:s26+$0xFFFFFFC0];
	v3 =	vadd.f32 v4, v3;
	v4 =	vmul.f32 v7, v11  }
0x227: {  	v7 =	vld [tilespmem:s11+$0xFFFFFFC0]  }
0x228: {  	v11 =	vld [tilespmem:s26+$0xFFFFFFD0];
	v3 =	vadd.f32 v4, v3;
	v4 =	vmul.f32 v5, v8  }
0x229: {  	v5 =	vld [tilespmem:s11+$0xFFFFFFD0]  }
0x22a: {  	v61 =	vld [tilespmem:s26+$0xFFFFFFE0];
	v3 =	vadd.f32 v4, v3;
	v4 =	vmul.f32 v6, v9  }
0x22b: {  	v6 =	vld [tilespmem:s11+$0xFFFFFFE0]  }
0x22c: {  	v62 =	vld [tilespmem:s26+$0xFFFFFFF0];
	v7 =	vmul.f32 v7, v10;
	v3 =	vadd.f32 v4, v3  }
0x22d: {  	v63 =	vld [tilespmem:s11+$0xFFFFFFF0]  }
0x22e: {  	v4 =	vld [tilespmem:s26+$0x0];
	v3 =	vadd.f32 v7, v3;
	v7 =	vmul.f32 v5, v11  }
0x22f: {  	s29 =	simm.s32 $0x8E70;
	v5 =	vld [tilespmem:s11+$0x0]  }
0x230: {  	v8 =	vld [tilespmem:s29+$0xFFFFFED0];
	v6 =	vmul.f32 v6, v61;
	v7 =	vadd.f32 v7, v3  }
0x231: {  	s16 =	simm.s32 $0xDE70;
	v9 =	vld [tilespmem:s29+$0xFFFFFEE0]  }
0x232: {  	v10 =	vld [tilespmem:s16+$0xFFFFFED0];
	v6 =	vadd.f32 v6, v7;
	v7 =	vmul.f32 v63, v62  }
0x233: {  	s24 =	simm.s32 $0x1;
	s26 =	simm.s32 $0x0;
	v11 =	vld [tilespmem:s16+$0xFFFFFEE0];
	s11 =	simm.s32 $0x2;
	v3 =	vimm.f32 $0.0e+00  }
.LBB2_9:
0x234: {  	p1 =	sne.s32 s11, $0xF;
	v12 =	vld [tilespmem:s29+$0xFFFFFEF0];
	v6 =	vadd.f32 v7, v6;
	v4 =	vmul.f32 v5, v4  }
0x235: {  	v5 =	vld [tilespmem:s16+$0xFFFFFEF0]  }
0x236: {  	v7 =	vld [tilespmem:s29+$0xFFFFFF00];
	v4 =	vadd.f32 v4, v6  }
0x237: {  	v6 =	vmul.f32 v10, v8;
	v8 =	vld [tilespmem:s16+$0xFFFFFF00]  }
0x238: {  	v9 =	vmul.f32 v11, v9;
	v10 =	vld [tilespmem:s29+$0xFFFFFF10];
	v4 =	vmul.f32 v4, v1  }
0x239: {  	v11 =	vld [tilespmem:s16+$0xFFFFFF10]  }
0x23a: {  	v6 =	vadd.f32 v9, v6;
	v5 =	vmul.f32 v5, v12;
	v9 =	vld [tilespmem:s29+$0xFFFFFF20];
	(xrf2) =	vadd.scan.msk.f32 $0xffff, v4  }
0x23b: {  	v4 =	vld [tilespmem:s16+$0xFFFFFF20]  }
0x23c: {  	v5 =	vadd.f32 v5, v6;
	v6 =	vmul.f32 v8, v7;
	v7 =	vld [tilespmem:s29+$0xFFFFFF30]  }
0x23d: {  	v8 =	vld [tilespmem:s16+$0xFFFFFF30]  }
0x23e: {  	v5 =	vadd.f32 v6, v5;
	v6 =	vmul.f32 v11, v10;
	v10 =	vld [tilespmem:s29+$0xFFFFFF40]  }
0x23f: {  	v11 =	vld [tilespmem:s16+$0xFFFFFF40]  }
0x240: {  	v5 =	vadd.f32 v6, v5;
	v4 =	vmul.f32 v4, v9;
	v6 =	vld [tilespmem:s29+$0xFFFFFF50]  }
0x241: {  	v9 =	vld [tilespmem:s16+$0xFFFFFF50]  }
0x242: {  	v4 =	vadd.f32 v4, v5;
	v5 =	vmul.f32 v8, v7;
	v7 =	vld [tilespmem:s29+$0xFFFFFF60]  }
0x243: {  	v8 =	vld [tilespmem:s16+$0xFFFFFF60]  }
0x244: {  	v4 =	vadd.f32 v5, v4;
	v5 =	vmul.f32 v11, v10;
	v10 =	vld [tilespmem:s29+$0xFFFFFF70];
	v11, _, _ =	vpop (xrf2)  }
0x245: {  	v13 =	vmov s26;
	s26 =	smov.u32 s24;
	s24 =	smov.u32 s11;
	v12 =	vld [tilespmem:s16+$0xFFFFFF70];
	v11 =	vbroadcast v11, $0xF  }
0x246: {  	vm0 =	veq.s32 v13, v0;
	v4 =	vadd.f32 v5, v4;
	v5 =	vmul.f32 v9, v6;
	v6 =	vld [tilespmem:s29+$0xFFFFFF80]  }
0x247: {  	v9 =	vld [tilespmem:s16+$0xFFFFFF80];
	v3 =	vsel vm0, v11, v3  }
0x248: {  	v4 =	vadd.f32 v5, v4;
	v5 =	vmul.f32 v8, v7;
	v7 =	vld [tilespmem:s29+$0xFFFFFF90]  }
0x249: {  	v8 =	vld [tilespmem:s16+$0xFFFFFF90]  }
0x24a: {  	v4 =	vadd.f32 v5, v4;
	v5 =	vmul.f32 v12, v10;
	v10 =	vld [tilespmem:s29+$0xFFFFFFA0]  }
0x24b: {  	v11 =	vld [tilespmem:s16+$0xFFFFFFA0]  }
0x24c: {  	v4 =	vadd.f32 v5, v4;
	v5 =	vmul.f32 v9, v6;
	v6 =	vld [tilespmem:s29+$0xFFFFFFB0]  }
0x24d: {  	v9 =	vld [tilespmem:s16+$0xFFFFFFB0]  }
0x24e: {  	v4 =	vadd.f32 v5, v4;
	v5 =	vmul.f32 v8, v7;
	v7 =	vld [tilespmem:s29+$0xFFFFFFC0]  }
0x24f: {  	v8 =	vld [tilespmem:s16+$0xFFFFFFC0]  }
0x250: {  	v4 =	vadd.f32 v5, v4;
	v5 =	vmul.f32 v11, v10;
	v10 =	vld [tilespmem:s29+$0xFFFFFFD0]  }
0x251: {  	v11 =	vld [tilespmem:s16+$0xFFFFFFD0]  }
0x252: {  	v4 =	vadd.f32 v5, v4;
	v5 =	vmul.f32 v9, v6;
	v6 =	vld [tilespmem:s29+$0xFFFFFFE0]  }
0x253: {  	v9 =	vld [tilespmem:s16+$0xFFFFFFE0]  }
0x254: {  	v4 =	vadd.f32 v5, v4;
	v5 =	vmul.f32 v8, v7;
	v7 =	vld [tilespmem:s29+$0xFFFFFFF0]  }
0x255: {  	v12 =	vld [tilespmem:s16+$0xFFFFFFF0]  }
0x256: {  	v13 =	vadd.f32 v5, v4;
	v10 =	vmul.f32 v11, v10;
	v4 =	vld [tilespmem:s29+$0x0]  }
.Ltmp5:
0x257: {  	s29 =	sadd.s32 $0x140, s29;
	v5 =	vld [tilespmem:s16+$0x0];
	(pc) =	sbr.rel @p1 .LBB2_9-.Ltmp5, $4  }
0x258: {  	s16 =	sadd.s32 $0x140, s16;
	v8 =	vld [tilespmem:s29+$0xFFFFFED0];
	v11 =	vadd.f32 v10, v13;
	v6 =	vmul.f32 v9, v6  }
0x259: {  	v10 =	vld [tilespmem:s16+$0xFFFFFED0]  }
0x25a: {  	v9 =	vld [tilespmem:s29+$0xFFFFFEE0];
	v6 =	vadd.f32 v6, v11;
	v7 =	vmul.f32 v12, v7  }
0x25b: {  	s11 =	sadd.s32 $0x1, s11;
	v11 =	vld [tilespmem:s16+$0xFFFFFEE0]  }
0x25c: {  	v12 =	vld [tilespmem:s29+$0xFFFFFEF0]  }
0x25d: {  	v13 =	vld [tilespmem:s16+$0xFFFFFEF0]  }
0x25e: {  	v14 =	vld [tilespmem:s29+$0xFFFFFF00]  }
0x25f: {  	v15 =	vld [tilespmem:s16+$0xFFFFFF00]  }
0x260: {  	v56 =	vld [tilespmem:s29+$0xFFFFFF10];
	v8 =	vmul.f32 v10, v8;
	v9 =	vmul.f32 v11, v9  }
0x261: {  	v57 =	vld [tilespmem:s16+$0xFFFFFF10]  }
0x262: {  	v59 =	vld [tilespmem:s29+$0xFFFFFF20];
	v58 =	vmul.f32 v13, v12;
	v8 =	vadd.f32 v9, v8  }
0x263: {  	v60 =	vld [tilespmem:s16+$0xFFFFFF20]  }
0x264: {  	v62 =	vld [tilespmem:s29+$0xFFFFFF30];
	v61 =	vmul.f32 v15, v14;
	v8 =	vadd.f32 v58, v8  }
0x265: {  	v63 =	vld [tilespmem:s16+$0xFFFFFF30]  }
0x266: {  	v19 =	vld [tilespmem:s29+$0xFFFFFF40];
	v18 =	vmul.f32 v57, v56;
	v8 =	vadd.f32 v61, v8  }
0x267: {  	v20 =	vld [tilespmem:s16+$0xFFFFFF40]  }
0x268: {  	v22 =	vld [tilespmem:s29+$0xFFFFFF50];
	v21 =	vmul.f32 v60, v59;
	v8 =	vadd.f32 v18, v8  }
0x269: {  	v23 =	vld [tilespmem:s16+$0xFFFFFF50]  }
0x26a: {  	v25 =	vld [tilespmem:s29+$0xFFFFFF60];
	v24 =	vmul.f32 v63, v62;
	v8 =	vadd.f32 v21, v8  }
0x26b: {  	v26 =	vld [tilespmem:s16+$0xFFFFFF60]  }
0x26c: {  	v28 =	vld [tilespmem:s29+$0xFFFFFF70];
	v27 =	vmul.f32 v20, v19;
	v8 =	vadd.f32 v24, v8  }
0x26d: {  	v29 =	vld [tilespmem:s16+$0xFFFFFF70]  }
0x26e: {  	v31 =	vld [tilespmem:s29+$0xFFFFFF80];
	v30 =	vmul.f32 v23, v22;
	v8 =	vadd.f32 v27, v8  }
0x26f: {  	v32 =	vld [tilespmem:s16+$0xFFFFFF80]  }
0x270: {  	v34 =	vld [tilespmem:s29+$0xFFFFFF90];
	v33 =	vmul.f32 v26, v25;
	v8 =	vadd.f32 v30, v8  }
0x271: {  	v35 =	vld [tilespmem:s16+$0xFFFFFF90]  }
0x272: {  	v37 =	vld [tilespmem:s29+$0xFFFFFFA0];
	v36 =	vmul.f32 v29, v28;
	v8 =	vadd.f32 v33, v8  }
0x273: {  	v38 =	vld [tilespmem:s16+$0xFFFFFFA0]  }
0x274: {  	v40 =	vld [tilespmem:s29+$0xFFFFFFB0];
	v39 =	vmul.f32 v32, v31;
	v8 =	vadd.f32 v36, v8  }
0x275: {  	v41 =	vld [tilespmem:s16+$0xFFFFFFB0]  }
0x276: {  	v43 =	vld [tilespmem:s29+$0xFFFFFFC0];
	v42 =	vmul.f32 v35, v34;
	v8 =	vadd.f32 v39, v8  }
0x277: {  	v44 =	vld [tilespmem:s16+$0xFFFFFFC0]  }
0x278: {  	v46 =	vld [tilespmem:s29+$0xFFFFFFD0];
	v45 =	vmul.f32 v38, v37;
	v8 =	vadd.f32 v42, v8  }
0x279: {  	v47 =	vld [tilespmem:s16+$0xFFFFFFD0]  }
0x27a: {  	v49 =	vld [tilespmem:s29+$0xFFFFFFE0];
	v48 =	vmul.f32 v41, v40;
	v8 =	vadd.f32 v45, v8  }
0x27b: {  	v50 =	vld [tilespmem:s16+$0xFFFFFFE0]  }
0x27c: {  	v52 =	vld [tilespmem:s29+$0xFFFFFFF0];
	v51 =	vmul.f32 v44, v43;
	v8 =	vadd.f32 v48, v8  }
0x27d: {  	v53 =	vld [tilespmem:s16+$0xFFFFFFF0]  }
0x27e: {  	v55 =	vld [tilespmem:s29+$0x0];
	v54 =	vmul.f32 v47, v46;
	v8 =	vadd.f32 v51, v8  }
0x27f: {  	v56 =	vld [tilespmem:s16+$0x0]  }
0x280: {  	v57 =	vmul.f32 v50, v49;
	v8 =	vadd.f32 v54, v8;
	_ =	sdelay $0x1  }
0x281: {  	v58 =	vmul.f32 v53, v52;
	v8 =	vadd.f32 v57, v8  }
0x282: {  	v6 =	vadd.f32 v7, v6;
	v4 =	vmul.f32 v5, v4  }
0x283: {  	v60 =	vmul.f32 v56, v55;
	v59 =	vadd.f32 v58, v8  }
0x284: {  	v4 =	vadd.f32 v4, v6  }
0x285: {  	v5 =	vadd.f32 v60, v59  }
0x286: {  	v4 =	vmul.f32 v4, v1  }
0x287: {  	v5 =	vmul.f32 v5, v1  }
0x288: {  	(xrf2) =	vadd.scan.msk.f32 $0xffff, v4  }
0x289: {  	(xrf2) =	vadd.scan.msk.f32 $0xffff, v5;
	_ =	sdelay $0x8  }
0x28a: {  	v4, _, _ =	vpop (xrf2)  }
0x28b: {  	v61 =	vmov s26;
	v4 =	vbroadcast v4, $0xF;
	v62, _, _ =	vpop (xrf2)  }
0x28c: {  	v63 =	vmov s24;
	vm0 =	veq.s32 v61, v0;
	v6 =	vbroadcast v62, $0xF  }
.Ltmp6:
0x28d: {  	vm15 =	veq.s32 v63, v0;
	v3 =	vsel vm0, v4, v3;
	(pc) =	sbr.rel @p0 .LBB2_12-.Ltmp6, $3  }
0x28e: {  	v3 =	vsel vm15, v6, v3  }
0x28f: {  	v3 =	vadd.f32 v3, v2;
	_ =	sdelay $0x1  }
0x290: {  	[tilespmem:s22+$0xF050] =	vst v3  }
0x291: {  	s11 =	smul.u32 $0x500, s20;
	_ =	sdelay $0x1  }
0x292: {  	s16 =	sadd.s32 $0x780, s11  }
0x293: {  	[tilespmem:s2], [sflag:$0x2] =	stream.indirect.gather [hbm4b:s4+s13], $0x10, s16, s13, $0xb8;
	[tilespmem:$0xF220] =	vst v63  }
0x294: {  	s22 =	sadd.s32 $0x2F80, s11  }
0x295: {  	[tilespmem:s12], [sflag:$0x4] =	stream.indirect.gather [hbm4b:s5+s13], $0x10, s22, s13, $0xb8;
	[tilespmem:$0xF220] =	vst v63  }
0x296: {  	s24 =	sadd.s32 $0x800, s11  }
0x297: {  	[tilespmem:s15], [sflag:$0x2] =	stream.indirect.gather [hbm4b:s4+s13], $0x10, s24, s13, $0xb8;
	[tilespmem:$0xF220] =	vst v63  }
0x298: {  	s26 =	sadd.s32 $0x3000, s11  }
0x299: {  	[tilespmem:s17], [sflag:$0x4] =	stream.indirect.gather [hbm4b:s5+s13], $0x10, s26, s13, $0xb8;
	[tilespmem:$0xF220] =	vst v63  }
0x29a: {  	s29 =	sadd.s32 $0x880, s11  }
0x29b: {  	[tilespmem:s19], [sflag:$0x2] =	stream.indirect.gather [hbm4b:s4+s13], $0x10, s29, s13, $0xb8;
	[tilespmem:$0xF220] =	vst v63  }
0x29c: {  	s22 =	sadd.s32 $0x3080, s11  }
0x29d: {  	[tilespmem:s21], [sflag:$0x4] =	stream.indirect.gather [hbm4b:s5+s13], $0x10, s22, s13, $0xb8;
	[tilespmem:$0xF220] =	vst v63  }
0x29e: {  	s24 =	sadd.s32 $0x900, s11  }
0x29f: {  	[tilespmem:s23], [sflag:$0x2] =	stream.indirect.gather [hbm4b:s4+s13], $0x10, s24, s13, $0xb8;
	[tilespmem:$0xF220] =	vst v63  }
0x2a0: {  	s26 =	sadd.s32 $0x3100, s11  }
0x2a1: {  	[tilespmem:s25], [sflag:$0x4] =	stream.indirect.gather [hbm4b:s5+s13], $0x10, s26, s13, $0xb8;
	[tilespmem:$0xF220] =	vst v63  }
.Ltmp7:
0x2a2: {  	_ = 	snop;
	(pc) =	sbr.rel .LBB2_2-.Ltmp7, $4  }
0x2a3: {  	s29 =	sadd.s32 $0x980, s11  }
0x2a4: {  	[tilespmem:s28], [sflag:$0x2] =	stream.indirect.gather [hbm4b:s4+s13], $0x10, s29, s13, $0xb8;
	[tilespmem:$0xF220] =	vst v63  }
0x2a5: {  	s20 =	sadd.s32 $0x1, s20;
	s11 =	sadd.s32 $0x3180, s11  }
0x2a6: {  	[tilespmem:s30], [sflag:$0x4] =	stream.indirect.gather [hbm4b:s5+s13], $0x10, s11, s13, $0xb8;
	[tilespmem:$0xF220] =	vst v63  }
.LBB2_13:
0x2a7: {  	_ =	sfence.sel $0x180000  }
0x2a8: {  	[bflag:$0x0] =	sbarrier.arrive $0xFFFF  }
0x2a9: {  	_ =	strace $0x90000047  }
0x2aa: {  	s0 =	stileid.u32;
	[bflag:$0x2] =	sbarrier.arrive $0xFFFF  }
0x2ab: {  	p0 =	sne.s32 s0, $0x0;
	s0 =	rddreg [dreg:$0x5]  }
0x2ac: {  	s0 =	sadd.s32 @!p0 $0x100000, s0  }
0x2ad: {  	[sflag:s0] =	ssyncadd.tile.s32 @!p0 $0x1;
	_ =	shalt  }
.Lfunc_end2:
_tile_overlayer_lowered:
.L_overlay_start_2:
0x2ae: {  	(tag) =	ssettag $0x2  }
0x2af: {  	s0 =	rddreg [dreg:$0x0];
	s2 =	stileid.u32  }
0x2b0: {  	s1 =	rddreg [dreg:$0x1];
	p0 =	sne.s32 s2, $0x0  }
0x2b1: {  	s3 =	rddreg [dreg:$0x2];
	[bflag:$0x3] =	sbarrier.arrive $0xFFFF;
	s2 =	simm.s32 @!p0 $0x1C05  }
0x2b2: {  	[timem:s3], [sflag:s2] =	dma.local @!p0 [hbm:s0], s1  }
0x2b3: {  	s0 =	simm.s32 @!p0 $0x5  }
0x2b4: {  	_ =	swait.ge @!p0 [sflag:s0], s1  }
0x2b5: {  	s1 =	ssub.s32 @!p0 $0x0, s1;
	[sflag:s0] =	ssyncset.done @!p0 $0x0  }
0x2b6: {  	[sflag:s0] =	ssyncadd.s32 @!p0 s1  }
0x2b7: {  	[bflag:$0x3] =	sbarrier.arrive $0xFFFF  }
0x2b8: {  	_ =	shalt  }

</sc_bundles>
